<compile_context>
chip_gen: v7x
topology: tpu7x:2x2x1
jax: 0.10.2.dev20260603
libtpu: 0.0.44.dev20260713+nightly
codegen_flags: <defaults>
</compile_context>

<pallas_src>
import functools

import numpy as np
import jax
import jax.numpy as jnp
from jax import lax
from jax.experimental import pallas as pl
from jax.experimental.pallas import tpu as pltpu
from jax.experimental.pallas import tpu_sc as plsc

L = 16
F = 2
T = 1 << 19
N_MIN = 16
N_MAX = 2048
NPTS = 131072
_BG = float(np.exp((np.log(N_MAX) - np.log(N_MIN)) / (L - 1)))
RES = [int(np.floor(N_MIN * (_BG ** l))) for l in range(L)]
P2 = np.int32(2654435761 - (1 << 32))
P3 = np.int32(805459861)
MASK = np.int32(T - 1)

_info = plsc.get_sparse_core_info()
NC = _info.num_cores
NS = _info.num_subcores
NW = NC * NS
PPW = NPTS // NS
BLK = 128
NBLK = PPW // BLK
GRP = BLK // 16
NIDX = BLK * 8
STR = 512
NSTR = (NIDX * F) // STR


def _frac_parts(xyz, off, res):
    xv = xyz[0, pl.ds(off, 16)]
    yv = xyz[1, pl.ds(off, 16)]
    zv = xyz[2, pl.ds(off, 16)]
    xs = xv * res
    ys = yv * res
    zs = zv * res
    xi = xs.astype(jnp.int32)
    yi = ys.astype(jnp.int32)
    zi = zs.astype(jnp.int32)
    fx = xs - xi.astype(jnp.float32)
    fy = ys - yi.astype(jnp.float32)
    fz = zs - zi.astype(jnp.float32)
    return xi, yi, zi, fx, fy, fz


LVL_ELEMS = T * F
STAGE = LVL_ELEMS // 16


def _make_encoder():
    mesh = plsc.VectorSubcoreMesh(core_axis_name="c", subcore_axis_name="s")

    @functools.partial(
        pl.kernel,
        mesh=mesh,
        out_type=jax.ShapeDtypeStruct((2 * L, NPTS), jnp.float32),
        scratch_types=[
            pltpu.VMEM((3, PPW), jnp.float32),
            pltpu.VMEM((NIDX * F,), jnp.int32),
            pltpu.VMEM((NIDX * F,), jnp.int32),
            pltpu.VMEM((NIDX * F,), jnp.float32),
            pltpu.VMEM((NIDX * F,), jnp.float32),
            pltpu.VMEM((2, PPW), jnp.float32),
            pltpu.VMEM_SHARED((LVL_ELEMS,), jnp.float32),
            pltpu.SemaphoreType.DMA,
            pltpu.SemaphoreType.DMA,
            pltpu.SemaphoreType.DMA,
        ],
    )
    def enc(xt, tabs, out, xyz, ib0, ib1, fb0, fb1, obl, spm,
            sema, semb, semc):
        cid = lax.axis_index("c")
        sid = lax.axis_index("s")
        col0 = sid * PPW
        pltpu.sync_copy(xt.at[:, pl.ds(col0, PPW)], xyz)

        def bcast16(l):
            lv = jnp.zeros((16,), jnp.int32) + l
            r = jnp.zeros((16,), jnp.float32)
            for k in range(L):
                r = jnp.where(lv == k, jnp.float32(RES[k]), r)
            return r

        def parts(b, g, res):
            off = b * BLK + g * 16
            xv = xyz[0, pl.ds(off, 16)]
            yv = xyz[1, pl.ds(off, 16)]
            zv = xyz[2, pl.ds(off, 16)]
            xs = xv * res
            ys = yv * res
            zs = zv * res
            xi = xs.astype(jnp.int32)
            yi = ys.astype(jnp.int32)
            zi = zs.astype(jnp.int32)
            fx = xs - xi.astype(jnp.float32)
            fy = ys - yi.astype(jnp.float32)
            fz = zs - zi.astype(jnp.float32)
            return xi, yi, zi, fx, fy, fz

        def hash_blk(b, res, ib):
            def g_body(g, carry):
                xi, yi, zi, fx, fy, fz = parts(b, g, res)
                hy0 = yi * P2
                hy1 = hy0 + P2
                hz0 = zi * P3
                hz1 = hz0 + P3
                e00 = hy0 ^ hz0
                e01 = hy0 ^ hz1
                e10 = hy1 ^ hz0
                e11 = hy1 ^ hz1
                x1 = xi + 1
                hs = (xi ^ e00, xi ^ e01, xi ^ e10, xi ^ e11,
                      x1 ^ e00, x1 ^ e01, x1 ^ e10, x1 ^ e11)
                base = g * 128
                for c in range(8):
                    t = hs[c] & MASK
                    d = ((t >> 7) << 8) | (t & 127)
                    ib[pl.ds(base + c * 16, 16)] = d
                    ib[pl.ds(NIDX + base + c * 16, 16)] = d + 128
                return carry

            lax.fori_loop(0, GRP, g_body, None)

        def fire(ib, fb, sem):
            for j in range(NSTR):
                pltpu.async_copy(spm.at[ib.at[pl.ds(j * STR, STR)]],
                                 fb.at[pl.ds(j * STR, STR)], sem)

        def drain_fb(fb, sem):
            pltpu.make_async_copy(tabs.at[pl.ds(0, NIDX * F)], fb, sem).wait()

        def interp(b, res, fb):
            def g_body(g, carry):
                _, _, _, fx, fy, fz = parts(b, g, res)
                wx0 = 1.0 - fx
                wy0 = 1.0 - fy
                wz0 = 1.0 - fz
                wxy = (wx0 * wy0, wx0 * fy, fx * wy0, fx * fy)
                acc0 = jnp.zeros((16,), jnp.float32)
                acc1 = jnp.zeros((16,), jnp.float32)
                base = g * 128
                for c in range(8):
                    w = wxy[c >> 1] * (fz if (c & 1) else wz0)
                    f0 = fb[pl.ds(base + c * 16, 16)]
                    f1 = fb[pl.ds(NIDX + base + c * 16, 16)]
                    acc0 = acc0 + w * f0
                    acc1 = acc1 + w * f1
                off = b * BLK + g * 16
                obl[0, pl.ds(off, 16)] = acc0
                obl[1, pl.ds(off, 16)] = acc1
                return carry

            lax.fori_loop(0, GRP, g_body, None)

        def level(l, carry):
            la = cid * (L // 2) + l
            plsc.subcore_barrier()
            pltpu.sync_copy(
                tabs.at[pl.ds(la * LVL_ELEMS + sid * STAGE, STAGE)],
                spm.at[pl.ds(sid * STAGE, STAGE)])
            plsc.subcore_barrier()
            res = bcast16(la)

            @pl.when(l > 0)
            def _():
                pltpu.make_async_copy(
                    out.at[pl.ds(0, 2), pl.ds(0, PPW)], obl, semc).wait()

            hash_blk(0, res, ib0)
            fire(ib0, fb0, sema)

            def super_body(k, carry2):
                hash_blk(2 * k + 1, res, ib1)
                fire(ib1, fb1, semb)
                drain_fb(fb0, sema)
                interp(2 * k, res, fb0)
                hash_blk(2 * k + 2, res, ib0)
                fire(ib0, fb0, sema)
                drain_fb(fb1, semb)
                interp(2 * k + 1, res, fb1)
                return carry2

            lax.fori_loop(0, NBLK // 2 - 1, super_body, None)
            hash_blk(NBLK - 1, res, ib1)
            fire(ib1, fb1, semb)
            drain_fb(fb0, sema)
            interp(NBLK - 2, res, fb0)
            drain_fb(fb1, semb)
            interp(NBLK - 1, res, fb1)
            pltpu.async_copy(
                obl, out.at[pl.ds(2 * la, 2), pl.ds(col0, PPW)], semc)
            return carry

        lax.fori_loop(0, L // 2, level, None)
        pltpu.make_async_copy(
            out.at[pl.ds(0, 2), pl.ds(0, PPW)], obl, semc).wait()

    return enc


_encode = _make_encoder()

TB = 4096


def _dot(a, b):
    return lax.dot_general(a, b, (((1,), (0,)), ((), ())),
                           preferred_element_type=jnp.float32)


def _mlp_body(f_ref, vt_ref, w1t_ref, b1_ref, w2t_ref, b2_ref, rwxt_ref,
              emat_ref, rwvt_ref, rwst_ref, rwct_ref, rb1_ref, rw2t_ref,
              rb2_ref, rw3t_ref, rb3_ref, sig_ref, rgb_ref):
    f = f_ref[...]
    h1 = jnp.maximum(_dot(w1t_ref[...], f) + b1_ref[...], 0.0)
    out = _dot(w2t_ref[...], h1) + b2_ref[...]
    sig_ref[...] = out[0:1, :]

    vt = vt_ref[...]
    v12 = _dot(emat_ref[...], vt)
    r = _dot(rwxt_ref[...], out) + rb1_ref[...]
    r = r + _dot(rwvt_ref[...], vt)
    r = r + _dot(rwst_ref[...], jnp.sin(v12))
    r = r + _dot(rwct_ref[...], jnp.cos(v12))
    h = jnp.maximum(r, 0.0)
    h = jnp.maximum(_dot(rw2t_ref[...], h) + rb2_ref[...], 0.0)
    o = _dot(rw3t_ref[...], h) + rb3_ref[...]
    rgb_ref[...] = 1.0 / (1.0 + jnp.exp(-o))


def _full(shape):
    return pl.BlockSpec(shape, lambda i: (0, 0))


_mlp = pl.pallas_call(
    _mlp_body,
    grid=(NPTS // TB,),
    in_specs=[
        pl.BlockSpec((2 * L, TB), lambda i: (0, i)),
        pl.BlockSpec((3, TB), lambda i: (0, i)),
        _full((64, 2 * L)),
        _full((64, 1)),
        _full((16, 64)),
        _full((16, 1)),
        _full((64, 16)),
        _full((12, 3)),
        _full((64, 3)),
        _full((64, 12)),
        _full((64, 12)),
        _full((64, 1)),
        _full((64, 64)),
        _full((64, 1)),
        _full((3, 64)),
        _full((3, 1)),
    ],
    out_specs=[
        pl.BlockSpec((1, TB), lambda i: (0, i)),
        pl.BlockSpec((3, TB), lambda i: (0, i)),
    ],
    out_shape=[
        jax.ShapeDtypeStruct((1, NPTS), jnp.float32),
        jax.ShapeDtypeStruct((3, NPTS), jnp.float32),
    ],
)

_SIN_ROWS = np.array([3 + 6 * k + d for k in range(4) for d in range(3)])
_COS_ROWS = _SIN_ROWS + 3
_EMAT = np.zeros((12, 3), np.float32)
for _k in range(4):
    for _d in range(3):
        _EMAT[3 * _k + _d, _d] = float(2.0 ** _k)


def kernel(x, v, tables, sw1, sb1, sw2, sb2, rw1, rb1, rw2, rb2, rw3, rb3):
    xt = x.T
    tabs = tables.reshape(L, T // 128, 128, F).transpose(0, 1, 3, 2).reshape(-1)
    feats = _encode(xt, tabs)
    rwx = jnp.concatenate(
        [jnp.zeros((1, 64), jnp.float32), rw1[27:42, :]], axis=0)
    sig, rgbt = _mlp(
        feats, v.T, sw1.T, sb1.reshape(-1, 1), sw2.T, sb2.reshape(-1, 1),
        rwx.T, jnp.asarray(_EMAT), rw1[0:3, :].T,
        jnp.take(rw1, _SIN_ROWS, axis=0).T,
        jnp.take(rw1, _COS_ROWS, axis=0).T,
        rb1.reshape(-1, 1), rw2.T, rb2.reshape(-1, 1), rw3.T,
        rb3.reshape(-1, 1))
    return sig.reshape(-1), rgbt.T

# --- scband reference (transcript-rebuilt; emitter-appended) ---
"""Pipeline reference for scband-lo-tdne-rf-23854248362330 (READ-ONLY COPY).

The authoritative reference and input builder live on the scoring server;
editing this copy changes nothing except your own understanding.
"""

import jax, jax.numpy as jnp
import numpy as np

L = 16
F = 2
T = 1 << 19
N_MIN = 16
N_MAX = 2048
N_PTS = 131072
B_GROWTH = float(np.exp((np.log(N_MAX) - np.log(N_MIN)) / (L - 1)))
RES = [int(np.floor(N_MIN * (B_GROWTH ** l))) for l in range(L)]
OFFS = np.array([[i, j, k] for i in (0, 1) for j in (0, 1) for k in (0, 1)], dtype=np.int32)
P1 = np.uint32(1)
P2 = np.uint32(2654435761)
P3 = np.uint32(805459861)


def hash_grid_encode(x, tables):
    # x: [N,3] in [0,1]; tables: [L,T,F]. Multi-res hash grid w/ trilinear interp (LoTD/NGP style).
    feats_all = []
    for l in range(L):
        xs = x * RES[l]
        x0 = jnp.floor(xs)
        frac = xs - x0
        corners = x0.astype(jnp.int32)[:, None, :] + OFFS[None, :, :]  # [N,8,3]
        cu = corners.astype(jnp.uint32)
        h = (cu[..., 0] * P1) ^ (cu[..., 1] * P2) ^ (cu[..., 2] * P3)
        idx = (h & jnp.uint32(T - 1)).astype(jnp.int32)  # [N,8]
        feats = tables[l][idx]  # [N,8,F] gather
        wsel = jnp.where(OFFS[None, :, :] == 1, frac[:, None, :], 1.0 - frac[:, None, :])
        w = jnp.prod(wsel, axis=-1)  # [N,8]
        feats_all.append(jnp.sum(w[..., None] * feats, axis=1))
    return jnp.concatenate(feats_all, axis=-1)  # [N, L*F]


def dir_embed(v):
    outs = [v]
    for k in range(4):
        outs.append(jnp.sin((2.0 ** k) * v))
        outs.append(jnp.cos((2.0 ** k) * v))
    return jnp.concatenate(outs, axis=-1)  # [N, 27]


def setup_inputs(seed: int = 0):
    key = jax.random.key(seed)
    ks = jax.random.split(key, 12)
    x = jax.random.uniform(ks[0], (N_PTS, 3), dtype=jnp.float32)
    v = jax.random.normal(ks[1], (N_PTS, 3), dtype=jnp.float32)
    v = v / (jnp.linalg.norm(v, axis=-1, keepdims=True) + 1e-6)
    tables = jax.random.uniform(ks[2], (L, T, F), minval=-1e-4, maxval=1e-4, dtype=jnp.float32)
    d_enc = L * F  # 32
    sw1 = jax.random.normal(ks[3], (d_enc, 64), dtype=jnp.float32) * (1.0 / np.sqrt(d_enc))
    sb1 = jnp.zeros((64,), dtype=jnp.float32)
    sw2 = jax.random.normal(ks[4], (64, 16), dtype=jnp.float32) * (1.0 / np.sqrt(64.0))
    sb2 = jnp.zeros((16,), dtype=jnp.float32)
    d_rgb_in = 27 + 15  # dir embed + n_rgb_used_output extra feats
    rw1 = jax.random.normal(ks[5], (d_rgb_in, 64), dtype=jnp.float32) * (1.0 / np.sqrt(d_rgb_in))
    rb1 = jnp.zeros((64,), dtype=jnp.float32)
    rw2 = jax.random.normal(ks[6], (64, 64), dtype=jnp.float32) * (1.0 / np.sqrt(64.0))
    rb2 = jnp.zeros((64,), dtype=jnp.float32)
    rw3 = jax.random.normal(ks[7], (64, 3), dtype=jnp.float32) * (1.0 / np.sqrt(64.0))
    rb3 = jnp.zeros((3,), dtype=jnp.float32)
    return {"x": x, "v": v, "tables": tables, "sw1": sw1, "sb1": sb1, "sw2": sw2, "sb2": sb2,
            "rw1": rw1, "rb1": rb1, "rw2": rw2, "rb2": rb2, "rw3": rw3, "rb3": rb3}


def reference(x, v, tables, sw1, sb1, sw2, sb2, rw1, rb1, rw2, rb2, rw3, rb3):
    h = hash_grid_encode(x, tables)                     # encoding(x)
    out = jax.nn.relu(h @ sw1 + sb1) @ sw2 + sb2        # sigma_decoder -> [N, 1+15]
    sigma = out[:, 0]
    h_extra = out[:, 1:]                                # is_extrafeat_from_output=True path
    rin = jnp.concatenate([dir_embed(v), h_extra], axis=-1)
    hh = jax.nn.relu(rin @ rw1 + rb1)
    hh = jax.nn.relu(hh @ rw2 + rb2)
    rgb = jax.nn.sigmoid(hh @ rw3 + rb3)                # rgb_decoder radiances
    return sigma, rgb

if __name__ == "__main__":
    import jax
    _d = setup_inputs()
    print(jax.jit(kernel)(*tuple(_d.values())))

</pallas_src>

<mosaic_0001>
#map = affine_map<(d0, d1) -> (0, 0)>
#map1 = affine_map<(d0, d1) -> (0)>
module attributes {stable_mosaic.version = 14 : i64} {
  func.func @enc(%arg0: i32, %arg1: i32, %arg2: memref<3x131072xf32, #tpu.memory_space<hbm>>, %arg3: memref<16777216xf32, #tpu.memory_space<hbm>>, %arg4: memref<32x131072xf32, #tpu.memory_space<hbm>>, %arg5: memref<3x8192xf32, #tpu.memory_space<vmem>>, %arg6: memref<2048xi32, #tpu.memory_space<vmem>>, %arg7: memref<2048xi32, #tpu.memory_space<vmem>>, %arg8: memref<2048xf32, #tpu.memory_space<vmem>>, %arg9: memref<2048xf32, #tpu.memory_space<vmem>>, %arg10: memref<2x8192xf32, #tpu.memory_space<vmem>>, %arg11: memref<1048576xf32, #tpu.memory_space<vmem_shared>>, %arg12: memref<!tpu.dma_semaphore, #tpu.memory_space<semaphore_mem>>, %arg13: memref<!tpu.dma_semaphore, #tpu.memory_space<semaphore_mem>>, %arg14: memref<!tpu.dma_semaphore, #tpu.memory_space<semaphore_mem>>) attributes {dimension_semantics = [#tpu.dimension_semantics<core_parallel>, #tpu.dimension_semantics<subcore_parallel>], iteration_bounds = array<i64: 2, 16>, scalar_prefetch = 0 : i64, scratch_operands = 10 : i64, tpu.core_type = #tpu.core_type<sc_vector_subcore>, window_params = [{transform_indices = #map}, {transform_indices = #map1}, {transform_indices = #map}]} {
    %mul3A = arith.constant 8192 : i32
    %mul3A_0 = arith.muli %arg1, %mul3A : i32
    "tpu.region"() ({
      %run_scoped3A = tpu.sem_alloc : memref<!tpu.dma_semaphore, #tpu.memory_space<semaphore_mem>>
      %dma_start3A = arith.constant 0 : i32
      %dma_start3A_10 = tpu.memref_slice %arg2[%dma_start3A, %mul3A_0] : memref<3x131072xf32, #tpu.memory_space<hbm>> -> memref<3x8192xf32, #tpu.memory_space<hbm>>
      %dma_start3A_11 = arith.constant 0 : i32
      %dma_start3A_12 = tpu.memref_slice %arg2[%dma_start3A_11, %mul3A_0] : memref<3x131072xf32, #tpu.memory_space<hbm>> -> memref<3x8192xf32, #tpu.memory_space<hbm>>
      tpu.enqueue_dma source(%dma_start3A_12 : memref<3x8192xf32, #tpu.memory_space<hbm>>) target(%arg5 : memref<3x8192xf32, #tpu.memory_space<vmem>>) target_semaphore(%run_scoped3A : memref<!tpu.dma_semaphore, #tpu.memory_space<semaphore_mem>>)
      %dma_wait3A_13 = arith.constant 0 : i32
      %dma_wait3A_14 = tpu.memref_slice %arg2[%dma_wait3A_13, %mul3A_0] : memref<3x131072xf32, #tpu.memory_space<hbm>> -> memref<3x8192xf32, #tpu.memory_space<hbm>>
      %dma_wait3A_15 = arith.constant 0 : i32
      %dma_wait3A_16 = tpu.memref_slice %arg2[%dma_wait3A_15, %mul3A_0] : memref<3x131072xf32, #tpu.memory_space<hbm>> -> memref<3x8192xf32, #tpu.memory_space<hbm>>
      tpu.wait_dma2 semaphore(%run_scoped3A : memref<!tpu.dma_semaphore, #tpu.memory_space<semaphore_mem>>) src(%dma_wait3A_16 : memref<3x8192xf32, #tpu.memory_space<hbm>>) dst(%arg5 : memref<3x8192xf32, #tpu.memory_space<vmem>>)
      tpu.yield
    }) : () -> ()
    %scan3A = arith.constant 0 : i32
    %scan3A_1 = arith.constant 8 : i32
    %scan3A_2 = arith.addi %scan3A, %scan3A_1 : i32
    %scan3A_3 = arith.constant 1 : i32
    scf.for %scan3A_10 = %scan3A to %scan3A_2 step %scan3A_3  : i32 {
      %mul3A_11 = arith.constant 8 : i32
      %mul3A_12 = arith.muli %arg0, %mul3A_11 : i32
      %add3A = arith.addi %mul3A_12, %scan3A_10 : i32
      %barrier3A = arith.constant 0 : index
      tpu.barrier barrier_id(%barrier3A)
      %mul3A_13 = arith.constant 1048576 : i32
      %mul3A_14 = arith.muli %add3A, %mul3A_13 : i32
      %mul3A_15 = arith.constant 65536 : i32
      %mul3A_16 = arith.muli %arg1, %mul3A_15 : i32
      %add3A_17 = arith.addi %mul3A_14, %mul3A_16 : i32
      %mul3A_18 = arith.constant 65536 : i32
      %mul3A_19 = arith.muli %arg1, %mul3A_18 : i32
      "tpu.region"() ({
        %run_scoped3A = tpu.sem_alloc : memref<!tpu.dma_semaphore, #tpu.memory_space<semaphore_mem>>
        %dma_start3A_205 = tpu.memref_slice %arg11[%mul3A_19] : memref<1048576xf32, #tpu.memory_space<vmem_shared>> -> memref<65536xf32, #tpu.memory_space<vmem_shared>>
        %dma_start3A_206 = tpu.memref_slice %arg3[%add3A_17] : memref<16777216xf32, #tpu.memory_space<hbm>> -> memref<65536xf32, #tpu.memory_space<hbm>>
        tpu.enqueue_dma source(%dma_start3A_206 : memref<65536xf32, #tpu.memory_space<hbm>>) target(%dma_start3A_205 : memref<65536xf32, #tpu.memory_space<vmem_shared>>) target_semaphore(%run_scoped3A : memref<!tpu.dma_semaphore, #tpu.memory_space<semaphore_mem>>)
        %dma_wait3A_207 = tpu.memref_slice %arg11[%mul3A_19] : memref<1048576xf32, #tpu.memory_space<vmem_shared>> -> memref<65536xf32, #tpu.memory_space<vmem_shared>>
        %dma_wait3A_208 = tpu.memref_slice %arg3[%add3A_17] : memref<16777216xf32, #tpu.memory_space<hbm>> -> memref<65536xf32, #tpu.memory_space<hbm>>
        tpu.wait_dma2 semaphore(%run_scoped3A : memref<!tpu.dma_semaphore, #tpu.memory_space<semaphore_mem>>) src(%dma_wait3A_208 : memref<65536xf32, #tpu.memory_space<hbm>>) dst(%dma_wait3A_207 : memref<65536xf32, #tpu.memory_space<vmem_shared>>)
        tpu.yield
      }) : () -> ()
      %barrier3A_20 = arith.constant 0 : index
      tpu.barrier barrier_id(%barrier3A_20)
      %broadcast_in_dim3A = arith.constant 0 : i32
      %broadcast_in_dim3A_21 = vector.broadcast %broadcast_in_dim3A : i32 to vector<16xi32>
      %add3A_22 = vector.broadcast %add3A : i32 to vector<16xi32>
      %add3A_23 = arith.addi %broadcast_in_dim3A_21, %add3A_22 : vector<16xi32>
      %broadcast_in_dim3A_24 = arith.constant 0.000000e+00 : f32
      %broadcast_in_dim3A_25 = vector.broadcast %broadcast_in_dim3A_24 : f32 to vector<16xf32>
      %eq3A = arith.constant 0 : i32
      %eq3A_26 = vector.broadcast %eq3A : i32 to vector<16xi32>
      %eq3A_27 = arith.cmpi eq, %add3A_23, %eq3A_26 : vector<16xi32>
      %jit3A = arith.constant 1.600000e+01 : f32
      %broadcast_in_dim3A_28 = vector.broadcast %jit3A : f32 to vector<16xf32>
      %select_n3A = arith.select %eq3A_27, %broadcast_in_dim3A_28, %broadcast_in_dim3A_25 : vector<16xi1>, vector<16xf32>
      %eq3A_29 = arith.constant 1 : i32
      %eq3A_30 = vector.broadcast %eq3A_29 : i32 to vector<16xi32>
      %eq3A_31 = arith.cmpi eq, %add3A_23, %eq3A_30 : vector<16xi32>
      %jit3A_32 = arith.constant 2.200000e+01 : f32
      %broadcast_in_dim3A_33 = vector.broadcast %jit3A_32 : f32 to vector<16xf32>
      %select_n3A_34 = arith.select %eq3A_31, %broadcast_in_dim3A_33, %select_n3A : vector<16xi1>, vector<16xf32>
      %eq3A_35 = arith.constant 2 : i32
      %eq3A_36 = vector.broadcast %eq3A_35 : i32 to vector<16xi32>
      %eq3A_37 = arith.cmpi eq, %add3A_23, %eq3A_36 : vector<16xi32>
      %jit3A_38 = arith.constant 3.000000e+01 : f32
      %broadcast_in_dim3A_39 = vector.broadcast %jit3A_38 : f32 to vector<16xf32>
      %select_n3A_40 = arith.select %eq3A_37, %broadcast_in_dim3A_39, %select_n3A_34 : vector<16xi1>, vector<16xf32>
      %eq3A_41 = arith.constant 3 : i32
      %eq3A_42 = vector.broadcast %eq3A_41 : i32 to vector<16xi32>
      %eq3A_43 = arith.cmpi eq, %add3A_23, %eq3A_42 : vector<16xi32>
      %jit3A_44 = arith.constant 4.200000e+01 : f32
      %broadcast_in_dim3A_45 = vector.broadcast %jit3A_44 : f32 to vector<16xf32>
      %select_n3A_46 = arith.select %eq3A_43, %broadcast_in_dim3A_45, %select_n3A_40 : vector<16xi1>, vector<16xf32>
      %eq3A_47 = arith.constant 4 : i32
      %eq3A_48 = vector.broadcast %eq3A_47 : i32 to vector<16xi32>
      %eq3A_49 = arith.cmpi eq, %add3A_23, %eq3A_48 : vector<16xi32>
      %jit3A_50 = arith.constant 5.800000e+01 : f32
      %broadcast_in_dim3A_51 = vector.broadcast %jit3A_50 : f32 to vector<16xf32>
      %select_n3A_52 = arith.select %eq3A_49, %broadcast_in_dim3A_51, %select_n3A_46 : vector<16xi1>, vector<16xf32>
      %eq3A_53 = arith.constant 5 : i32
      %eq3A_54 = vector.broadcast %eq3A_53 : i32 to vector<16xi32>
      %eq3A_55 = arith.cmpi eq, %add3A_23, %eq3A_54 : vector<16xi32>
      %jit3A_56 = arith.constant 8.000000e+01 : f32
      %broadcast_in_dim3A_57 = vector.broadcast %jit3A_56 : f32 to vector<16xf32>
      %select_n3A_58 = arith.select %eq3A_55, %broadcast_in_dim3A_57, %select_n3A_52 : vector<16xi1>, vector<16xf32>
      %eq3A_59 = arith.constant 6 : i32
      %eq3A_60 = vector.broadcast %eq3A_59 : i32 to vector<16xi32>
      %eq3A_61 = arith.cmpi eq, %add3A_23, %eq3A_60 : vector<16xi32>
      %jit3A_62 = arith.constant 1.110000e+02 : f32
      %broadcast_in_dim3A_63 = vector.broadcast %jit3A_62 : f32 to vector<16xf32>
      %select_n3A_64 = arith.select %eq3A_61, %broadcast_in_dim3A_63, %select_n3A_58 : vector<16xi1>, vector<16xf32>
      %eq3A_65 = arith.constant 7 : i32
      %eq3A_66 = vector.broadcast %eq3A_65 : i32 to vector<16xi32>
      %eq3A_67 = arith.cmpi eq, %add3A_23, %eq3A_66 : vector<16xi32>
      %jit3A_68 = arith.constant 1.530000e+02 : f32
      %broadcast_in_dim3A_69 = vector.broadcast %jit3A_68 : f32 to vector<16xf32>
      %select_n3A_70 = arith.select %eq3A_67, %broadcast_in_dim3A_69, %select_n3A_64 : vector<16xi1>, vector<16xf32>
      %eq3A_71 = arith.constant 8 : i32
      %eq3A_72 = vector.broadcast %eq3A_71 : i32 to vector<16xi32>
      %eq3A_73 = arith.cmpi eq, %add3A_23, %eq3A_72 : vector<16xi32>
      %jit3A_74 = arith.constant 2.120000e+02 : f32
      %broadcast_in_dim3A_75 = vector.broadcast %jit3A_74 : f32 to vector<16xf32>
      %select_n3A_76 = arith.select %eq3A_73, %broadcast_in_dim3A_75, %select_n3A_70 : vector<16xi1>, vector<16xf32>
      %eq3A_77 = arith.constant 9 : i32
      %eq3A_78 = vector.broadcast %eq3A_77 : i32 to vector<16xi32>
      %eq3A_79 = arith.cmpi eq, %add3A_23, %eq3A_78 : vector<16xi32>
      %jit3A_80 = arith.constant 2.940000e+02 : f32
      %broadcast_in_dim3A_81 = vector.broadcast %jit3A_80 : f32 to vector<16xf32>
      %select_n3A_82 = arith.select %eq3A_79, %broadcast_in_dim3A_81, %select_n3A_76 : vector<16xi1>, vector<16xf32>
      %eq3A_83 = arith.constant 10 : i32
      %eq3A_84 = vector.broadcast %eq3A_83 : i32 to vector<16xi32>
      %eq3A_85 = arith.cmpi eq, %add3A_23, %eq3A_84 : vector<16xi32>
      %jit3A_86 = arith.constant 4.060000e+02 : f32
      %broadcast_in_dim3A_87 = vector.broadcast %jit3A_86 : f32 to vector<16xf32>
      %select_n3A_88 = arith.select %eq3A_85, %broadcast_in_dim3A_87, %select_n3A_82 : vector<16xi1>, vector<16xf32>
      %eq3A_89 = arith.constant 11 : i32
      %eq3A_90 = vector.broadcast %eq3A_89 : i32 to vector<16xi32>
      %eq3A_91 = arith.cmpi eq, %add3A_23, %eq3A_90 : vector<16xi32>
      %jit3A_92 = arith.constant 5.610000e+02 : f32
      %broadcast_in_dim3A_93 = vector.broadcast %jit3A_92 : f32 to vector<16xf32>
      %select_n3A_94 = arith.select %eq3A_91, %broadcast_in_dim3A_93, %select_n3A_88 : vector<16xi1>, vector<16xf32>
      %eq3A_95 = arith.constant 12 : i32
      %eq3A_96 = vector.broadcast %eq3A_95 : i32 to vector<16xi32>
      %eq3A_97 = arith.cmpi eq, %add3A_23, %eq3A_96 : vector<16xi32>
      %jit3A_98 = arith.constant 7.760000e+02 : f32
      %broadcast_in_dim3A_99 = vector.broadcast %jit3A_98 : f32 to vector<16xf32>
      %select_n3A_100 = arith.select %eq3A_97, %broadcast_in_dim3A_99, %select_n3A_94 : vector<16xi1>, vector<16xf32>
      %eq3A_101 = arith.constant 13 : i32
      %eq3A_102 = vector.broadcast %eq3A_101 : i32 to vector<16xi32>
      %eq3A_103 = arith.cmpi eq, %add3A_23, %eq3A_102 : vector<16xi32>
      %jit3A_104 = arith.constant 1.072000e+03 : f32
      %broadcast_in_dim3A_105 = vector.broadcast %jit3A_104 : f32 to vector<16xf32>
      %select_n3A_106 = arith.select %eq3A_103, %broadcast_in_dim3A_105, %select_n3A_100 : vector<16xi1>, vector<16xf32>
      %eq3A_107 = arith.constant 14 : i32
      %eq3A_108 = vector.broadcast %eq3A_107 : i32 to vector<16xi32>
      %eq3A_109 = arith.cmpi eq, %add3A_23, %eq3A_108 : vector<16xi32>
      %jit3A_110 = arith.constant 1.482000e+03 : f32
      %broadcast_in_dim3A_111 = vector.broadcast %jit3A_110 : f32 to vector<16xf32>
      %select_n3A_112 = arith.select %eq3A_109, %broadcast_in_dim3A_111, %select_n3A_106 : vector<16xi1>, vector<16xf32>
      %eq3A_113 = arith.constant 15 : i32
      %eq3A_114 = vector.broadcast %eq3A_113 : i32 to vector<16xi32>
      %eq3A_115 = arith.cmpi eq, %add3A_23, %eq3A_114 : vector<16xi32>
      %jit3A_116 = arith.constant 2.048000e+03 : f32
      %broadcast_in_dim3A_117 = vector.broadcast %jit3A_116 : f32 to vector<16xf32>
      %select_n3A_118 = arith.select %eq3A_115, %broadcast_in_dim3A_117, %select_n3A_112 : vector<16xi1>, vector<16xf32>
      %gt3A = arith.constant 0 : i32
      %gt3A_119 = arith.cmpi sgt, %scan3A_10, %gt3A : i32
      %convert_element_type3A = arith.extui %gt3A_119 : i1 to i32
      %cond3A = arith.constant 0 : i32
      %cond3A_120 = arith.cmpi ne, %convert_element_type3A, %cond3A : i32
      scf.if %cond3A_120 {
        %dma_wait3A_205 = arith.constant 0 : i32
        %dma_wait3A_206 = arith.constant 0 : i32
        %dma_wait3A_207 = tpu.memref_slice %arg4[%dma_wait3A_205, %dma_wait3A_206] : memref<32x131072xf32, #tpu.memory_space<hbm>> -> memref<2x8192xf32, #tpu.memory_space<hbm>>
        %dma_wait3A_208 = arith.constant 0 : i32
        %dma_wait3A_209 = arith.constant 0 : i32
        %dma_wait3A_210 = tpu.memref_slice %arg4[%dma_wait3A_208, %dma_wait3A_209] : memref<32x131072xf32, #tpu.memory_space<hbm>> -> memref<2x8192xf32, #tpu.memory_space<hbm>>
        tpu.wait_dma2 semaphore(%arg14 : memref<!tpu.dma_semaphore, #tpu.memory_space<semaphore_mem>>) src(%dma_wait3A_210 : memref<2x8192xf32, #tpu.memory_space<hbm>>) dst(%arg10 : memref<2x8192xf32, #tpu.memory_space<vmem>>)
      } else {
      }
      %scan3A_121 = arith.constant 0 : i32
      %scan3A_122 = arith.constant 8 : i32
      %scan3A_123 = arith.addi %scan3A_121, %scan3A_122 : i32
      %scan3A_124 = arith.constant 1 : i32
      scf.for %scan3A_205 = %scan3A_121 to %scan3A_123 step %scan3A_124  : i32 {
        %mul3A_206 = arith.constant 16 : i32
        %mul3A_207 = arith.muli %scan3A_205, %mul3A_206 : i32
        %add3A_208 = arith.constant 0 : i32
        %add3A_209 = arith.addi %add3A_208, %mul3A_207 : i32
        %get3A = arith.constant 0 : i32
        %get3A_210 = arith.index_cast %get3A : i32 to index
        %get3A_211 = arith.index_cast %add3A_209 : i32 to index
        %get3A_212 = tpu.vector_load %arg5[%get3A_210, %get3A_211] {strides = array<i32>} : memref<3x8192xf32, #tpu.memory_space<vmem>>, vector<1x16xf32>,
        %get3A_213 = vector.shape_cast %get3A_212 : vector<1x16xf32> to vector<16xf32>
        %get3A_214 = arith.constant 1 : i32
        %get3A_215 = arith.index_cast %get3A_214 : i32 to index
        %get3A_216 = arith.index_cast %add3A_209 : i32 to index
        %get3A_217 = tpu.vector_load %arg5[%get3A_215, %get3A_216] {strides = array<i32>} : memref<3x8192xf32, #tpu.memory_space<vmem>>, vector<1x16xf32>,
        %get3A_218 = vector.shape_cast %get3A_217 : vector<1x16xf32> to vector<16xf32>
        %get3A_219 = arith.constant 2 : i32
        %get3A_220 = arith.index_cast %get3A_219 : i32 to index
        %get3A_221 = arith.index_cast %add3A_209 : i32 to index
        %get3A_222 = tpu.vector_load %arg5[%get3A_220, %get3A_221] {strides = array<i32>} : memref<3x8192xf32, #tpu.memory_space<vmem>>, vector<1x16xf32>,
        %get3A_223 = vector.shape_cast %get3A_222 : vector<1x16xf32> to vector<16xf32>
        %mul3A_224 = arith.mulf %get3A_213, %select_n3A_118 : vector<16xf32>
        %mul3A_225 = arith.mulf %get3A_218, %select_n3A_118 : vector<16xf32>
        %mul3A_226 = arith.mulf %get3A_223, %select_n3A_118 : vector<16xf32>
        %convert_element_type3A_227 = arith.fptosi %mul3A_224 : vector<16xf32> to vector<16xi32>
        %convert_element_type3A_228 = arith.fptosi %mul3A_225 : vector<16xf32> to vector<16xi32>
        %convert_element_type3A_229 = arith.fptosi %mul3A_226 : vector<16xf32> to vector<16xi32>
        %convert_element_type3A_230 = arith.sitofp %convert_element_type3A_227 : vector<16xi32> to vector<16xf32>
        %sub3A = arith.subf %mul3A_224, %convert_element_type3A_230 : vector<16xf32>
        %convert_element_type3A_231 = arith.sitofp %convert_element_type3A_228 : vector<16xi32> to vector<16xf32>
        %sub3A_232 = arith.subf %mul3A_225, %convert_element_type3A_231 : vector<16xf32>
        %convert_element_type3A_233 = arith.sitofp %convert_element_type3A_229 : vector<16xi32> to vector<16xf32>
        %sub3A_234 = arith.subf %mul3A_226, %convert_element_type3A_233 : vector<16xf32>
        %mul3A_235 = arith.constant -1640531535 : i32
        %mul3A_236 = vector.broadcast %mul3A_235 : i32 to vector<16xi32>
        %mul3A_237 = arith.muli %convert_element_type3A_228, %mul3A_236 : vector<16xi32>
        %add3A_238 = arith.constant -1640531535 : i32
        %add3A_239 = vector.broadcast %add3A_238 : i32 to vector<16xi32>
        %add3A_240 = arith.addi %mul3A_237, %add3A_239 : vector<16xi32>
        %mul3A_241 = arith.constant 805459861 : i32
        %mul3A_242 = vector.broadcast %mul3A_241 : i32 to vector<16xi32>
        %mul3A_243 = arith.muli %convert_element_type3A_229, %mul3A_242 : vector<16xi32>
        %add3A_244 = arith.constant 805459861 : i32
        %add3A_245 = vector.broadcast %add3A_244 : i32 to vector<16xi32>
        %add3A_246 = arith.addi %mul3A_243, %add3A_245 : vector<16xi32>
        %xor3A = arith.xori %mul3A_237, %mul3A_243 : vector<16xi32>
        %xor3A_247 = arith.xori %mul3A_237, %add3A_246 : vector<16xi32>
        %xor3A_248 = arith.xori %add3A_240, %mul3A_243 : vector<16xi32>
        %xor3A_249 = arith.xori %add3A_240, %add3A_246 : vector<16xi32>
        %add3A_250 = arith.constant 1 : i32
        %add3A_251 = vector.broadcast %add3A_250 : i32 to vector<16xi32>
        %add3A_252 = arith.addi %convert_element_type3A_227, %add3A_251 : vector<16xi32>
        %xor3A_253 = arith.xori %convert_element_type3A_227, %xor3A : vector<16xi32>
        %xor3A_254 = arith.xori %convert_element_type3A_227, %xor3A_247 : vector<16xi32>
        %xor3A_255 = arith.xori %convert_element_type3A_227, %xor3A_248 : vector<16xi32>
        %xor3A_256 = arith.xori %convert_element_type3A_227, %xor3A_249 : vector<16xi32>
        %xor3A_257 = arith.xori %add3A_252, %xor3A : vector<16xi32>
        %xor3A_258 = arith.xori %add3A_252, %xor3A_247 : vector<16xi32>
        %xor3A_259 = arith.xori %add3A_252, %xor3A_248 : vector<16xi32>
        %xor3A_260 = arith.xori %add3A_252, %xor3A_249 : vector<16xi32>
        %mul3A_261 = arith.constant 128 : i32
        %mul3A_262 = arith.muli %scan3A_205, %mul3A_261 : i32
        %and3A = arith.constant 524287 : i32
        %and3A_263 = vector.broadcast %and3A : i32 to vector<16xi32>
        %and3A_264 = arith.andi %xor3A_253, %and3A_263 : vector<16xi32>
        %shift_right_arithmetic3A = arith.constant 7 : i32
        %shift_right_arithmetic3A_265 = vector.broadcast %shift_right_arithmetic3A : i32 to vector<16xi32>
        %shift_right_arithmetic3A_266 = arith.shrsi %and3A_264, %shift_right_arithmetic3A_265 : vector<16xi32>
        %shift_left3A = arith.constant 8 : i32
        %shift_left3A_267 = vector.broadcast %shift_left3A : i32 to vector<16xi32>
        %shift_left3A_268 = arith.shli %shift_right_arithmetic3A_266, %shift_left3A_267 : vector<16xi32>
        %and3A_269 = arith.constant 127 : i32
        %and3A_270 = vector.broadcast %and3A_269 : i32 to vector<16xi32>
        %and3A_271 = arith.andi %and3A_264, %and3A_270 : vector<16xi32>
        %or3A = arith.ori %shift_left3A_268, %and3A_271 : vector<16xi32>
        %add3A_272 = arith.constant 0 : i32
        %add3A_273 = arith.addi %mul3A_262, %add3A_272 : i32
        %swap3A = arith.index_cast %add3A_273 : i32 to index
        %swap3A_274 = tpu.vector_load %arg6[%swap3A] {strides = array<i32>} : memref<2048xi32, #tpu.memory_space<vmem>>, vector<16xi32>,
        %swap3A_275 = vector.shape_cast %swap3A_274 : vector<16xi32> to vector<16xi32>
        %swap3A_276 = vector.shape_cast %or3A : vector<16xi32> to vector<16xi32>
        tpu.vector_store %arg6[%swap3A], %swap3A_276 {strides = array<i32>} : memref<2048xi32, #tpu.memory_space<vmem>>, vector<16xi32>,
        %add3A_277 = arith.constant 128 : i32
        %add3A_278 = vector.broadcast %add3A_277 : i32 to vector<16xi32>
        %add3A_279 = arith.addi %or3A, %add3A_278 : vector<16xi32>
        %add3A_280 = arith.constant 1024 : i32
        %add3A_281 = arith.addi %add3A_280, %mul3A_262 : i32
        %add3A_282 = arith.constant 0 : i32
        %add3A_283 = arith.addi %add3A_281, %add3A_282 : i32
        %swap3A_284 = arith.index_cast %add3A_283 : i32 to index
        %swap3A_285 = tpu.vector_load %arg6[%swap3A_284] {strides = array<i32>} : memref<2048xi32, #tpu.memory_space<vmem>>, vector<16xi32>,
        %swap3A_286 = vector.shape_cast %swap3A_285 : vector<16xi32> to vector<16xi32>
        %swap3A_287 = vector.shape_cast %add3A_279 : vector<16xi32> to vector<16xi32>
        tpu.vector_store %arg6[%swap3A_284], %swap3A_287 {strides = array<i32>} : memref<2048xi32, #tpu.memory_space<vmem>>, vector<16xi32>,
        %and3A_288 = arith.constant 524287 : i32
        %and3A_289 = vector.broadcast %and3A_288 : i32 to vector<16xi32>
        %and3A_290 = arith.andi %xor3A_254, %and3A_289 : vector<16xi32>
        %shift_right_arithmetic3A_291 = arith.constant 7 : i32
        %shift_right_arithmetic3A_292 = vector.broadcast %shift_right_arithmetic3A_291 : i32 to vector<16xi32>
        %shift_right_arithmetic3A_293 = arith.shrsi %and3A_290, %shift_right_arithmetic3A_292 : vector<16xi32>
        %shift_left3A_294 = arith.constant 8 : i32
        %shift_left3A_295 = vector.broadcast %shift_left3A_294 : i32 to vector<16xi32>
        %shift_left3A_296 = arith.shli %shift_right_arithmetic3A_293, %shift_left3A_295 : vector<16xi32>
        %and3A_297 = arith.constant 127 : i32
        %and3A_298 = vector.broadcast %and3A_297 : i32 to vector<16xi32>
        %and3A_299 = arith.andi %and3A_290, %and3A_298 : vector<16xi32>
        %or3A_300 = arith.ori %shift_left3A_296, %and3A_299 : vector<16xi32>
        %add3A_301 = arith.constant 16 : i32
        %add3A_302 = arith.addi %mul3A_262, %add3A_301 : i32
        %swap3A_303 = arith.index_cast %add3A_302 : i32 to index
        %swap3A_304 = tpu.vector_load %arg6[%swap3A_303] {strides = array<i32>} : memref<2048xi32, #tpu.memory_space<vmem>>, vector<16xi32>,
        %swap3A_305 = vector.shape_cast %swap3A_304 : vector<16xi32> to vector<16xi32>
        %swap3A_306 = vector.shape_cast %or3A_300 : vector<16xi32> to vector<16xi32>
        tpu.vector_store %arg6[%swap3A_303], %swap3A_306 {strides = array<i32>} : memref<2048xi32, #tpu.memory_space<vmem>>, vector<16xi32>,
        %add3A_307 = arith.constant 128 : i32
        %add3A_308 = vector.broadcast %add3A_307 : i32 to vector<16xi32>
        %add3A_309 = arith.addi %or3A_300, %add3A_308 : vector<16xi32>
        %add3A_310 = arith.constant 1024 : i32
        %add3A_311 = arith.addi %add3A_310, %mul3A_262 : i32
        %add3A_312 = arith.constant 16 : i32
        %add3A_313 = arith.addi %add3A_311, %add3A_312 : i32
        %swap3A_314 = arith.index_cast %add3A_313 : i32 to index
        %swap3A_315 = tpu.vector_load %arg6[%swap3A_314] {strides = array<i32>} : memref<2048xi32, #tpu.memory_space<vmem>>, vector<16xi32>,
        %swap3A_316 = vector.shape_cast %swap3A_315 : vector<16xi32> to vector<16xi32>
        %swap3A_317 = vector.shape_cast %add3A_309 : vector<16xi32> to vector<16xi32>
        tpu.vector_store %arg6[%swap3A_314], %swap3A_317 {strides = array<i32>} : memref<2048xi32, #tpu.memory_space<vmem>>, vector<16xi32>,
        %and3A_318 = arith.constant 524287 : i32
        %and3A_319 = vector.broadcast %and3A_318 : i32 to vector<16xi32>
        %and3A_320 = arith.andi %xor3A_255, %and3A_319 : vector<16xi32>
        %shift_right_arithmetic3A_321 = arith.constant 7 : i32
        %shift_right_arithmetic3A_322 = vector.broadcast %shift_right_arithmetic3A_321 : i32 to vector<16xi32>
        %shift_right_arithmetic3A_323 = arith.shrsi %and3A_320, %shift_right_arithmetic3A_322 : vector<16xi32>
        %shift_left3A_324 = arith.constant 8 : i32
        %shift_left3A_325 = vector.broadcast %shift_left3A_324 : i32 to vector<16xi32>
        %shift_left3A_326 = arith.shli %shift_right_arithmetic3A_323, %shift_left3A_325 : vector<16xi32>
        %and3A_327 = arith.constant 127 : i32
        %and3A_328 = vector.broadcast %and3A_327 : i32 to vector<16xi32>
        %and3A_329 = arith.andi %and3A_320, %and3A_328 : vector<16xi32>
        %or3A_330 = arith.ori %shift_left3A_326, %and3A_329 : vector<16xi32>
        %add3A_331 = arith.constant 32 : i32
        %add3A_332 = arith.addi %mul3A_262, %add3A_331 : i32
        %swap3A_333 = arith.index_cast %add3A_332 : i32 to index
        %swap3A_334 = tpu.vector_load %arg6[%swap3A_333] {strides = array<i32>} : memref<2048xi32, #tpu.memory_space<vmem>>, vector<16xi32>,
        %swap3A_335 = vector.shape_cast %swap3A_334 : vector<16xi32> to vector<16xi32>
        %swap3A_336 = vector.shape_cast %or3A_330 : vector<16xi32> to vector<16xi32>
        tpu.vector_store %arg6[%swap3A_333], %swap3A_336 {strides = array<i32>} : memref<2048xi32, #tpu.memory_space<vmem>>, vector<16xi32>,
        %add3A_337 = arith.constant 128 : i32
        %add3A_338 = vector.broadcast %add3A_337 : i32 to vector<16xi32>
        %add3A_339 = arith.addi %or3A_330, %add3A_338 : vector<16xi32>
        %add3A_340 = arith.constant 1024 : i32
        %add3A_341 = arith.addi %add3A_340, %mul3A_262 : i32
        %add3A_342 = arith.constant 32 : i32
        %add3A_343 = arith.addi %add3A_341, %add3A_342 : i32
        %swap3A_344 = arith.index_cast %add3A_343 : i32 to index
        %swap3A_345 = tpu.vector_load %arg6[%swap3A_344] {strides = array<i32>} : memref<2048xi32, #tpu.memory_space<vmem>>, vector<16xi32>,
        %swap3A_346 = vector.shape_cast %swap3A_345 : vector<16xi32> to vector<16xi32>
        %swap3A_347 = vector.shape_cast %add3A_339 : vector<16xi32> to vector<16xi32>
        tpu.vector_store %arg6[%swap3A_344], %swap3A_347 {strides = array<i32>} : memref<2048xi32, #tpu.memory_space<vmem>>, vector<16xi32>,
        %and3A_348 = arith.constant 524287 : i32
        %and3A_349 = vector.broadcast %and3A_348 : i32 to vector<16xi32>
        %and3A_350 = arith.andi %xor3A_256, %and3A_349 : vector<16xi32>
        %shift_right_arithmetic3A_351 = arith.constant 7 : i32
        %shift_right_arithmetic3A_352 = vector.broadcast %shift_right_arithmetic3A_351 : i32 to vector<16xi32>
        %shift_right_arithmetic3A_353 = arith.shrsi %and3A_350, %shift_right_arithmetic3A_352 : vector<16xi32>
        %shift_left3A_354 = arith.constant 8 : i32
        %shift_left3A_355 = vector.broadcast %shift_left3A_354 : i32 to vector<16xi32>
        %shift_left3A_356 = arith.shli %shift_right_arithmetic3A_353, %shift_left3A_355 : vector<16xi32>
        %and3A_357 = arith.constant 127 : i32
        %and3A_358 = vector.broadcast %and3A_357 : i32 to vector<16xi32>
        %and3A_359 = arith.andi %and3A_350, %and3A_358 : vector<16xi32>
        %or3A_360 = arith.ori %shift_left3A_356, %and3A_359 : vector<16xi32>
        %add3A_361 = arith.constant 48 : i32
        %add3A_362 = arith.addi %mul3A_262, %add3A_361 : i32
        %swap3A_363 = arith.index_cast %add3A_362 : i32 to index
        %swap3A_364 = tpu.vector_load %arg6[%swap3A_363] {strides = array<i32>} : memref<2048xi32, #tpu.memory_space<vmem>>, vector<16xi32>,
        %swap3A_365 = vector.shape_cast %swap3A_364 : vector<16xi32> to vector<16xi32>
        %swap3A_366 = vector.shape_cast %or3A_360 : vector<16xi32> to vector<16xi32>
        tpu.vector_store %arg6[%swap3A_363], %swap3A_366 {strides = array<i32>} : memref<2048xi32, #tpu.memory_space<vmem>>, vector<16xi32>,
        %add3A_367 = arith.constant 128 : i32
        %add3A_368 = vector.broadcast %add3A_367 : i32 to vector<16xi32>
        %add3A_369 = arith.addi %or3A_360, %add3A_368 : vector<16xi32>
        %add3A_370 = arith.constant 1024 : i32
        %add3A_371 = arith.addi %add3A_370, %mul3A_262 : i32
        %add3A_372 = arith.constant 48 : i32
        %add3A_373 = arith.addi %add3A_371, %add3A_372 : i32
        %swap3A_374 = arith.index_cast %add3A_373 : i32 to index
        %swap3A_375 = tpu.vector_load %arg6[%swap3A_374] {strides = array<i32>} : memref<2048xi32, #tpu.memory_space<vmem>>, vector<16xi32>,
        %swap3A_376 = vector.shape_cast %swap3A_375 : vector<16xi32> to vector<16xi32>
        %swap3A_377 = vector.shape_cast %add3A_369 : vector<16xi32> to vector<16xi32>
        tpu.vector_store %arg6[%swap3A_374], %swap3A_377 {strides = array<i32>} : memref<2048xi32, #tpu.memory_space<vmem>>, vector<16xi32>,
        %and3A_378 = arith.constant 524287 : i32
        %and3A_379 = vector.broadcast %and3A_378 : i32 to vector<16xi32>
        %and3A_380 = arith.andi %xor3A_257, %and3A_379 : vector<16xi32>
        %shift_right_arithmetic3A_381 = arith.constant 7 : i32
        %shift_right_arithmetic3A_382 = vector.broadcast %shift_right_arithmetic3A_381 : i32 to vector<16xi32>
        %shift_right_arithmetic3A_383 = arith.shrsi %and3A_380, %shift_right_arithmetic3A_382 : vector<16xi32>
        %shift_left3A_384 = arith.constant 8 : i32
        %shift_left3A_385 = vector.broadcast %shift_left3A_384 : i32 to vector<16xi32>
        %shift_left3A_386 = arith.shli %shift_right_arithmetic3A_383, %shift_left3A_385 : vector<16xi32>
        %and3A_387 = arith.constant 127 : i32
        %and3A_388 = vector.broadcast %and3A_387 : i32 to vector<16xi32>
        %and3A_389 = arith.andi %and3A_380, %and3A_388 : vector<16xi32>
        %or3A_390 = arith.ori %shift_left3A_386, %and3A_389 : vector<16xi32>
        %add3A_391 = arith.constant 64 : i32
        %add3A_392 = arith.addi %mul3A_262, %add3A_391 : i32
        %swap3A_393 = arith.index_cast %add3A_392 : i32 to index
        %swap3A_394 = tpu.vector_load %arg6[%swap3A_393] {strides = array<i32>} : memref<2048xi32, #tpu.memory_space<vmem>>, vector<16xi32>,
        %swap3A_395 = vector.shape_cast %swap3A_394 : vector<16xi32> to vector<16xi32>
        %swap3A_396 = vector.shape_cast %or3A_390 : vector<16xi32> to vector<16xi32>
        tpu.vector_store %arg6[%swap3A_393], %swap3A_396 {strides = array<i32>} : memref<2048xi32, #tpu.memory_space<vmem>>, vector<16xi32>,
        %add3A_397 = arith.constant 128 : i32
        %add3A_398 = vector.broadcast %add3A_397 : i32 to vector<16xi32>
        %add3A_399 = arith.addi %or3A_390, %add3A_398 : vector<16xi32>
        %add3A_400 = arith.constant 1024 : i32
        %add3A_401 = arith.addi %add3A_400, %mul3A_262 : i32
        %add3A_402 = arith.constant 64 : i32
        %add3A_403 = arith.addi %add3A_401, %add3A_402 : i32
        %swap3A_404 = arith.index_cast %add3A_403 : i32 to index
        %swap3A_405 = tpu.vector_load %arg6[%swap3A_404] {strides = array<i32>} : memref<2048xi32, #tpu.memory_space<vmem>>, vector<16xi32>,
        %swap3A_406 = vector.shape_cast %swap3A_405 : vector<16xi32> to vector<16xi32>
        %swap3A_407 = vector.shape_cast %add3A_399 : vector<16xi32> to vector<16xi32>
        tpu.vector_store %arg6[%swap3A_404], %swap3A_407 {strides = array<i32>} : memref<2048xi32, #tpu.memory_space<vmem>>, vector<16xi32>,
        %and3A_408 = arith.constant 524287 : i32
        %and3A_409 = vector.broadcast %and3A_408 : i32 to vector<16xi32>
        %and3A_410 = arith.andi %xor3A_258, %and3A_409 : vector<16xi32>
        %shift_right_arithmetic3A_411 = arith.constant 7 : i32
        %shift_right_arithmetic3A_412 = vector.broadcast %shift_right_arithmetic3A_411 : i32 to vector<16xi32>
        %shift_right_arithmetic3A_413 = arith.shrsi %and3A_410, %shift_right_arithmetic3A_412 : vector<16xi32>
        %shift_left3A_414 = arith.constant 8 : i32
        %shift_left3A_415 = vector.broadcast %shift_left3A_414 : i32 to vector<16xi32>
        %shift_left3A_416 = arith.shli %shift_right_arithmetic3A_413, %shift_left3A_415 : vector<16xi32>
        %and3A_417 = arith.constant 127 : i32
        %and3A_418 = vector.broadcast %and3A_417 : i32 to vector<16xi32>
        %and3A_419 = arith.andi %and3A_410, %and3A_418 : vector<16xi32>
        %or3A_420 = arith.ori %shift_left3A_416, %and3A_419 : vector<16xi32>
        %add3A_421 = arith.constant 80 : i32
        %add3A_422 = arith.addi %mul3A_262, %add3A_421 : i32
        %swap3A_423 = arith.index_cast %add3A_422 : i32 to index
        %swap3A_424 = tpu.vector_load %arg6[%swap3A_423] {strides = array<i32>} : memref<2048xi32, #tpu.memory_space<vmem>>, vector<16xi32>,
        %swap3A_425 = vector.shape_cast %swap3A_424 : vector<16xi32> to vector<16xi32>
        %swap3A_426 = vector.shape_cast %or3A_420 : vector<16xi32> to vector<16xi32>
        tpu.vector_store %arg6[%swap3A_423], %swap3A_426 {strides = array<i32>} : memref<2048xi32, #tpu.memory_space<vmem>>, vector<16xi32>,
        %add3A_427 = arith.constant 128 : i32
        %add3A_428 = vector.broadcast %add3A_427 : i32 to vector<16xi32>
        %add3A_429 = arith.addi %or3A_420, %add3A_428 : vector<16xi32>
        %add3A_430 = arith.constant 1024 : i32
        %add3A_431 = arith.addi %add3A_430, %mul3A_262 : i32
        %add3A_432 = arith.constant 80 : i32
        %add3A_433 = arith.addi %add3A_431, %add3A_432 : i32
        %swap3A_434 = arith.index_cast %add3A_433 : i32 to index
        %swap3A_435 = tpu.vector_load %arg6[%swap3A_434] {strides = array<i32>} : memref<2048xi32, #tpu.memory_space<vmem>>, vector<16xi32>,
        %swap3A_436 = vector.shape_cast %swap3A_435 : vector<16xi32> to vector<16xi32>
        %swap3A_437 = vector.shape_cast %add3A_429 : vector<16xi32> to vector<16xi32>
        tpu.vector_store %arg6[%swap3A_434], %swap3A_437 {strides = array<i32>} : memref<2048xi32, #tpu.memory_space<vmem>>, vector<16xi32>,
        %and3A_438 = arith.constant 524287 : i32
        %and3A_439 = vector.broadcast %and3A_438 : i32 to vector<16xi32>
        %and3A_440 = arith.andi %xor3A_259, %and3A_439 : vector<16xi32>
        %shift_right_arithmetic3A_441 = arith.constant 7 : i32
        %shift_right_arithmetic3A_442 = vector.broadcast %shift_right_arithmetic3A_441 : i32 to vector<16xi32>
        %shift_right_arithmetic3A_443 = arith.shrsi %and3A_440, %shift_right_arithmetic3A_442 : vector<16xi32>
        %shift_left3A_444 = arith.constant 8 : i32
        %shift_left3A_445 = vector.broadcast %shift_left3A_444 : i32 to vector<16xi32>
        %shift_left3A_446 = arith.shli %shift_right_arithmetic3A_443, %shift_left3A_445 : vector<16xi32>
        %and3A_447 = arith.constant 127 : i32
        %and3A_448 = vector.broadcast %and3A_447 : i32 to vector<16xi32>
        %and3A_449 = arith.andi %and3A_440, %and3A_448 : vector<16xi32>
        %or3A_450 = arith.ori %shift_left3A_446, %and3A_449 : vector<16xi32>
        %add3A_451 = arith.constant 96 : i32
        %add3A_452 = arith.addi %mul3A_262, %add3A_451 : i32
        %swap3A_453 = arith.index_cast %add3A_452 : i32 to index
        %swap3A_454 = tpu.vector_load %arg6[%swap3A_453] {strides = array<i32>} : memref<2048xi32, #tpu.memory_space<vmem>>, vector<16xi32>,
        %swap3A_455 = vector.shape_cast %swap3A_454 : vector<16xi32> to vector<16xi32>
        %swap3A_456 = vector.shape_cast %or3A_450 : vector<16xi32> to vector<16xi32>
        tpu.vector_store %arg6[%swap3A_453], %swap3A_456 {strides = array<i32>} : memref<2048xi32, #tpu.memory_space<vmem>>, vector<16xi32>,
        %add3A_457 = arith.constant 128 : i32
        %add3A_458 = vector.broadcast %add3A_457 : i32 to vector<16xi32>
        %add3A_459 = arith.addi %or3A_450, %add3A_458 : vector<16xi32>
        %add3A_460 = arith.constant 1024 : i32
        %add3A_461 = arith.addi %add3A_460, %mul3A_262 : i32
        %add3A_462 = arith.constant 96 : i32
        %add3A_463 = arith.addi %add3A_461, %add3A_462 : i32
        %swap3A_464 = arith.index_cast %add3A_463 : i32 to index
        %swap3A_465 = tpu.vector_load %arg6[%swap3A_464] {strides = array<i32>} : memref<2048xi32, #tpu.memory_space<vmem>>, vector<16xi32>,
        %swap3A_466 = vector.shape_cast %swap3A_465 : vector<16xi32> to vector<16xi32>
        %swap3A_467 = vector.shape_cast %add3A_459 : vector<16xi32> to vector<16xi32>
        tpu.vector_store %arg6[%swap3A_464], %swap3A_467 {strides = array<i32>} : memref<2048xi32, #tpu.memory_space<vmem>>, vector<16xi32>,
        %and3A_468 = arith.constant 524287 : i32
        %and3A_469 = vector.broadcast %and3A_468 : i32 to vector<16xi32>
        %and3A_470 = arith.andi %xor3A_260, %and3A_469 : vector<16xi32>
        %shift_right_arithmetic3A_471 = arith.constant 7 : i32
        %shift_right_arithmetic3A_472 = vector.broadcast %shift_right_arithmetic3A_471 : i32 to vector<16xi32>
        %shift_right_arithmetic3A_473 = arith.shrsi %and3A_470, %shift_right_arithmetic3A_472 : vector<16xi32>
        %shift_left3A_474 = arith.constant 8 : i32
        %shift_left3A_475 = vector.broadcast %shift_left3A_474 : i32 to vector<16xi32>
        %shift_left3A_476 = arith.shli %shift_right_arithmetic3A_473, %shift_left3A_475 : vector<16xi32>
        %and3A_477 = arith.constant 127 : i32
        %and3A_478 = vector.broadcast %and3A_477 : i32 to vector<16xi32>
        %and3A_479 = arith.andi %and3A_470, %and3A_478 : vector<16xi32>
        %or3A_480 = arith.ori %shift_left3A_476, %and3A_479 : vector<16xi32>
        %add3A_481 = arith.constant 112 : i32
        %add3A_482 = arith.addi %mul3A_262, %add3A_481 : i32
        %swap3A_483 = arith.index_cast %add3A_482 : i32 to index
        %swap3A_484 = tpu.vector_load %arg6[%swap3A_483] {strides = array<i32>} : memref<2048xi32, #tpu.memory_space<vmem>>, vector<16xi32>,
        %swap3A_485 = vector.shape_cast %swap3A_484 : vector<16xi32> to vector<16xi32>
        %swap3A_486 = vector.shape_cast %or3A_480 : vector<16xi32> to vector<16xi32>
        tpu.vector_store %arg6[%swap3A_483], %swap3A_486 {strides = array<i32>} : memref<2048xi32, #tpu.memory_space<vmem>>, vector<16xi32>,
        %add3A_487 = arith.constant 128 : i32
        %add3A_488 = vector.broadcast %add3A_487 : i32 to vector<16xi32>
        %add3A_489 = arith.addi %or3A_480, %add3A_488 : vector<16xi32>
        %add3A_490 = arith.constant 1024 : i32
        %add3A_491 = arith.addi %add3A_490, %mul3A_262 : i32
        %add3A_492 = arith.constant 112 : i32
        %add3A_493 = arith.addi %add3A_491, %add3A_492 : i32
        %swap3A_494 = arith.index_cast %add3A_493 : i32 to index
        %swap3A_495 = tpu.vector_load %arg6[%swap3A_494] {strides = array<i32>} : memref<2048xi32, #tpu.memory_space<vmem>>, vector<16xi32>,
        %swap3A_496 = vector.shape_cast %swap3A_495 : vector<16xi32> to vector<16xi32>
        %swap3A_497 = vector.shape_cast %add3A_489 : vector<16xi32> to vector<16xi32>
        tpu.vector_store %arg6[%swap3A_494], %swap3A_497 {strides = array<i32>} : memref<2048xi32, #tpu.memory_space<vmem>>, vector<16xi32>,
      }
      %scan3A_125 = arith.constant 8 : i32
      %dma_start3A = arith.constant 0 : i32
      %dma_start3A_126 = tpu.memref_slice %arg8[%dma_start3A] : memref<2048xf32, #tpu.memory_space<vmem>> -> memref<512xf32, #tpu.memory_space<vmem>>
      %dma_start3A_127 = arith.constant 0 : i32
      %dma_start3A_128 = tpu.memref_slice %arg6[%dma_start3A_127] : memref<2048xi32, #tpu.memory_space<vmem>> -> memref<512xi32, #tpu.memory_space<vmem>>
      %dma_start3A_129 = arith.constant 0 : i32
      %dma_start3A_130 = tpu.memref_slice %arg11[%dma_start3A_129] : memref<1048576xf32, #tpu.memory_space<vmem_shared>> -> memref<1048576xf32, #tpu.memory_space<vmem_shared>>
      tpu.enqueue_indirect_dma source(%dma_start3A_130 : memref<1048576xf32, #tpu.memory_space<vmem_shared>>) target(%dma_start3A_126 : memref<512xf32, #tpu.memory_space<vmem>>) offsets(%dma_start3A_128 : memref<512xi32, #tpu.memory_space<vmem>>) semaphore(%arg12 : memref<!tpu.dma_semaphore, #tpu.memory_space<semaphore_mem>>)
      %dma_start3A_131 = arith.constant 512 : i32
      %dma_start3A_132 = tpu.memref_slice %arg8[%dma_start3A_131] : memref<2048xf32, #tpu.memory_space<vmem>> -> memref<512xf32, #tpu.memory_space<vmem>>
      %dma_start3A_133 = arith.constant 512 : i32
      %dma_start3A_134 = tpu.memref_slice %arg6[%dma_start3A_133] : memref<2048xi32, #tpu.memory_space<vmem>> -> memref<512xi32, #tpu.memory_space<vmem>>
      %dma_start3A_135 = arith.constant 0 : i32
      %dma_start3A_136 = tpu.memref_slice %arg11[%dma_start3A_135] : memref<1048576xf32, #tpu.memory_space<vmem_shared>> -> memref<1048576xf32, #tpu.memory_space<vmem_shared>>
      tpu.enqueue_indirect_dma source(%dma_start3A_136 : memref<1048576xf32, #tpu.memory_space<vmem_shared>>) target(%dma_start3A_132 : memref<512xf32, #tpu.memory_space<vmem>>) offsets(%dma_start3A_134 : memref<512xi32, #tpu.memory_space<vmem>>) semaphore(%arg12 : memref<!tpu.dma_semaphore, #tpu.memory_space<semaphore_mem>>)
      %dma_start3A_137 = arith.constant 1024 : i32
      %dma_start3A_138 = tpu.memref_slice %arg8[%dma_start3A_137] : memref<2048xf32, #tpu.memory_space<vmem>> -> memref<512xf32, #tpu.memory_space<vmem>>
      %dma_start3A_139 = arith.constant 1024 : i32
      %dma_start3A_140 = tpu.memref_slice %arg6[%dma_start3A_139] : memref<2048xi32, #tpu.memory_space<vmem>> -> memref<512xi32, #tpu.memory_space<vmem>>
      %dma_start3A_141 = arith.constant 0 : i32
      %dma_start3A_142 = tpu.memref_slice %arg11[%dma_start3A_141] : memref<1048576xf32, #tpu.memory_space<vmem_shared>> -> memref<1048576xf32, #tpu.memory_space<vmem_shared>>
      tpu.enqueue_indirect_dma source(%dma_start3A_142 : memref<1048576xf32, #tpu.memory_space<vmem_shared>>) target(%dma_start3A_138 : memref<512xf32, #tpu.memory_space<vmem>>) offsets(%dma_start3A_140 : memref<512xi32, #tpu.memory_space<vmem>>) semaphore(%arg12 : memref<!tpu.dma_semaphore, #tpu.memory_space<semaphore_mem>>)
      %dma_start3A_143 = arith.constant 1536 : i32
      %dma_start3A_144 = tpu.memref_slice %arg8[%dma_start3A_143] : memref<2048xf32, #tpu.memory_space<vmem>> -> memref<512xf32, #tpu.memory_space<vmem>>
      %dma_start3A_145 = arith.constant 1536 : i32
      %dma_start3A_146 = tpu.memref_slice %arg6[%dma_start3A_145] : memref<2048xi32, #tpu.memory_space<vmem>> -> memref<512xi32, #tpu.memory_space<vmem>>
      %dma_start3A_147 = arith.constant 0 : i32
      %dma_start3A_148 = tpu.memref_slice %arg11[%dma_start3A_147] : memref<1048576xf32, #tpu.memory_space<vmem_shared>> -> memref<1048576xf32, #tpu.memory_space<vmem_shared>>
      tpu.enqueue_indirect_dma source(%dma_start3A_148 : memref<1048576xf32, #tpu.memory_space<vmem_shared>>) target(%dma_start3A_144 : memref<512xf32, #tpu.memory_space<vmem>>) offsets(%dma_start3A_146 : memref<512xi32, #tpu.memory_space<vmem>>) semaphore(%arg12 : memref<!tpu.dma_semaphore, #tpu.memory_space<semaphore_mem>>)
      %scan3A_149 = arith.constant 0 : i32
      %scan3A_150 = arith.constant 31 : i32
      %scan3A_151 = arith.addi %scan3A_149, %scan3A_150 : i32
      %scan3A_152 = arith.constant 1 : i32
      scf.for %scan3A_205 = %scan3A_149 to %scan3A_151 step %scan3A_152  : i32 {
        %mul3A_206 = arith.constant 2 : i32
        %mul3A_207 = arith.muli %mul3A_206, %scan3A_205 : i32
        %add3A_208 = arith.constant 1 : i32
        %add3A_209 = arith.addi %mul3A_207, %add3A_208 : i32
        %scan3A_210 = arith.constant 0 : i32
        %scan3A_211 = arith.constant 8 : i32
        %scan3A_212 = arith.addi %scan3A_210, %scan3A_211 : i32
        %scan3A_213 = arith.constant 1 : i32
        scf.for %scan3A_296 = %scan3A_210 to %scan3A_212 step %scan3A_213  : i32 {
          %mul3A_297 = arith.constant 128 : i32
          %mul3A_298 = arith.muli %add3A_209, %mul3A_297 : i32
          %mul3A_299 = arith.constant 16 : i32
          %mul3A_300 = arith.muli %scan3A_296, %mul3A_299 : i32
          %add3A_301 = arith.addi %mul3A_298, %mul3A_300 : i32
          %get3A = arith.constant 0 : i32
          %get3A_302 = arith.index_cast %get3A : i32 to index
          %get3A_303 = arith.index_cast %add3A_301 : i32 to index
          %get3A_304 = tpu.vector_load %arg5[%get3A_302, %get3A_303] {strides = array<i32>} : memref<3x8192xf32, #tpu.memory_space<vmem>>, vector<1x16xf32>,
          %get3A_305 = vector.shape_cast %get3A_304 : vector<1x16xf32> to vector<16xf32>
          %get3A_306 = arith.constant 1 : i32
          %get3A_307 = arith.index_cast %get3A_306 : i32 to index
          %get3A_308 = arith.index_cast %add3A_301 : i32 to index
          %get3A_309 = tpu.vector_load %arg5[%get3A_307, %get3A_308] {strides = array<i32>} : memref<3x8192xf32, #tpu.memory_space<vmem>>, vector<1x16xf32>,
          %get3A_310 = vector.shape_cast %get3A_309 : vector<1x16xf32> to vector<16xf32>
          %get3A_311 = arith.constant 2 : i32
          %get3A_312 = arith.index_cast %get3A_311 : i32 to index
          %get3A_313 = arith.index_cast %add3A_301 : i32 to index
          %get3A_314 = tpu.vector_load %arg5[%get3A_312, %get3A_313] {strides = array<i32>} : memref<3x8192xf32, #tpu.memory_space<vmem>>, vector<1x16xf32>,
          %get3A_315 = vector.shape_cast %get3A_314 : vector<1x16xf32> to vector<16xf32>
          %mul3A_316 = arith.mulf %get3A_305, %select_n3A_118 : vector<16xf32>
          %mul3A_317 = arith.mulf %get3A_310, %select_n3A_118 : vector<16xf32>
          %mul3A_318 = arith.mulf %get3A_315, %select_n3A_118 : vector<16xf32>
          %convert_element_type3A_319 = arith.fptosi %mul3A_316 : vector<16xf32> to vector<16xi32>
          %convert_element_type3A_320 = arith.fptosi %mul3A_317 : vector<16xf32> to vector<16xi32>
          %convert_element_type3A_321 = arith.fptosi %mul3A_318 : vector<16xf32> to vector<16xi32>
          %convert_element_type3A_322 = arith.sitofp %convert_element_type3A_319 : vector<16xi32> to vector<16xf32>
          %sub3A = arith.subf %mul3A_316, %convert_element_type3A_322 : vector<16xf32>
          %convert_element_type3A_323 = arith.sitofp %convert_element_type3A_320 : vector<16xi32> to vector<16xf32>
          %sub3A_324 = arith.subf %mul3A_317, %convert_element_type3A_323 : vector<16xf32>
          %convert_element_type3A_325 = arith.sitofp %convert_element_type3A_321 : vector<16xi32> to vector<16xf32>
          %sub3A_326 = arith.subf %mul3A_318, %convert_element_type3A_325 : vector<16xf32>
          %mul3A_327 = arith.constant -1640531535 : i32
          %mul3A_328 = vector.broadcast %mul3A_327 : i32 to vector<16xi32>
          %mul3A_329 = arith.muli %convert_element_type3A_320, %mul3A_328 : vector<16xi32>
          %add3A_330 = arith.constant -1640531535 : i32
          %add3A_331 = vector.broadcast %add3A_330 : i32 to vector<16xi32>
          %add3A_332 = arith.addi %mul3A_329, %add3A_331 : vector<16xi32>
          %mul3A_333 = arith.constant 805459861 : i32
          %mul3A_334 = vector.broadcast %mul3A_333 : i32 to vector<16xi32>
          %mul3A_335 = arith.muli %convert_element_type3A_321, %mul3A_334 : vector<16xi32>
          %add3A_336 = arith.constant 805459861 : i32
          %add3A_337 = vector.broadcast %add3A_336 : i32 to vector<16xi32>
          %add3A_338 = arith.addi %mul3A_335, %add3A_337 : vector<16xi32>
          %xor3A = arith.xori %mul3A_329, %mul3A_335 : vector<16xi32>
          %xor3A_339 = arith.xori %mul3A_329, %add3A_338 : vector<16xi32>
          %xor3A_340 = arith.xori %add3A_332, %mul3A_335 : vector<16xi32>
          %xor3A_341 = arith.xori %add3A_332, %add3A_338 : vector<16xi32>
          %add3A_342 = arith.constant 1 : i32
          %add3A_343 = vector.broadcast %add3A_342 : i32 to vector<16xi32>
          %add3A_344 = arith.addi %convert_element_type3A_319, %add3A_343 : vector<16xi32>
          %xor3A_345 = arith.xori %convert_element_type3A_319, %xor3A : vector<16xi32>
          %xor3A_346 = arith.xori %convert_element_type3A_319, %xor3A_339 : vector<16xi32>
          %xor3A_347 = arith.xori %convert_element_type3A_319, %xor3A_340 : vector<16xi32>
          %xor3A_348 = arith.xori %convert_element_type3A_319, %xor3A_341 : vector<16xi32>
          %xor3A_349 = arith.xori %add3A_344, %xor3A : vector<16xi32>
          %xor3A_350 = arith.xori %add3A_344, %xor3A_339 : vector<16xi32>
          %xor3A_351 = arith.xori %add3A_344, %xor3A_340 : vector<16xi32>
          %xor3A_352 = arith.xori %add3A_344, %xor3A_341 : vector<16xi32>
          %mul3A_353 = arith.constant 128 : i32
          %mul3A_354 = arith.muli %scan3A_296, %mul3A_353 : i32
          %and3A = arith.constant 524287 : i32
          %and3A_355 = vector.broadcast %and3A : i32 to vector<16xi32>
          %and3A_356 = arith.andi %xor3A_345, %and3A_355 : vector<16xi32>
          %shift_right_arithmetic3A = arith.constant 7 : i32
          %shift_right_arithmetic3A_357 = vector.broadcast %shift_right_arithmetic3A : i32 to vector<16xi32>
          %shift_right_arithmetic3A_358 = arith.shrsi %and3A_356, %shift_right_arithmetic3A_357 : vector<16xi32>
          %shift_left3A = arith.constant 8 : i32
          %shift_left3A_359 = vector.broadcast %shift_left3A : i32 to vector<16xi32>
          %shift_left3A_360 = arith.shli %shift_right_arithmetic3A_358, %shift_left3A_359 : vector<16xi32>
          %and3A_361 = arith.constant 127 : i32
          %and3A_362 = vector.broadcast %and3A_361 : i32 to vector<16xi32>
          %and3A_363 = arith.andi %and3A_356, %and3A_362 : vector<16xi32>
          %or3A = arith.ori %shift_left3A_360, %and3A_363 : vector<16xi32>
          %add3A_364 = arith.constant 0 : i32
          %add3A_365 = arith.addi %mul3A_354, %add3A_364 : i32
          %swap3A = arith.index_cast %add3A_365 : i32 to index
          %swap3A_366 = tpu.vector_load %arg7[%swap3A] {strides = array<i32>} : memref<2048xi32, #tpu.memory_space<vmem>>, vector<16xi32>,
          %swap3A_367 = vector.shape_cast %swap3A_366 : vector<16xi32> to vector<16xi32>
          %swap3A_368 = vector.shape_cast %or3A : vector<16xi32> to vector<16xi32>
          tpu.vector_store %arg7[%swap3A], %swap3A_368 {strides = array<i32>} : memref<2048xi32, #tpu.memory_space<vmem>>, vector<16xi32>,
          %add3A_369 = arith.constant 128 : i32
          %add3A_370 = vector.broadcast %add3A_369 : i32 to vector<16xi32>
          %add3A_371 = arith.addi %or3A, %add3A_370 : vector<16xi32>
          %add3A_372 = arith.constant 1024 : i32
          %add3A_373 = arith.addi %add3A_372, %mul3A_354 : i32
          %add3A_374 = arith.constant 0 : i32
          %add3A_375 = arith.addi %add3A_373, %add3A_374 : i32
          %swap3A_376 = arith.index_cast %add3A_375 : i32 to index
          %swap3A_377 = tpu.vector_load %arg7[%swap3A_376] {strides = array<i32>} : memref<2048xi32, #tpu.memory_space<vmem>>, vector<16xi32>,
          %swap3A_378 = vector.shape_cast %swap3A_377 : vector<16xi32> to vector<16xi32>
          %swap3A_379 = vector.shape_cast %add3A_371 : vector<16xi32> to vector<16xi32>
          tpu.vector_store %arg7[%swap3A_376], %swap3A_379 {strides = array<i32>} : memref<2048xi32, #tpu.memory_space<vmem>>, vector<16xi32>,
          %and3A_380 = arith.constant 524287 : i32
          %and3A_381 = vector.broadcast %and3A_380 : i32 to vector<16xi32>
          %and3A_382 = arith.andi %xor3A_346, %and3A_381 : vector<16xi32>
          %shift_right_arithmetic3A_383 = arith.constant 7 : i32
          %shift_right_arithmetic3A_384 = vector.broadcast %shift_right_arithmetic3A_383 : i32 to vector<16xi32>
          %shift_right_arithmetic3A_385 = arith.shrsi %and3A_382, %shift_right_arithmetic3A_384 : vector<16xi32>
          %shift_left3A_386 = arith.constant 8 : i32
          %shift_left3A_387 = vector.broadcast %shift_left3A_386 : i32 to vector<16xi32>
          %shift_left3A_388 = arith.shli %shift_right_arithmetic3A_385, %shift_left3A_387 : vector<16xi32>
          %and3A_389 = arith.constant 127 : i32
          %and3A_390 = vector.broadcast %and3A_389 : i32 to vector<16xi32>
          %and3A_391 = arith.andi %and3A_382, %and3A_390 : vector<16xi32>
          %or3A_392 = arith.ori %shift_left3A_388, %and3A_391 : vector<16xi32>
          %add3A_393 = arith.constant 16 : i32
          %add3A_394 = arith.addi %mul3A_354, %add3A_393 : i32
          %swap3A_395 = arith.index_cast %add3A_394 : i32 to index
          %swap3A_396 = tpu.vector_load %arg7[%swap3A_395] {strides = array<i32>} : memref<2048xi32, #tpu.memory_space<vmem>>, vector<16xi32>,
          %swap3A_397 = vector.shape_cast %swap3A_396 : vector<16xi32> to vector<16xi32>
          %swap3A_398 = vector.shape_cast %or3A_392 : vector<16xi32> to vector<16xi32>
          tpu.vector_store %arg7[%swap3A_395], %swap3A_398 {strides = array<i32>} : memref<2048xi32, #tpu.memory_space<vmem>>, vector<16xi32>,
          %add3A_399 = arith.constant 128 : i32
          %add3A_400 = vector.broadcast %add3A_399 : i32 to vector<16xi32>
          %add3A_401 = arith.addi %or3A_392, %add3A_400 : vector<16xi32>
          %add3A_402 = arith.constant 1024 : i32
          %add3A_403 = arith.addi %add3A_402, %mul3A_354 : i32
          %add3A_404 = arith.constant 16 : i32
          %add3A_405 = arith.addi %add3A_403, %add3A_404 : i32
          %swap3A_406 = arith.index_cast %add3A_405 : i32 to index
          %swap3A_407 = tpu.vector_load %arg7[%swap3A_406] {strides = array<i32>} : memref<2048xi32, #tpu.memory_space<vmem>>, vector<16xi32>,
          %swap3A_408 = vector.shape_cast %swap3A_407 : vector<16xi32> to vector<16xi32>
          %swap3A_409 = vector.shape_cast %add3A_401 : vector<16xi32> to vector<16xi32>
          tpu.vector_store %arg7[%swap3A_406], %swap3A_409 {strides = array<i32>} : memref<2048xi32, #tpu.memory_space<vmem>>, vector<16xi32>,
          %and3A_410 = arith.constant 524287 : i32
          %and3A_411 = vector.broadcast %and3A_410 : i32 to vector<16xi32>
          %and3A_412 = arith.andi %xor3A_347, %and3A_411 : vector<16xi32>
          %shift_right_arithmetic3A_413 = arith.constant 7 : i32
          %shift_right_arithmetic3A_414 = vector.broadcast %shift_right_arithmetic3A_413 : i32 to vector<16xi32>
          %shift_right_arithmetic3A_415 = arith.shrsi %and3A_412, %shift_right_arithmetic3A_414 : vector<16xi32>
          %shift_left3A_416 = arith.constant 8 : i32
          %shift_left3A_417 = vector.broadcast %shift_left3A_416 : i32 to vector<16xi32>
          %shift_left3A_418 = arith.shli %shift_right_arithmetic3A_415, %shift_left3A_417 : vector<16xi32>
          %and3A_419 = arith.constant 127 : i32
          %and3A_420 = vector.broadcast %and3A_419 : i32 to vector<16xi32>
          %and3A_421 = arith.andi %and3A_412, %and3A_420 : vector<16xi32>
          %or3A_422 = arith.ori %shift_left3A_418, %and3A_421 : vector<16xi32>
          %add3A_423 = arith.constant 32 : i32
          %add3A_424 = arith.addi %mul3A_354, %add3A_423 : i32
          %swap3A_425 = arith.index_cast %add3A_424 : i32 to index
          %swap3A_426 = tpu.vector_load %arg7[%swap3A_425] {strides = array<i32>} : memref<2048xi32, #tpu.memory_space<vmem>>, vector<16xi32>,
          %swap3A_427 = vector.shape_cast %swap3A_426 : vector<16xi32> to vector<16xi32>
          %swap3A_428 = vector.shape_cast %or3A_422 : vector<16xi32> to vector<16xi32>
          tpu.vector_store %arg7[%swap3A_425], %swap3A_428 {strides = array<i32>} : memref<2048xi32, #tpu.memory_space<vmem>>, vector<16xi32>,
          %add3A_429 = arith.constant 128 : i32
          %add3A_430 = vector.broadcast %add3A_429 : i32 to vector<16xi32>
          %add3A_431 = arith.addi %or3A_422, %add3A_430 : vector<16xi32>
          %add3A_432 = arith.constant 1024 : i32
          %add3A_433 = arith.addi %add3A_432, %mul3A_354 : i32
          %add3A_434 = arith.constant 32 : i32
          %add3A_435 = arith.addi %add3A_433, %add3A_434 : i32
          %swap3A_436 = arith.index_cast %add3A_435 : i32 to index
          %swap3A_437 = tpu.vector_load %arg7[%swap3A_436] {strides = array<i32>} : memref<2048xi32, #tpu.memory_space<vmem>>, vector<16xi32>,
          %swap3A_438 = vector.shape_cast %swap3A_437 : vector<16xi32> to vector<16xi32>
          %swap3A_439 = vector.shape_cast %add3A_431 : vector<16xi32> to vector<16xi32>
          tpu.vector_store %arg7[%swap3A_436], %swap3A_439 {strides = array<i32>} : memref<2048xi32, #tpu.memory_space<vmem>>, vector<16xi32>,
          %and3A_440 = arith.constant 524287 : i32
          %and3A_441 = vector.broadcast %and3A_440 : i32 to vector<16xi32>
          %and3A_442 = arith.andi %xor3A_348, %and3A_441 : vector<16xi32>
          %shift_right_arithmetic3A_443 = arith.constant 7 : i32
          %shift_right_arithmetic3A_444 = vector.broadcast %shift_right_arithmetic3A_443 : i32 to vector<16xi32>
          %shift_right_arithmetic3A_445 = arith.shrsi %and3A_442, %shift_right_arithmetic3A_444 : vector<16xi32>
          %shift_left3A_446 = arith.constant 8 : i32
          %shift_left3A_447 = vector.broadcast %shift_left3A_446 : i32 to vector<16xi32>
          %shift_left3A_448 = arith.shli %shift_right_arithmetic3A_445, %shift_left3A_447 : vector<16xi32>
          %and3A_449 = arith.constant 127 : i32
          %and3A_450 = vector.broadcast %and3A_449 : i32 to vector<16xi32>
          %and3A_451 = arith.andi %and3A_442, %and3A_450 : vector<16xi32>
          %or3A_452 = arith.ori %shift_left3A_448, %and3A_451 : vector<16xi32>
          %add3A_453 = arith.constant 48 : i32
          %add3A_454 = arith.addi %mul3A_354, %add3A_453 : i32
          %swap3A_455 = arith.index_cast %add3A_454 : i32 to index
          %swap3A_456 = tpu.vector_load %arg7[%swap3A_455] {strides = array<i32>} : memref<2048xi32, #tpu.memory_space<vmem>>, vector<16xi32>,
          %swap3A_457 = vector.shape_cast %swap3A_456 : vector<16xi32> to vector<16xi32>
          %swap3A_458 = vector.shape_cast %or3A_452 : vector<16xi32> to vector<16xi32>
          tpu.vector_store %arg7[%swap3A_455], %swap3A_458 {strides = array<i32>} : memref<2048xi32, #tpu.memory_space<vmem>>, vector<16xi32>,
          %add3A_459 = arith.constant 128 : i32
          %add3A_460 = vector.broadcast %add3A_459 : i32 to vector<16xi32>
          %add3A_461 = arith.addi %or3A_452, %add3A_460 : vector<16xi32>
          %add3A_462 = arith.constant 1024 : i32
          %add3A_463 = arith.addi %add3A_462, %mul3A_354 : i32
          %add3A_464 = arith.constant 48 : i32
          %add3A_465 = arith.addi %add3A_463, %add3A_464 : i32
          %swap3A_466 = arith.index_cast %add3A_465 : i32 to index
          %swap3A_467 = tpu.vector_load %arg7[%swap3A_466] {strides = array<i32>} : memref<2048xi32, #tpu.memory_space<vmem>>, vector<16xi32>,
          %swap3A_468 = vector.shape_cast %swap3A_467 : vector<16xi32> to vector<16xi32>
          %swap3A_469 = vector.shape_cast %add3A_461 : vector<16xi32> to vector<16xi32>
          tpu.vector_store %arg7[%swap3A_466], %swap3A_469 {strides = array<i32>} : memref<2048xi32, #tpu.memory_space<vmem>>, vector<16xi32>,
          %and3A_470 = arith.constant 524287 : i32
          %and3A_471 = vector.broadcast %and3A_470 : i32 to vector<16xi32>
          %and3A_472 = arith.andi %xor3A_349, %and3A_471 : vector<16xi32>
          %shift_right_arithmetic3A_473 = arith.constant 7 : i32
          %shift_right_arithmetic3A_474 = vector.broadcast %shift_right_arithmetic3A_473 : i32 to vector<16xi32>
          %shift_right_arithmetic3A_475 = arith.shrsi %and3A_472, %shift_right_arithmetic3A_474 : vector<16xi32>
          %shift_left3A_476 = arith.constant 8 : i32
          %shift_left3A_477 = vector.broadcast %shift_left3A_476 : i32 to vector<16xi32>
          %shift_left3A_478 = arith.shli %shift_right_arithmetic3A_475, %shift_left3A_477 : vector<16xi32>
          %and3A_479 = arith.constant 127 : i32
          %and3A_480 = vector.broadcast %and3A_479 : i32 to vector<16xi32>
          %and3A_481 = arith.andi %and3A_472, %and3A_480 : vector<16xi32>
          %or3A_482 = arith.ori %shift_left3A_478, %and3A_481 : vector<16xi32>
          %add3A_483 = arith.constant 64 : i32
          %add3A_484 = arith.addi %mul3A_354, %add3A_483 : i32
          %swap3A_485 = arith.index_cast %add3A_484 : i32 to index
          %swap3A_486 = tpu.vector_load %arg7[%swap3A_485] {strides = array<i32>} : memref<2048xi32, #tpu.memory_space<vmem>>, vector<16xi32>,
          %swap3A_487 = vector.shape_cast %swap3A_486 : vector<16xi32> to vector<16xi32>
          %swap3A_488 = vector.shape_cast %or3A_482 : vector<16xi32> to vector<16xi32>
          tpu.vector_store %arg7[%swap3A_485], %swap3A_488 {strides = array<i32>} : memref<2048xi32, #tpu.memory_space<vmem>>, vector<16xi32>,
          %add3A_489 = arith.constant 128 : i32
          %add3A_490 = vector.broadcast %add3A_489 : i32 to vector<16xi32>
          %add3A_491 = arith.addi %or3A_482, %add3A_490 : vector<16xi32>
          %add3A_492 = arith.constant 1024 : i32
          %add3A_493 = arith.addi %add3A_492, %mul3A_354 : i32
          %add3A_494 = arith.constant 64 : i32
          %add3A_495 = arith.addi %add3A_493, %add3A_494 : i32
          %swap3A_496 = arith.index_cast %add3A_495 : i32 to index
          %swap3A_497 = tpu.vector_load %arg7[%swap3A_496] {strides = array<i32>} : memref<2048xi32, #tpu.memory_space<vmem>>, vector<16xi32>,
          %swap3A_498 = vector.shape_cast %swap3A_497 : vector<16xi32> to vector<16xi32>
          %swap3A_499 = vector.shape_cast %add3A_491 : vector<16xi32> to vector<16xi32>
          tpu.vector_store %arg7[%swap3A_496], %swap3A_499 {strides = array<i32>} : memref<2048xi32, #tpu.memory_space<vmem>>, vector<16xi32>,
          %and3A_500 = arith.constant 524287 : i32
          %and3A_501 = vector.broadcast %and3A_500 : i32 to vector<16xi32>
          %and3A_502 = arith.andi %xor3A_350, %and3A_501 : vector<16xi32>
          %shift_right_arithmetic3A_503 = arith.constant 7 : i32
          %shift_right_arithmetic3A_504 = vector.broadcast %shift_right_arithmetic3A_503 : i32 to vector<16xi32>
          %shift_right_arithmetic3A_505 = arith.shrsi %and3A_502, %shift_right_arithmetic3A_504 : vector<16xi32>
          %shift_left3A_506 = arith.constant 8 : i32
          %shift_left3A_507 = vector.broadcast %shift_left3A_506 : i32 to vector<16xi32>
          %shift_left3A_508 = arith.shli %shift_right_arithmetic3A_505, %shift_left3A_507 : vector<16xi32>
          %and3A_509 = arith.constant 127 : i32
          %and3A_510 = vector.broadcast %and3A_509 : i32 to vector<16xi32>
          %and3A_511 = arith.andi %and3A_502, %and3A_510 : vector<16xi32>
          %or3A_512 = arith.ori %shift_left3A_508, %and3A_511 : vector<16xi32>
          %add3A_513 = arith.constant 80 : i32
          %add3A_514 = arith.addi %mul3A_354, %add3A_513 : i32
          %swap3A_515 = arith.index_cast %add3A_514 : i32 to index
          %swap3A_516 = tpu.vector_load %arg7[%swap3A_515] {strides = array<i32>} : memref<2048xi32, #tpu.memory_space<vmem>>, vector<16xi32>,
          %swap3A_517 = vector.shape_cast %swap3A_516 : vector<16xi32> to vector<16xi32>
          %swap3A_518 = vector.shape_cast %or3A_512 : vector<16xi32> to vector<16xi32>
          tpu.vector_store %arg7[%swap3A_515], %swap3A_518 {strides = array<i32>} : memref<2048xi32, #tpu.memory_space<vmem>>, vector<16xi32>,
          %add3A_519 = arith.constant 128 : i32
          %add3A_520 = vector.broadcast %add3A_519 : i32 to vector<16xi32>
          %add3A_521 = arith.addi %or3A_512, %add3A_520 : vector<16xi32>
          %add3A_522 = arith.constant 1024 : i32
          %add3A_523 = arith.addi %add3A_522, %mul3A_354 : i32
          %add3A_524 = arith.constant 80 : i32
          %add3A_525 = arith.addi %add3A_523, %add3A_524 : i32
          %swap3A_526 = arith.index_cast %add3A_525 : i32 to index
          %swap3A_527 = tpu.vector_load %arg7[%swap3A_526] {strides = array<i32>} : memref<2048xi32, #tpu.memory_space<vmem>>, vector<16xi32>,
          %swap3A_528 = vector.shape_cast %swap3A_527 : vector<16xi32> to vector<16xi32>
          %swap3A_529 = vector.shape_cast %add3A_521 : vector<16xi32> to vector<16xi32>
          tpu.vector_store %arg7[%swap3A_526], %swap3A_529 {strides = array<i32>} : memref<2048xi32, #tpu.memory_space<vmem>>, vector<16xi32>,
          %and3A_530 = arith.constant 524287 : i32
          %and3A_531 = vector.broadcast %and3A_530 : i32 to vector<16xi32>
          %and3A_532 = arith.andi %xor3A_351, %and3A_531 : vector<16xi32>
          %shift_right_arithmetic3A_533 = arith.constant 7 : i32
          %shift_right_arithmetic3A_534 = vector.broadcast %shift_right_arithmetic3A_533 : i32 to vector<16xi32>
          %shift_right_arithmetic3A_535 = arith.shrsi %and3A_532, %shift_right_arithmetic3A_534 : vector<16xi32>
          %shift_left3A_536 = arith.constant 8 : i32
          %shift_left3A_537 = vector.broadcast %shift_left3A_536 : i32 to vector<16xi32>
          %shift_left3A_538 = arith.shli %shift_right_arithmetic3A_535, %shift_left3A_537 : vector<16xi32>
          %and3A_539 = arith.constant 127 : i32
          %and3A_540 = vector.broadcast %and3A_539 : i32 to vector<16xi32>
          %and3A_541 = arith.andi %and3A_532, %and3A_540 : vector<16xi32>
          %or3A_542 = arith.ori %shift_left3A_538, %and3A_541 : vector<16xi32>
          %add3A_543 = arith.constant 96 : i32
          %add3A_544 = arith.addi %mul3A_354, %add3A_543 : i32
          %swap3A_545 = arith.index_cast %add3A_544 : i32 to index
          %swap3A_546 = tpu.vector_load %arg7[%swap3A_545] {strides = array<i32>} : memref<2048xi32, #tpu.memory_space<vmem>>, vector<16xi32>,
          %swap3A_547 = vector.shape_cast %swap3A_546 : vector<16xi32> to vector<16xi32>
          %swap3A_548 = vector.shape_cast %or3A_542 : vector<16xi32> to vector<16xi32>
          tpu.vector_store %arg7[%swap3A_545], %swap3A_548 {strides = array<i32>} : memref<2048xi32, #tpu.memory_space<vmem>>, vector<16xi32>,
          %add3A_549 = arith.constant 128 : i32
          %add3A_550 = vector.broadcast %add3A_549 : i32 to vector<16xi32>
          %add3A_551 = arith.addi %or3A_542, %add3A_550 : vector<16xi32>
          %add3A_552 = arith.constant 1024 : i32
          %add3A_553 = arith.addi %add3A_552, %mul3A_354 : i32
          %add3A_554 = arith.constant 96 : i32
          %add3A_555 = arith.addi %add3A_553, %add3A_554 : i32
          %swap3A_556 = arith.index_cast %add3A_555 : i32 to index
          %swap3A_557 = tpu.vector_load %arg7[%swap3A_556] {strides = array<i32>} : memref<2048xi32, #tpu.memory_space<vmem>>, vector<16xi32>,
          %swap3A_558 = vector.shape_cast %swap3A_557 : vector<16xi32> to vector<16xi32>
          %swap3A_559 = vector.shape_cast %add3A_551 : vector<16xi32> to vector<16xi32>
          tpu.vector_store %arg7[%swap3A_556], %swap3A_559 {strides = array<i32>} : memref<2048xi32, #tpu.memory_space<vmem>>, vector<16xi32>,
          %and3A_560 = arith.constant 524287 : i32
          %and3A_561 = vector.broadcast %and3A_560 : i32 to vector<16xi32>
          %and3A_562 = arith.andi %xor3A_352, %and3A_561 : vector<16xi32>
          %shift_right_arithmetic3A_563 = arith.constant 7 : i32
          %shift_right_arithmetic3A_564 = vector.broadcast %shift_right_arithmetic3A_563 : i32 to vector<16xi32>
          %shift_right_arithmetic3A_565 = arith.shrsi %and3A_562, %shift_right_arithmetic3A_564 : vector<16xi32>
          %shift_left3A_566 = arith.constant 8 : i32
          %shift_left3A_567 = vector.broadcast %shift_left3A_566 : i32 to vector<16xi32>
          %shift_left3A_568 = arith.shli %shift_right_arithmetic3A_565, %shift_left3A_567 : vector<16xi32>
          %and3A_569 = arith.constant 127 : i32
          %and3A_570 = vector.broadcast %and3A_569 : i32 to vector<16xi32>
          %and3A_571 = arith.andi %and3A_562, %and3A_570 : vector<16xi32>
          %or3A_572 = arith.ori %shift_left3A_568, %and3A_571 : vector<16xi32>
          %add3A_573 = arith.constant 112 : i32
          %add3A_574 = arith.addi %mul3A_354, %add3A_573 : i32
          %swap3A_575 = arith.index_cast %add3A_574 : i32 to index
          %swap3A_576 = tpu.vector_load %arg7[%swap3A_575] {strides = array<i32>} : memref<2048xi32, #tpu.memory_space<vmem>>, vector<16xi32>,
          %swap3A_577 = vector.shape_cast %swap3A_576 : vector<16xi32> to vector<16xi32>
          %swap3A_578 = vector.shape_cast %or3A_572 : vector<16xi32> to vector<16xi32>
          tpu.vector_store %arg7[%swap3A_575], %swap3A_578 {strides = array<i32>} : memref<2048xi32, #tpu.memory_space<vmem>>, vector<16xi32>,
          %add3A_579 = arith.constant 128 : i32
          %add3A_580 = vector.broadcast %add3A_579 : i32 to vector<16xi32>
          %add3A_581 = arith.addi %or3A_572, %add3A_580 : vector<16xi32>
          %add3A_582 = arith.constant 1024 : i32
          %add3A_583 = arith.addi %add3A_582, %mul3A_354 : i32
          %add3A_584 = arith.constant 112 : i32
          %add3A_585 = arith.addi %add3A_583, %add3A_584 : i32
          %swap3A_586 = arith.index_cast %add3A_585 : i32 to index
          %swap3A_587 = tpu.vector_load %arg7[%swap3A_586] {strides = array<i32>} : memref<2048xi32, #tpu.memory_space<vmem>>, vector<16xi32>,
          %swap3A_588 = vector.shape_cast %swap3A_587 : vector<16xi32> to vector<16xi32>
          %swap3A_589 = vector.shape_cast %add3A_581 : vector<16xi32> to vector<16xi32>
          tpu.vector_store %arg7[%swap3A_586], %swap3A_589 {strides = array<i32>} : memref<2048xi32, #tpu.memory_space<vmem>>, vector<16xi32>,
        }
        %scan3A_214 = arith.constant 8 : i32
        %dma_start3A_215 = arith.constant 0 : i32
        %dma_start3A_216 = tpu.memref_slice %arg9[%dma_start3A_215] : memref<2048xf32, #tpu.memory_space<vmem>> -> memref<512xf32, #tpu.memory_space<vmem>>
        %dma_start3A_217 = arith.constant 0 : i32
        %dma_start3A_218 = tpu.memref_slice %arg7[%dma_start3A_217] : memref<2048xi32, #tpu.memory_space<vmem>> -> memref<512xi32, #tpu.memory_space<vmem>>
        %dma_start3A_219 = arith.constant 0 : i32
        %dma_start3A_220 = tpu.memref_slice %arg11[%dma_start3A_219] : memref<1048576xf32, #tpu.memory_space<vmem_shared>> -> memref<1048576xf32, #tpu.memory_space<vmem_shared>>
        tpu.enqueue_indirect_dma source(%dma_start3A_220 : memref<1048576xf32, #tpu.memory_space<vmem_shared>>) target(%dma_start3A_216 : memref<512xf32, #tpu.memory_space<vmem>>) offsets(%dma_start3A_218 : memref<512xi32, #tpu.memory_space<vmem>>) semaphore(%arg13 : memref<!tpu.dma_semaphore, #tpu.memory_space<semaphore_mem>>)
        %dma_start3A_221 = arith.constant 512 : i32
        %dma_start3A_222 = tpu.memref_slice %arg9[%dma_start3A_221] : memref<2048xf32, #tpu.memory_space<vmem>> -> memref<512xf32, #tpu.memory_space<vmem>>
        %dma_start3A_223 = arith.constant 512 : i32
        %dma_start3A_224 = tpu.memref_slice %arg7[%dma_start3A_223] : memref<2048xi32, #tpu.memory_space<vmem>> -> memref<512xi32, #tpu.memory_space<vmem>>
        %dma_start3A_225 = arith.constant 0 : i32
        %dma_start3A_226 = tpu.memref_slice %arg11[%dma_start3A_225] : memref<1048576xf32, #tpu.memory_space<vmem_shared>> -> memref<1048576xf32, #tpu.memory_space<vmem_shared>>
        tpu.enqueue_indirect_dma source(%dma_start3A_226 : memref<1048576xf32, #tpu.memory_space<vmem_shared>>) target(%dma_start3A_222 : memref<512xf32, #tpu.memory_space<vmem>>) offsets(%dma_start3A_224 : memref<512xi32, #tpu.memory_space<vmem>>) semaphore(%arg13 : memref<!tpu.dma_semaphore, #tpu.memory_space<semaphore_mem>>)
        %dma_start3A_227 = arith.constant 1024 : i32
        %dma_start3A_228 = tpu.memref_slice %arg9[%dma_start3A_227] : memref<2048xf32, #tpu.memory_space<vmem>> -> memref<512xf32, #tpu.memory_space<vmem>>
        %dma_start3A_229 = arith.constant 1024 : i32
        %dma_start3A_230 = tpu.memref_slice %arg7[%dma_start3A_229] : memref<2048xi32, #tpu.memory_space<vmem>> -> memref<512xi32, #tpu.memory_space<vmem>>
        %dma_start3A_231 = arith.constant 0 : i32
        %dma_start3A_232 = tpu.memref_slice %arg11[%dma_start3A_231] : memref<1048576xf32, #tpu.memory_space<vmem_shared>> -> memref<1048576xf32, #tpu.memory_space<vmem_shared>>
        tpu.enqueue_indirect_dma source(%dma_start3A_232 : memref<1048576xf32, #tpu.memory_space<vmem_shared>>) target(%dma_start3A_228 : memref<512xf32, #tpu.memory_space<vmem>>) offsets(%dma_start3A_230 : memref<512xi32, #tpu.memory_space<vmem>>) semaphore(%arg13 : memref<!tpu.dma_semaphore, #tpu.memory_space<semaphore_mem>>)
        %dma_start3A_233 = arith.constant 1536 : i32
        %dma_start3A_234 = tpu.memref_slice %arg9[%dma_start3A_233] : memref<2048xf32, #tpu.memory_space<vmem>> -> memref<512xf32, #tpu.memory_space<vmem>>
        %dma_start3A_235 = arith.constant 1536 : i32
        %dma_start3A_236 = tpu.memref_slice %arg7[%dma_start3A_235] : memref<2048xi32, #tpu.memory_space<vmem>> -> memref<512xi32, #tpu.memory_space<vmem>>
        %dma_start3A_237 = arith.constant 0 : i32
        %dma_start3A_238 = tpu.memref_slice %arg11[%dma_start3A_237] : memref<1048576xf32, #tpu.memory_space<vmem_shared>> -> memref<1048576xf32, #tpu.memory_space<vmem_shared>>
        tpu.enqueue_indirect_dma source(%dma_start3A_238 : memref<1048576xf32, #tpu.memory_space<vmem_shared>>) target(%dma_start3A_234 : memref<512xf32, #tpu.memory_space<vmem>>) offsets(%dma_start3A_236 : memref<512xi32, #tpu.memory_space<vmem>>) semaphore(%arg13 : memref<!tpu.dma_semaphore, #tpu.memory_space<semaphore_mem>>)
        %dma_wait3A_239 = arith.constant 0 : i32
        %dma_wait3A_240 = tpu.memref_slice %arg3[%dma_wait3A_239] : memref<16777216xf32, #tpu.memory_space<hbm>> -> memref<2048xf32, #tpu.memory_space<hbm>>
        %dma_wait3A_241 = arith.constant 0 : i32
        %dma_wait3A_242 = tpu.memref_slice %arg3[%dma_wait3A_241] : memref<16777216xf32, #tpu.memory_space<hbm>> -> memref<2048xf32, #tpu.memory_space<hbm>>
        tpu.wait_dma2 semaphore(%arg12 : memref<!tpu.dma_semaphore, #tpu.memory_space<semaphore_mem>>) src(%dma_wait3A_242 : memref<2048xf32, #tpu.memory_space<hbm>>) dst(%arg8 : memref<2048xf32, #tpu.memory_space<vmem>>)
        %mul3A_243 = arith.constant 2 : i32
        %mul3A_244 = arith.muli %mul3A_243, %scan3A_205 : i32
        %scan3A_245 = arith.constant 0 : i32
        %scan3A_246 = arith.constant 8 : i32
        %scan3A_247 = arith.addi %scan3A_245, %scan3A_246 : i32
        %scan3A_248 = arith.constant 1 : i32
        scf.for %scan3A_296 = %scan3A_245 to %scan3A_247 step %scan3A_248  : i32 {
          %mul3A_297 = arith.constant 128 : i32
          %mul3A_298 = arith.muli %mul3A_244, %mul3A_297 : i32
          %mul3A_299 = arith.constant 16 : i32
          %mul3A_300 = arith.muli %scan3A_296, %mul3A_299 : i32
          %add3A_301 = arith.addi %mul3A_298, %mul3A_300 : i32
          %get3A = arith.constant 0 : i32
          %get3A_302 = arith.index_cast %get3A : i32 to index
          %get3A_303 = arith.index_cast %add3A_301 : i32 to index
          %get3A_304 = tpu.vector_load %arg5[%get3A_302, %get3A_303] {strides = array<i32>} : memref<3x8192xf32, #tpu.memory_space<vmem>>, vector<1x16xf32>,
          %get3A_305 = vector.shape_cast %get3A_304 : vector<1x16xf32> to vector<16xf32>
          %get3A_306 = arith.constant 1 : i32
          %get3A_307 = arith.index_cast %get3A_306 : i32 to index
          %get3A_308 = arith.index_cast %add3A_301 : i32 to index
          %get3A_309 = tpu.vector_load %arg5[%get3A_307, %get3A_308] {strides = array<i32>} : memref<3x8192xf32, #tpu.memory_space<vmem>>, vector<1x16xf32>,
          %get3A_310 = vector.shape_cast %get3A_309 : vector<1x16xf32> to vector<16xf32>
          %get3A_311 = arith.constant 2 : i32
          %get3A_312 = arith.index_cast %get3A_311 : i32 to index
          %get3A_313 = arith.index_cast %add3A_301 : i32 to index
          %get3A_314 = tpu.vector_load %arg5[%get3A_312, %get3A_313] {strides = array<i32>} : memref<3x8192xf32, #tpu.memory_space<vmem>>, vector<1x16xf32>,
          %get3A_315 = vector.shape_cast %get3A_314 : vector<1x16xf32> to vector<16xf32>
          %mul3A_316 = arith.mulf %get3A_305, %select_n3A_118 : vector<16xf32>
          %mul3A_317 = arith.mulf %get3A_310, %select_n3A_118 : vector<16xf32>
          %mul3A_318 = arith.mulf %get3A_315, %select_n3A_118 : vector<16xf32>
          %convert_element_type3A_319 = arith.fptosi %mul3A_316 : vector<16xf32> to vector<16xi32>
          %convert_element_type3A_320 = arith.fptosi %mul3A_317 : vector<16xf32> to vector<16xi32>
          %convert_element_type3A_321 = arith.fptosi %mul3A_318 : vector<16xf32> to vector<16xi32>
          %convert_element_type3A_322 = arith.sitofp %convert_element_type3A_319 : vector<16xi32> to vector<16xf32>
          %sub3A = arith.subf %mul3A_316, %convert_element_type3A_322 : vector<16xf32>
          %convert_element_type3A_323 = arith.sitofp %convert_element_type3A_320 : vector<16xi32> to vector<16xf32>
          %sub3A_324 = arith.subf %mul3A_317, %convert_element_type3A_323 : vector<16xf32>
          %convert_element_type3A_325 = arith.sitofp %convert_element_type3A_321 : vector<16xi32> to vector<16xf32>
          %sub3A_326 = arith.subf %mul3A_318, %convert_element_type3A_325 : vector<16xf32>
          %sub3A_327 = arith.constant 1.000000e+00 : f32
          %sub3A_328 = vector.broadcast %sub3A_327 : f32 to vector<16xf32>
          %sub3A_329 = arith.subf %sub3A_328, %sub3A : vector<16xf32>
          %sub3A_330 = arith.constant 1.000000e+00 : f32
          %sub3A_331 = vector.broadcast %sub3A_330 : f32 to vector<16xf32>
          %sub3A_332 = arith.subf %sub3A_331, %sub3A_324 : vector<16xf32>
          %sub3A_333 = arith.constant 1.000000e+00 : f32
          %sub3A_334 = vector.broadcast %sub3A_333 : f32 to vector<16xf32>
          %sub3A_335 = arith.subf %sub3A_334, %sub3A_326 : vector<16xf32>
          %mul3A_336 = arith.mulf %sub3A_329, %sub3A_332 : vector<16xf32>
          %mul3A_337 = arith.mulf %sub3A_329, %sub3A_324 : vector<16xf32>
          %mul3A_338 = arith.mulf %sub3A, %sub3A_332 : vector<16xf32>
          %mul3A_339 = arith.mulf %sub3A, %sub3A_324 : vector<16xf32>
          %broadcast_in_dim3A_340 = arith.constant 0.000000e+00 : f32
          %broadcast_in_dim3A_341 = vector.broadcast %broadcast_in_dim3A_340 : f32 to vector<16xf32>
          %broadcast_in_dim3A_342 = arith.constant 0.000000e+00 : f32
          %broadcast_in_dim3A_343 = vector.broadcast %broadcast_in_dim3A_342 : f32 to vector<16xf32>
          %mul3A_344 = arith.constant 128 : i32
          %mul3A_345 = arith.muli %scan3A_296, %mul3A_344 : i32
          %mul3A_346 = arith.mulf %mul3A_336, %sub3A_335 : vector<16xf32>
          %add3A_347 = arith.constant 0 : i32
          %add3A_348 = arith.addi %mul3A_345, %add3A_347 : i32
          %get3A_349 = arith.index_cast %add3A_348 : i32 to index
          %get3A_350 = tpu.vector_load %arg8[%get3A_349] {strides = array<i32>} : memref<2048xf32, #tpu.memory_space<vmem>>, vector<16xf32>,
          %get3A_351 = vector.shape_cast %get3A_350 : vector<16xf32> to vector<16xf32>
          %add3A_352 = arith.constant 1024 : i32
          %add3A_353 = arith.addi %add3A_352, %mul3A_345 : i32
          %add3A_354 = arith.constant 0 : i32
          %add3A_355 = arith.addi %add3A_353, %add3A_354 : i32
          %get3A_356 = arith.index_cast %add3A_355 : i32 to index
          %get3A_357 = tpu.vector_load %arg8[%get3A_356] {strides = array<i32>} : memref<2048xf32, #tpu.memory_space<vmem>>, vector<16xf32>,
          %get3A_358 = vector.shape_cast %get3A_357 : vector<16xf32> to vector<16xf32>
          %mul3A_359 = arith.mulf %mul3A_346, %get3A_351 : vector<16xf32>
          %add3A_360 = arith.addf %broadcast_in_dim3A_341, %mul3A_359 : vector<16xf32>
          %mul3A_361 = arith.mulf %mul3A_346, %get3A_358 : vector<16xf32>
          %add3A_362 = arith.addf %broadcast_in_dim3A_343, %mul3A_361 : vector<16xf32>
          %mul3A_363 = arith.mulf %mul3A_336, %sub3A_326 : vector<16xf32>
          %add3A_364 = arith.constant 16 : i32
          %add3A_365 = arith.addi %mul3A_345, %add3A_364 : i32
          %get3A_366 = arith.index_cast %add3A_365 : i32 to index
          %get3A_367 = tpu.vector_load %arg8[%get3A_366] {strides = array<i32>} : memref<2048xf32, #tpu.memory_space<vmem>>, vector<16xf32>,
          %get3A_368 = vector.shape_cast %get3A_367 : vector<16xf32> to vector<16xf32>
          %add3A_369 = arith.constant 1024 : i32
          %add3A_370 = arith.addi %add3A_369, %mul3A_345 : i32
          %add3A_371 = arith.constant 16 : i32
          %add3A_372 = arith.addi %add3A_370, %add3A_371 : i32
          %get3A_373 = arith.index_cast %add3A_372 : i32 to index
          %get3A_374 = tpu.vector_load %arg8[%get3A_373] {strides = array<i32>} : memref<2048xf32, #tpu.memory_space<vmem>>, vector<16xf32>,
          %get3A_375 = vector.shape_cast %get3A_374 : vector<16xf32> to vector<16xf32>
          %mul3A_376 = arith.mulf %mul3A_363, %get3A_368 : vector<16xf32>
          %add3A_377 = arith.addf %add3A_360, %mul3A_376 : vector<16xf32>
          %mul3A_378 = arith.mulf %mul3A_363, %get3A_375 : vector<16xf32>
          %add3A_379 = arith.addf %add3A_362, %mul3A_378 : vector<16xf32>
          %mul3A_380 = arith.mulf %mul3A_337, %sub3A_335 : vector<16xf32>
          %add3A_381 = arith.constant 32 : i32
          %add3A_382 = arith.addi %mul3A_345, %add3A_381 : i32
          %get3A_383 = arith.index_cast %add3A_382 : i32 to index
          %get3A_384 = tpu.vector_load %arg8[%get3A_383] {strides = array<i32>} : memref<2048xf32, #tpu.memory_space<vmem>>, vector<16xf32>,
          %get3A_385 = vector.shape_cast %get3A_384 : vector<16xf32> to vector<16xf32>
          %add3A_386 = arith.constant 1024 : i32
          %add3A_387 = arith.addi %add3A_386, %mul3A_345 : i32
          %add3A_388 = arith.constant 32 : i32
          %add3A_389 = arith.addi %add3A_387, %add3A_388 : i32
          %get3A_390 = arith.index_cast %add3A_389 : i32 to index
          %get3A_391 = tpu.vector_load %arg8[%get3A_390] {strides = array<i32>} : memref<2048xf32, #tpu.memory_space<vmem>>, vector<16xf32>,
          %get3A_392 = vector.shape_cast %get3A_391 : vector<16xf32> to vector<16xf32>
          %mul3A_393 = arith.mulf %mul3A_380, %get3A_385 : vector<16xf32>
          %add3A_394 = arith.addf %add3A_377, %mul3A_393 : vector<16xf32>
          %mul3A_395 = arith.mulf %mul3A_380, %get3A_392 : vector<16xf32>
          %add3A_396 = arith.addf %add3A_379, %mul3A_395 : vector<16xf32>
          %mul3A_397 = arith.mulf %mul3A_337, %sub3A_326 : vector<16xf32>
          %add3A_398 = arith.constant 48 : i32
          %add3A_399 = arith.addi %mul3A_345, %add3A_398 : i32
          %get3A_400 = arith.index_cast %add3A_399 : i32 to index
          %get3A_401 = tpu.vector_load %arg8[%get3A_400] {strides = array<i32>} : memref<2048xf32, #tpu.memory_space<vmem>>, vector<16xf32>,
          %get3A_402 = vector.shape_cast %get3A_401 : vector<16xf32> to vector<16xf32>
          %add3A_403 = arith.constant 1024 : i32
          %add3A_404 = arith.addi %add3A_403, %mul3A_345 : i32
          %add3A_405 = arith.constant 48 : i32
          %add3A_406 = arith.addi %add3A_404, %add3A_405 : i32
          %get3A_407 = arith.index_cast %add3A_406 : i32 to index
          %get3A_408 = tpu.vector_load %arg8[%get3A_407] {strides = array<i32>} : memref<2048xf32, #tpu.memory_space<vmem>>, vector<16xf32>,
          %get3A_409 = vector.shape_cast %get3A_408 : vector<16xf32> to vector<16xf32>
          %mul3A_410 = arith.mulf %mul3A_397, %get3A_402 : vector<16xf32>
          %add3A_411 = arith.addf %add3A_394, %mul3A_410 : vector<16xf32>
          %mul3A_412 = arith.mulf %mul3A_397, %get3A_409 : vector<16xf32>
          %add3A_413 = arith.addf %add3A_396, %mul3A_412 : vector<16xf32>
          %mul3A_414 = arith.mulf %mul3A_338, %sub3A_335 : vector<16xf32>
          %add3A_415 = arith.constant 64 : i32
          %add3A_416 = arith.addi %mul3A_345, %add3A_415 : i32
          %get3A_417 = arith.index_cast %add3A_416 : i32 to index
          %get3A_418 = tpu.vector_load %arg8[%get3A_417] {strides = array<i32>} : memref<2048xf32, #tpu.memory_space<vmem>>, vector<16xf32>,
          %get3A_419 = vector.shape_cast %get3A_418 : vector<16xf32> to vector<16xf32>
          %add3A_420 = arith.constant 1024 : i32
          %add3A_421 = arith.addi %add3A_420, %mul3A_345 : i32
          %add3A_422 = arith.constant 64 : i32
          %add3A_423 = arith.addi %add3A_421, %add3A_422 : i32
          %get3A_424 = arith.index_cast %add3A_423 : i32 to index
          %get3A_425 = tpu.vector_load %arg8[%get3A_424] {strides = array<i32>} : memref<2048xf32, #tpu.memory_space<vmem>>, vector<16xf32>,
          %get3A_426 = vector.shape_cast %get3A_425 : vector<16xf32> to vector<16xf32>
          %mul3A_427 = arith.mulf %mul3A_414, %get3A_419 : vector<16xf32>
          %add3A_428 = arith.addf %add3A_411, %mul3A_427 : vector<16xf32>
          %mul3A_429 = arith.mulf %mul3A_414, %get3A_426 : vector<16xf32>
          %add3A_430 = arith.addf %add3A_413, %mul3A_429 : vector<16xf32>
          %mul3A_431 = arith.mulf %mul3A_338, %sub3A_326 : vector<16xf32>
          %add3A_432 = arith.constant 80 : i32
          %add3A_433 = arith.addi %mul3A_345, %add3A_432 : i32
          %get3A_434 = arith.index_cast %add3A_433 : i32 to index
          %get3A_435 = tpu.vector_load %arg8[%get3A_434] {strides = array<i32>} : memref<2048xf32, #tpu.memory_space<vmem>>, vector<16xf32>,
          %get3A_436 = vector.shape_cast %get3A_435 : vector<16xf32> to vector<16xf32>
          %add3A_437 = arith.constant 1024 : i32
          %add3A_438 = arith.addi %add3A_437, %mul3A_345 : i32
          %add3A_439 = arith.constant 80 : i32
          %add3A_440 = arith.addi %add3A_438, %add3A_439 : i32
          %get3A_441 = arith.index_cast %add3A_440 : i32 to index
          %get3A_442 = tpu.vector_load %arg8[%get3A_441] {strides = array<i32>} : memref<2048xf32, #tpu.memory_space<vmem>>, vector<16xf32>,
          %get3A_443 = vector.shape_cast %get3A_442 : vector<16xf32> to vector<16xf32>
          %mul3A_444 = arith.mulf %mul3A_431, %get3A_436 : vector<16xf32>
          %add3A_445 = arith.addf %add3A_428, %mul3A_444 : vector<16xf32>
          %mul3A_446 = arith.mulf %mul3A_431, %get3A_443 : vector<16xf32>
          %add3A_447 = arith.addf %add3A_430, %mul3A_446 : vector<16xf32>
          %mul3A_448 = arith.mulf %mul3A_339, %sub3A_335 : vector<16xf32>
          %add3A_449 = arith.constant 96 : i32
          %add3A_450 = arith.addi %mul3A_345, %add3A_449 : i32
          %get3A_451 = arith.index_cast %add3A_450 : i32 to index
          %get3A_452 = tpu.vector_load %arg8[%get3A_451] {strides = array<i32>} : memref<2048xf32, #tpu.memory_space<vmem>>, vector<16xf32>,
          %get3A_453 = vector.shape_cast %get3A_452 : vector<16xf32> to vector<16xf32>
          %add3A_454 = arith.constant 1024 : i32
          %add3A_455 = arith.addi %add3A_454, %mul3A_345 : i32
          %add3A_456 = arith.constant 96 : i32
          %add3A_457 = arith.addi %add3A_455, %add3A_456 : i32
          %get3A_458 = arith.index_cast %add3A_457 : i32 to index
          %get3A_459 = tpu.vector_load %arg8[%get3A_458] {strides = array<i32>} : memref<2048xf32, #tpu.memory_space<vmem>>, vector<16xf32>,
          %get3A_460 = vector.shape_cast %get3A_459 : vector<16xf32> to vector<16xf32>
          %mul3A_461 = arith.mulf %mul3A_448, %get3A_453 : vector<16xf32>
          %add3A_462 = arith.addf %add3A_445, %mul3A_461 : vector<16xf32>
          %mul3A_463 = arith.mulf %mul3A_448, %get3A_460 : vector<16xf32>
          %add3A_464 = arith.addf %add3A_447, %mul3A_463 : vector<16xf32>
          %mul3A_465 = arith.mulf %mul3A_339, %sub3A_326 : vector<16xf32>
          %add3A_466 = arith.constant 112 : i32
          %add3A_467 = arith.addi %mul3A_345, %add3A_466 : i32
          %get3A_468 = arith.index_cast %add3A_467 : i32 to index
          %get3A_469 = tpu.vector_load %arg8[%get3A_468] {strides = array<i32>} : memref<2048xf32, #tpu.memory_space<vmem>>, vector<16xf32>,
          %get3A_470 = vector.shape_cast %get3A_469 : vector<16xf32> to vector<16xf32>
          %add3A_471 = arith.constant 1024 : i32
          %add3A_472 = arith.addi %add3A_471, %mul3A_345 : i32
          %add3A_473 = arith.constant 112 : i32
          %add3A_474 = arith.addi %add3A_472, %add3A_473 : i32
          %get3A_475 = arith.index_cast %add3A_474 : i32 to index
          %get3A_476 = tpu.vector_load %arg8[%get3A_475] {strides = array<i32>} : memref<2048xf32, #tpu.memory_space<vmem>>, vector<16xf32>,
          %get3A_477 = vector.shape_cast %get3A_476 : vector<16xf32> to vector<16xf32>
          %mul3A_478 = arith.mulf %mul3A_465, %get3A_470 : vector<16xf32>
          %add3A_479 = arith.addf %add3A_462, %mul3A_478 : vector<16xf32>
          %mul3A_480 = arith.mulf %mul3A_465, %get3A_477 : vector<16xf32>
          %add3A_481 = arith.addf %add3A_464, %mul3A_480 : vector<16xf32>
          %mul3A_482 = arith.constant 128 : i32
          %mul3A_483 = arith.muli %mul3A_244, %mul3A_482 : i32
          %mul3A_484 = arith.constant 16 : i32
          %mul3A_485 = arith.muli %scan3A_296, %mul3A_484 : i32
          %add3A_486 = arith.addi %mul3A_483, %mul3A_485 : i32
          %swap3A = arith.constant 0 : i32
          %swap3A_487 = arith.index_cast %swap3A : i32 to index
          %swap3A_488 = arith.index_cast %add3A_486 : i32 to index
          %swap3A_489 = tpu.vector_load %arg10[%swap3A_487, %swap3A_488] {strides = array<i32>} : memref<2x8192xf32, #tpu.memory_space<vmem>>, vector<1x16xf32>,
          %swap3A_490 = vector.shape_cast %swap3A_489 : vector<1x16xf32> to vector<16xf32>
          %swap3A_491 = vector.shape_cast %add3A_479 : vector<16xf32> to vector<1x16xf32>
          tpu.vector_store %arg10[%swap3A_487, %swap3A_488], %swap3A_491 {strides = array<i32>} : memref<2x8192xf32, #tpu.memory_space<vmem>>, vector<1x16xf32>,
          %swap3A_492 = arith.constant 1 : i32
          %swap3A_493 = arith.index_cast %swap3A_492 : i32 to index
          %swap3A_494 = arith.index_cast %add3A_486 : i32 to index
          %swap3A_495 = tpu.vector_load %arg10[%swap3A_493, %swap3A_494] {strides = array<i32>} : memref<2x8192xf32, #tpu.memory_space<vmem>>, vector<1x16xf32>,
          %swap3A_496 = vector.shape_cast %swap3A_495 : vector<1x16xf32> to vector<16xf32>
          %swap3A_497 = vector.shape_cast %add3A_481 : vector<16xf32> to vector<1x16xf32>
          tpu.vector_store %arg10[%swap3A_493, %swap3A_494], %swap3A_497 {strides = array<i32>} : memref<2x8192xf32, #tpu.memory_space<vmem>>, vector<1x16xf32>,
        }
        %scan3A_249 = arith.constant 8 : i32
        %mul3A_250 = arith.constant 2 : i32
        %mul3A_251 = arith.muli %mul3A_250, %scan3A_205 : i32
        %add3A_252 = arith.constant 2 : i32
        %add3A_253 = arith.addi %mul3A_251, %add3A_252 : i32
        %scan3A_254 = arith.constant 0 : i32
        %scan3A_255 = arith.constant 8 : i32
        %scan3A_256 = arith.addi %scan3A_254, %scan3A_255 : i32
        %scan3A_257 = arith.constant 1 : i32
        scf.for %scan3A_296 = %scan3A_254 to %scan3A_256 step %scan3A_257  : i32 {
          %mul3A_297 = arith.constant 128 : i32
          %mul3A_298 = arith.muli %add3A_253, %mul3A_297 : i32
          %mul3A_299 = arith.constant 16 : i32
          %mul3A_300 = arith.muli %scan3A_296, %mul3A_299 : i32
          %add3A_301 = arith.addi %mul3A_298, %mul3A_300 : i32
          %get3A = arith.constant 0 : i32
          %get3A_302 = arith.index_cast %get3A : i32 to index
          %get3A_303 = arith.index_cast %add3A_301 : i32 to index
          %get3A_304 = tpu.vector_load %arg5[%get3A_302, %get3A_303] {strides = array<i32>} : memref<3x8192xf32, #tpu.memory_space<vmem>>, vector<1x16xf32>,
          %get3A_305 = vector.shape_cast %get3A_304 : vector<1x16xf32> to vector<16xf32>
          %get3A_306 = arith.constant 1 : i32
          %get3A_307 = arith.index_cast %get3A_306 : i32 to index
          %get3A_308 = arith.index_cast %add3A_301 : i32 to index
          %get3A_309 = tpu.vector_load %arg5[%get3A_307, %get3A_308] {strides = array<i32>} : memref<3x8192xf32, #tpu.memory_space<vmem>>, vector<1x16xf32>,
          %get3A_310 = vector.shape_cast %get3A_309 : vector<1x16xf32> to vector<16xf32>
          %get3A_311 = arith.constant 2 : i32
          %get3A_312 = arith.index_cast %get3A_311 : i32 to index
          %get3A_313 = arith.index_cast %add3A_301 : i32 to index
          %get3A_314 = tpu.vector_load %arg5[%get3A_312, %get3A_313] {strides = array<i32>} : memref<3x8192xf32, #tpu.memory_space<vmem>>, vector<1x16xf32>,
          %get3A_315 = vector.shape_cast %get3A_314 : vector<1x16xf32> to vector<16xf32>
          %mul3A_316 = arith.mulf %get3A_305, %select_n3A_118 : vector<16xf32>
          %mul3A_317 = arith.mulf %get3A_310, %select_n3A_118 : vector<16xf32>
          %mul3A_318 = arith.mulf %get3A_315, %select_n3A_118 : vector<16xf32>
          %convert_element_type3A_319 = arith.fptosi %mul3A_316 : vector<16xf32> to vector<16xi32>
          %convert_element_type3A_320 = arith.fptosi %mul3A_317 : vector<16xf32> to vector<16xi32>
          %convert_element_type3A_321 = arith.fptosi %mul3A_318 : vector<16xf32> to vector<16xi32>
          %convert_element_type3A_322 = arith.sitofp %convert_element_type3A_319 : vector<16xi32> to vector<16xf32>
          %sub3A = arith.subf %mul3A_316, %convert_element_type3A_322 : vector<16xf32>
          %convert_element_type3A_323 = arith.sitofp %convert_element_type3A_320 : vector<16xi32> to vector<16xf32>
          %sub3A_324 = arith.subf %mul3A_317, %convert_element_type3A_323 : vector<16xf32>
          %convert_element_type3A_325 = arith.sitofp %convert_element_type3A_321 : vector<16xi32> to vector<16xf32>
          %sub3A_326 = arith.subf %mul3A_318, %convert_element_type3A_325 : vector<16xf32>
          %mul3A_327 = arith.constant -1640531535 : i32
          %mul3A_328 = vector.broadcast %mul3A_327 : i32 to vector<16xi32>
          %mul3A_329 = arith.muli %convert_element_type3A_320, %mul3A_328 : vector<16xi32>
          %add3A_330 = arith.constant -1640531535 : i32
          %add3A_331 = vector.broadcast %add3A_330 : i32 to vector<16xi32>
          %add3A_332 = arith.addi %mul3A_329, %add3A_331 : vector<16xi32>
          %mul3A_333 = arith.constant 805459861 : i32
          %mul3A_334 = vector.broadcast %mul3A_333 : i32 to vector<16xi32>
          %mul3A_335 = arith.muli %convert_element_type3A_321, %mul3A_334 : vector<16xi32>
          %add3A_336 = arith.constant 805459861 : i32
          %add3A_337 = vector.broadcast %add3A_336 : i32 to vector<16xi32>
          %add3A_338 = arith.addi %mul3A_335, %add3A_337 : vector<16xi32>
          %xor3A = arith.xori %mul3A_329, %mul3A_335 : vector<16xi32>
          %xor3A_339 = arith.xori %mul3A_329, %add3A_338 : vector<16xi32>
          %xor3A_340 = arith.xori %add3A_332, %mul3A_335 : vector<16xi32>
          %xor3A_341 = arith.xori %add3A_332, %add3A_338 : vector<16xi32>
          %add3A_342 = arith.constant 1 : i32
          %add3A_343 = vector.broadcast %add3A_342 : i32 to vector<16xi32>
          %add3A_344 = arith.addi %convert_element_type3A_319, %add3A_343 : vector<16xi32>
          %xor3A_345 = arith.xori %convert_element_type3A_319, %xor3A : vector<16xi32>
          %xor3A_346 = arith.xori %convert_element_type3A_319, %xor3A_339 : vector<16xi32>
          %xor3A_347 = arith.xori %convert_element_type3A_319, %xor3A_340 : vector<16xi32>
          %xor3A_348 = arith.xori %convert_element_type3A_319, %xor3A_341 : vector<16xi32>
          %xor3A_349 = arith.xori %add3A_344, %xor3A : vector<16xi32>
          %xor3A_350 = arith.xori %add3A_344, %xor3A_339 : vector<16xi32>
          %xor3A_351 = arith.xori %add3A_344, %xor3A_340 : vector<16xi32>
          %xor3A_352 = arith.xori %add3A_344, %xor3A_341 : vector<16xi32>
          %mul3A_353 = arith.constant 128 : i32
          %mul3A_354 = arith.muli %scan3A_296, %mul3A_353 : i32
          %and3A = arith.constant 524287 : i32
          %and3A_355 = vector.broadcast %and3A : i32 to vector<16xi32>
          %and3A_356 = arith.andi %xor3A_345, %and3A_355 : vector<16xi32>
          %shift_right_arithmetic3A = arith.constant 7 : i32
          %shift_right_arithmetic3A_357 = vector.broadcast %shift_right_arithmetic3A : i32 to vector<16xi32>
          %shift_right_arithmetic3A_358 = arith.shrsi %and3A_356, %shift_right_arithmetic3A_357 : vector<16xi32>
          %shift_left3A = arith.constant 8 : i32
          %shift_left3A_359 = vector.broadcast %shift_left3A : i32 to vector<16xi32>
          %shift_left3A_360 = arith.shli %shift_right_arithmetic3A_358, %shift_left3A_359 : vector<16xi32>
          %and3A_361 = arith.constant 127 : i32
          %and3A_362 = vector.broadcast %and3A_361 : i32 to vector<16xi32>
          %and3A_363 = arith.andi %and3A_356, %and3A_362 : vector<16xi32>
          %or3A = arith.ori %shift_left3A_360, %and3A_363 : vector<16xi32>
          %add3A_364 = arith.constant 0 : i32
          %add3A_365 = arith.addi %mul3A_354, %add3A_364 : i32
          %swap3A = arith.index_cast %add3A_365 : i32 to index
          %swap3A_366 = tpu.vector_load %arg6[%swap3A] {strides = array<i32>} : memref<2048xi32, #tpu.memory_space<vmem>>, vector<16xi32>,
          %swap3A_367 = vector.shape_cast %swap3A_366 : vector<16xi32> to vector<16xi32>
          %swap3A_368 = vector.shape_cast %or3A : vector<16xi32> to vector<16xi32>
          tpu.vector_store %arg6[%swap3A], %swap3A_368 {strides = array<i32>} : memref<2048xi32, #tpu.memory_space<vmem>>, vector<16xi32>,
          %add3A_369 = arith.constant 128 : i32
          %add3A_370 = vector.broadcast %add3A_369 : i32 to vector<16xi32>
          %add3A_371 = arith.addi %or3A, %add3A_370 : vector<16xi32>
          %add3A_372 = arith.constant 1024 : i32
          %add3A_373 = arith.addi %add3A_372, %mul3A_354 : i32
          %add3A_374 = arith.constant 0 : i32
          %add3A_375 = arith.addi %add3A_373, %add3A_374 : i32
          %swap3A_376 = arith.index_cast %add3A_375 : i32 to index
          %swap3A_377 = tpu.vector_load %arg6[%swap3A_376] {strides = array<i32>} : memref<2048xi32, #tpu.memory_space<vmem>>, vector<16xi32>,
          %swap3A_378 = vector.shape_cast %swap3A_377 : vector<16xi32> to vector<16xi32>
          %swap3A_379 = vector.shape_cast %add3A_371 : vector<16xi32> to vector<16xi32>
          tpu.vector_store %arg6[%swap3A_376], %swap3A_379 {strides = array<i32>} : memref<2048xi32, #tpu.memory_space<vmem>>, vector<16xi32>,
          %and3A_380 = arith.constant 524287 : i32
          %and3A_381 = vector.broadcast %and3A_380 : i32 to vector<16xi32>
          %and3A_382 = arith.andi %xor3A_346, %and3A_381 : vector<16xi32>
          %shift_right_arithmetic3A_383 = arith.constant 7 : i32
          %shift_right_arithmetic3A_384 = vector.broadcast %shift_right_arithmetic3A_383 : i32 to vector<16xi32>
          %shift_right_arithmetic3A_385 = arith.shrsi %and3A_382, %shift_right_arithmetic3A_384 : vector<16xi32>
          %shift_left3A_386 = arith.constant 8 : i32
          %shift_left3A_387 = vector.broadcast %shift_left3A_386 : i32 to vector<16xi32>
          %shift_left3A_388 = arith.shli %shift_right_arithmetic3A_385, %shift_left3A_387 : vector<16xi32>
          %and3A_389 = arith.constant 127 : i32
          %and3A_390 = vector.broadcast %and3A_389 : i32 to vector<16xi32>
          %and3A_391 = arith.andi %and3A_382, %and3A_390 : vector<16xi32>
          %or3A_392 = arith.ori %shift_left3A_388, %and3A_391 : vector<16xi32>
          %add3A_393 = arith.constant 16 : i32
          %add3A_394 = arith.addi %mul3A_354, %add3A_393 : i32
          %swap3A_395 = arith.index_cast %add3A_394 : i32 to index
          %swap3A_396 = tpu.vector_load %arg6[%swap3A_395] {strides = array<i32>} : memref<2048xi32, #tpu.memory_space<vmem>>, vector<16xi32>,
          %swap3A_397 = vector.shape_cast %swap3A_396 : vector<16xi32> to vector<16xi32>
          %swap3A_398 = vector.shape_cast %or3A_392 : vector<16xi32> to vector<16xi32>
          tpu.vector_store %arg6[%swap3A_395], %swap3A_398 {strides = array<i32>} : memref<2048xi32, #tpu.memory_space<vmem>>, vector<16xi32>,
          %add3A_399 = arith.constant 128 : i32
          %add3A_400 = vector.broadcast %add3A_399 : i32 to vector<16xi32>
          %add3A_401 = arith.addi %or3A_392, %add3A_400 : vector<16xi32>
          %add3A_402 = arith.constant 1024 : i32
          %add3A_403 = arith.addi %add3A_402, %mul3A_354 : i32
          %add3A_404 = arith.constant 16 : i32
          %add3A_405 = arith.addi %add3A_403, %add3A_404 : i32
          %swap3A_406 = arith.index_cast %add3A_405 : i32 to index
          %swap3A_407 = tpu.vector_load %arg6[%swap3A_406] {strides = array<i32>} : memref<2048xi32, #tpu.memory_space<vmem>>, vector<16xi32>,
          %swap3A_408 = vector.shape_cast %swap3A_407 : vector<16xi32> to vector<16xi32>
          %swap3A_409 = vector.shape_cast %add3A_401 : vector<16xi32> to vector<16xi32>
          tpu.vector_store %arg6[%swap3A_406], %swap3A_409 {strides = array<i32>} : memref<2048xi32, #tpu.memory_space<vmem>>, vector<16xi32>,
          %and3A_410 = arith.constant 524287 : i32
          %and3A_411 = vector.broadcast %and3A_410 : i32 to vector<16xi32>
          %and3A_412 = arith.andi %xor3A_347, %and3A_411 : vector<16xi32>
          %shift_right_arithmetic3A_413 = arith.constant 7 : i32
          %shift_right_arithmetic3A_414 = vector.broadcast %shift_right_arithmetic3A_413 : i32 to vector<16xi32>
          %shift_right_arithmetic3A_415 = arith.shrsi %and3A_412, %shift_right_arithmetic3A_414 : vector<16xi32>
          %shift_left3A_416 = arith.constant 8 : i32
          %shift_left3A_417 = vector.broadcast %shift_left3A_416 : i32 to vector<16xi32>
          %shift_left3A_418 = arith.shli %shift_right_arithmetic3A_415, %shift_left3A_417 : vector<16xi32>
          %and3A_419 = arith.constant 127 : i32
          %and3A_420 = vector.broadcast %and3A_419 : i32 to vector<16xi32>
          %and3A_421 = arith.andi %and3A_412, %and3A_420 : vector<16xi32>
          %or3A_422 = arith.ori %shift_left3A_418, %and3A_421 : vector<16xi32>
          %add3A_423 = arith.constant 32 : i32
          %add3A_424 = arith.addi %mul3A_354, %add3A_423 : i32
          %swap3A_425 = arith.index_cast %add3A_424 : i32 to index
          %swap3A_426 = tpu.vector_load %arg6[%swap3A_425] {strides = array<i32>} : memref<2048xi32, #tpu.memory_space<vmem>>, vector<16xi32>,
          %swap3A_427 = vector.shape_cast %swap3A_426 : vector<16xi32> to vector<16xi32>
          %swap3A_428 = vector.shape_cast %or3A_422 : vector<16xi32> to vector<16xi32>
          tpu.vector_store %arg6[%swap3A_425], %swap3A_428 {strides = array<i32>} : memref<2048xi32, #tpu.memory_space<vmem>>, vector<16xi32>,
          %add3A_429 = arith.constant 128 : i32
          %add3A_430 = vector.broadcast %add3A_429 : i32 to vector<16xi32>
          %add3A_431 = arith.addi %or3A_422, %add3A_430 : vector<16xi32>
          %add3A_432 = arith.constant 1024 : i32
          %add3A_433 = arith.addi %add3A_432, %mul3A_354 : i32
          %add3A_434 = arith.constant 32 : i32
          %add3A_435 = arith.addi %add3A_433, %add3A_434 : i32
          %swap3A_436 = arith.index_cast %add3A_435 : i32 to index
          %swap3A_437 = tpu.vector_load %arg6[%swap3A_436] {strides = array<i32>} : memref<2048xi32, #tpu.memory_space<vmem>>, vector<16xi32>,
          %swap3A_438 = vector.shape_cast %swap3A_437 : vector<16xi32> to vector<16xi32>
          %swap3A_439 = vector.shape_cast %add3A_431 : vector<16xi32> to vector<16xi32>
          tpu.vector_store %arg6[%swap3A_436], %swap3A_439 {strides = array<i32>} : memref<2048xi32, #tpu.memory_space<vmem>>, vector<16xi32>,
          %and3A_440 = arith.constant 524287 : i32
          %and3A_441 = vector.broadcast %and3A_440 : i32 to vector<16xi32>
          %and3A_442 = arith.andi %xor3A_348, %and3A_441 : vector<16xi32>
          %shift_right_arithmetic3A_443 = arith.constant 7 : i32
          %shift_right_arithmetic3A_444 = vector.broadcast %shift_right_arithmetic3A_443 : i32 to vector<16xi32>
          %shift_right_arithmetic3A_445 = arith.shrsi %and3A_442, %shift_right_arithmetic3A_444 : vector<16xi32>
          %shift_left3A_446 = arith.constant 8 : i32
          %shift_left3A_447 = vector.broadcast %shift_left3A_446 : i32 to vector<16xi32>
          %shift_left3A_448 = arith.shli %shift_right_arithmetic3A_445, %shift_left3A_447 : vector<16xi32>
          %and3A_449 = arith.constant 127 : i32
          %and3A_450 = vector.broadcast %and3A_449 : i32 to vector<16xi32>
          %and3A_451 = arith.andi %and3A_442, %and3A_450 : vector<16xi32>
          %or3A_452 = arith.ori %shift_left3A_448, %and3A_451 : vector<16xi32>
          %add3A_453 = arith.constant 48 : i32
          %add3A_454 = arith.addi %mul3A_354, %add3A_453 : i32
          %swap3A_455 = arith.index_cast %add3A_454 : i32 to index
          %swap3A_456 = tpu.vector_load %arg6[%swap3A_455] {strides = array<i32>} : memref<2048xi32, #tpu.memory_space<vmem>>, vector<16xi32>,
          %swap3A_457 = vector.shape_cast %swap3A_456 : vector<16xi32> to vector<16xi32>
          %swap3A_458 = vector.shape_cast %or3A_452 : vector<16xi32> to vector<16xi32>
          tpu.vector_store %arg6[%swap3A_455], %swap3A_458 {strides = array<i32>} : memref<2048xi32, #tpu.memory_space<vmem>>, vector<16xi32>,
          %add3A_459 = arith.constant 128 : i32
          %add3A_460 = vector.broadcast %add3A_459 : i32 to vector<16xi32>
          %add3A_461 = arith.addi %or3A_452, %add3A_460 : vector<16xi32>
          %add3A_462 = arith.constant 1024 : i32
          %add3A_463 = arith.addi %add3A_462, %mul3A_354 : i32
          %add3A_464 = arith.constant 48 : i32
          %add3A_465 = arith.addi %add3A_463, %add3A_464 : i32
          %swap3A_466 = arith.index_cast %add3A_465 : i32 to index
          %swap3A_467 = tpu.vector_load %arg6[%swap3A_466] {strides = array<i32>} : memref<2048xi32, #tpu.memory_space<vmem>>, vector<16xi32>,
          %swap3A_468 = vector.shape_cast %swap3A_467 : vector<16xi32> to vector<16xi32>
          %swap3A_469 = vector.shape_cast %add3A_461 : vector<16xi32> to vector<16xi32>
          tpu.vector_store %arg6[%swap3A_466], %swap3A_469 {strides = array<i32>} : memref<2048xi32, #tpu.memory_space<vmem>>, vector<16xi32>,
          %and3A_470 = arith.constant 524287 : i32
          %and3A_471 = vector.broadcast %and3A_470 : i32 to vector<16xi32>
          %and3A_472 = arith.andi %xor3A_349, %and3A_471 : vector<16xi32>
          %shift_right_arithmetic3A_473 = arith.constant 7 : i32
          %shift_right_arithmetic3A_474 = vector.broadcast %shift_right_arithmetic3A_473 : i32 to vector<16xi32>
          %shift_right_arithmetic3A_475 = arith.shrsi %and3A_472, %shift_right_arithmetic3A_474 : vector<16xi32>
          %shift_left3A_476 = arith.constant 8 : i32
          %shift_left3A_477 = vector.broadcast %shift_left3A_476 : i32 to vector<16xi32>
          %shift_left3A_478 = arith.shli %shift_right_arithmetic3A_475, %shift_left3A_477 : vector<16xi32>
          %and3A_479 = arith.constant 127 : i32
          %and3A_480 = vector.broadcast %and3A_479 : i32 to vector<16xi32>
          %and3A_481 = arith.andi %and3A_472, %and3A_480 : vector<16xi32>
          %or3A_482 = arith.ori %shift_left3A_478, %and3A_481 : vector<16xi32>
          %add3A_483 = arith.constant 64 : i32
          %add3A_484 = arith.addi %mul3A_354, %add3A_483 : i32
          %swap3A_485 = arith.index_cast %add3A_484 : i32 to index
          %swap3A_486 = tpu.vector_load %arg6[%swap3A_485] {strides = array<i32>} : memref<2048xi32, #tpu.memory_space<vmem>>, vector<16xi32>,
          %swap3A_487 = vector.shape_cast %swap3A_486 : vector<16xi32> to vector<16xi32>
          %swap3A_488 = vector.shape_cast %or3A_482 : vector<16xi32> to vector<16xi32>
          tpu.vector_store %arg6[%swap3A_485], %swap3A_488 {strides = array<i32>} : memref<2048xi32, #tpu.memory_space<vmem>>, vector<16xi32>,
          %add3A_489 = arith.constant 128 : i32
          %add3A_490 = vector.broadcast %add3A_489 : i32 to vector<16xi32>
          %add3A_491 = arith.addi %or3A_482, %add3A_490 : vector<16xi32>
          %add3A_492 = arith.constant 1024 : i32
          %add3A_493 = arith.addi %add3A_492, %mul3A_354 : i32
          %add3A_494 = arith.constant 64 : i32
          %add3A_495 = arith.addi %add3A_493, %add3A_494 : i32
          %swap3A_496 = arith.index_cast %add3A_495 : i32 to index
          %swap3A_497 = tpu.vector_load %arg6[%swap3A_496] {strides = array<i32>} : memref<2048xi32, #tpu.memory_space<vmem>>, vector<16xi32>,
          %swap3A_498 = vector.shape_cast %swap3A_497 : vector<16xi32> to vector<16xi32>
          %swap3A_499 = vector.shape_cast %add3A_491 : vector<16xi32> to vector<16xi32>
          tpu.vector_store %arg6[%swap3A_496], %swap3A_499 {strides = array<i32>} : memref<2048xi32, #tpu.memory_space<vmem>>, vector<16xi32>,
          %and3A_500 = arith.constant 524287 : i32
          %and3A_501 = vector.broadcast %and3A_500 : i32 to vector<16xi32>
          %and3A_502 = arith.andi %xor3A_350, %and3A_501 : vector<16xi32>
          %shift_right_arithmetic3A_503 = arith.constant 7 : i32
          %shift_right_arithmetic3A_504 = vector.broadcast %shift_right_arithmetic3A_503 : i32 to vector<16xi32>
          %shift_right_arithmetic3A_505 = arith.shrsi %and3A_502, %shift_right_arithmetic3A_504 : vector<16xi32>
          %shift_left3A_506 = arith.constant 8 : i32
          %shift_left3A_507 = vector.broadcast %shift_left3A_506 : i32 to vector<16xi32>
          %shift_left3A_508 = arith.shli %shift_right_arithmetic3A_505, %shift_left3A_507 : vector<16xi32>
          %and3A_509 = arith.constant 127 : i32
          %and3A_510 = vector.broadcast %and3A_509 : i32 to vector<16xi32>
          %and3A_511 = arith.andi %and3A_502, %and3A_510 : vector<16xi32>
          %or3A_512 = arith.ori %shift_left3A_508, %and3A_511 : vector<16xi32>
          %add3A_513 = arith.constant 80 : i32
          %add3A_514 = arith.addi %mul3A_354, %add3A_513 : i32
          %swap3A_515 = arith.index_cast %add3A_514 : i32 to index
          %swap3A_516 = tpu.vector_load %arg6[%swap3A_515] {strides = array<i32>} : memref<2048xi32, #tpu.memory_space<vmem>>, vector<16xi32>,
          %swap3A_517 = vector.shape_cast %swap3A_516 : vector<16xi32> to vector<16xi32>
          %swap3A_518 = vector.shape_cast %or3A_512 : vector<16xi32> to vector<16xi32>
          tpu.vector_store %arg6[%swap3A_515], %swap3A_518 {strides = array<i32>} : memref<2048xi32, #tpu.memory_space<vmem>>, vector<16xi32>,
          %add3A_519 = arith.constant 128 : i32
          %add3A_520 = vector.broadcast %add3A_519 : i32 to vector<16xi32>
          %add3A_521 = arith.addi %or3A_512, %add3A_520 : vector<16xi32>
          %add3A_522 = arith.constant 1024 : i32
          %add3A_523 = arith.addi %add3A_522, %mul3A_354 : i32
          %add3A_524 = arith.constant 80 : i32
          %add3A_525 = arith.addi %add3A_523, %add3A_524 : i32
          %swap3A_526 = arith.index_cast %add3A_525 : i32 to index
          %swap3A_527 = tpu.vector_load %arg6[%swap3A_526] {strides = array<i32>} : memref<2048xi32, #tpu.memory_space<vmem>>, vector<16xi32>,
          %swap3A_528 = vector.shape_cast %swap3A_527 : vector<16xi32> to vector<16xi32>
          %swap3A_529 = vector.shape_cast %add3A_521 : vector<16xi32> to vector<16xi32>
          tpu.vector_store %arg6[%swap3A_526], %swap3A_529 {strides = array<i32>} : memref<2048xi32, #tpu.memory_space<vmem>>, vector<16xi32>,
          %and3A_530 = arith.constant 524287 : i32
          %and3A_531 = vector.broadcast %and3A_530 : i32 to vector<16xi32>
          %and3A_532 = arith.andi %xor3A_351, %and3A_531 : vector<16xi32>
          %shift_right_arithmetic3A_533 = arith.constant 7 : i32
          %shift_right_arithmetic3A_534 = vector.broadcast %shift_right_arithmetic3A_533 : i32 to vector<16xi32>
          %shift_right_arithmetic3A_535 = arith.shrsi %and3A_532, %shift_right_arithmetic3A_534 : vector<16xi32>
          %shift_left3A_536 = arith.constant 8 : i32
          %shift_left3A_537 = vector.broadcast %shift_left3A_536 : i32 to vector<16xi32>
          %shift_left3A_538 = arith.shli %shift_right_arithmetic3A_535, %shift_left3A_537 : vector<16xi32>
          %and3A_539 = arith.constant 127 : i32
          %and3A_540 = vector.broadcast %and3A_539 : i32 to vector<16xi32>
          %and3A_541 = arith.andi %and3A_532, %and3A_540 : vector<16xi32>
          %or3A_542 = arith.ori %shift_left3A_538, %and3A_541 : vector<16xi32>
          %add3A_543 = arith.constant 96 : i32
          %add3A_544 = arith.addi %mul3A_354, %add3A_543 : i32
          %swap3A_545 = arith.index_cast %add3A_544 : i32 to index
          %swap3A_546 = tpu.vector_load %arg6[%swap3A_545] {strides = array<i32>} : memref<2048xi32, #tpu.memory_space<vmem>>, vector<16xi32>,
          %swap3A_547 = vector.shape_cast %swap3A_546 : vector<16xi32> to vector<16xi32>
          %swap3A_548 = vector.shape_cast %or3A_542 : vector<16xi32> to vector<16xi32>
          tpu.vector_store %arg6[%swap3A_545], %swap3A_548 {strides = array<i32>} : memref<2048xi32, #tpu.memory_space<vmem>>, vector<16xi32>,
          %add3A_549 = arith.constant 128 : i32
          %add3A_550 = vector.broadcast %add3A_549 : i32 to vector<16xi32>
          %add3A_551 = arith.addi %or3A_542, %add3A_550 : vector<16xi32>
          %add3A_552 = arith.constant 1024 : i32
          %add3A_553 = arith.addi %add3A_552, %mul3A_354 : i32
          %add3A_554 = arith.constant 96 : i32
          %add3A_555 = arith.addi %add3A_553, %add3A_554 : i32
          %swap3A_556 = arith.index_cast %add3A_555 : i32 to index
          %swap3A_557 = tpu.vector_load %arg6[%swap3A_556] {strides = array<i32>} : memref<2048xi32, #tpu.memory_space<vmem>>, vector<16xi32>,
          %swap3A_558 = vector.shape_cast %swap3A_557 : vector<16xi32> to vector<16xi32>
          %swap3A_559 = vector.shape_cast %add3A_551 : vector<16xi32> to vector<16xi32>
          tpu.vector_store %arg6[%swap3A_556], %swap3A_559 {strides = array<i32>} : memref<2048xi32, #tpu.memory_space<vmem>>, vector<16xi32>,
          %and3A_560 = arith.constant 524287 : i32
          %and3A_561 = vector.broadcast %and3A_560 : i32 to vector<16xi32>
          %and3A_562 = arith.andi %xor3A_352, %and3A_561 : vector<16xi32>
          %shift_right_arithmetic3A_563 = arith.constant 7 : i32
          %shift_right_arithmetic3A_564 = vector.broadcast %shift_right_arithmetic3A_563 : i32 to vector<16xi32>
          %shift_right_arithmetic3A_565 = arith.shrsi %and3A_562, %shift_right_arithmetic3A_564 : vector<16xi32>
          %shift_left3A_566 = arith.constant 8 : i32
          %shift_left3A_567 = vector.broadcast %shift_left3A_566 : i32 to vector<16xi32>
          %shift_left3A_568 = arith.shli %shift_right_arithmetic3A_565, %shift_left3A_567 : vector<16xi32>
          %and3A_569 = arith.constant 127 : i32
          %and3A_570 = vector.broadcast %and3A_569 : i32 to vector<16xi32>
          %and3A_571 = arith.andi %and3A_562, %and3A_570 : vector<16xi32>
          %or3A_572 = arith.ori %shift_left3A_568, %and3A_571 : vector<16xi32>
          %add3A_573 = arith.constant 112 : i32
          %add3A_574 = arith.addi %mul3A_354, %add3A_573 : i32
          %swap3A_575 = arith.index_cast %add3A_574 : i32 to index
          %swap3A_576 = tpu.vector_load %arg6[%swap3A_575] {strides = array<i32>} : memref<2048xi32, #tpu.memory_space<vmem>>, vector<16xi32>,
          %swap3A_577 = vector.shape_cast %swap3A_576 : vector<16xi32> to vector<16xi32>
          %swap3A_578 = vector.shape_cast %or3A_572 : vector<16xi32> to vector<16xi32>
          tpu.vector_store %arg6[%swap3A_575], %swap3A_578 {strides = array<i32>} : memref<2048xi32, #tpu.memory_space<vmem>>, vector<16xi32>,
          %add3A_579 = arith.constant 128 : i32
          %add3A_580 = vector.broadcast %add3A_579 : i32 to vector<16xi32>
          %add3A_581 = arith.addi %or3A_572, %add3A_580 : vector<16xi32>
          %add3A_582 = arith.constant 1024 : i32
          %add3A_583 = arith.addi %add3A_582, %mul3A_354 : i32
          %add3A_584 = arith.constant 112 : i32
          %add3A_585 = arith.addi %add3A_583, %add3A_584 : i32
          %swap3A_586 = arith.index_cast %add3A_585 : i32 to index
          %swap3A_587 = tpu.vector_load %arg6[%swap3A_586] {strides = array<i32>} : memref<2048xi32, #tpu.memory_space<vmem>>, vector<16xi32>,
          %swap3A_588 = vector.shape_cast %swap3A_587 : vector<16xi32> to vector<16xi32>
          %swap3A_589 = vector.shape_cast %add3A_581 : vector<16xi32> to vector<16xi32>
          tpu.vector_store %arg6[%swap3A_586], %swap3A_589 {strides = array<i32>} : memref<2048xi32, #tpu.memory_space<vmem>>, vector<16xi32>,
        }
        %scan3A_258 = arith.constant 8 : i32
        %dma_start3A_259 = arith.constant 0 : i32
        %dma_start3A_260 = tpu.memref_slice %arg8[%dma_start3A_259] : memref<2048xf32, #tpu.memory_space<vmem>> -> memref<512xf32, #tpu.memory_space<vmem>>
        %dma_start3A_261 = arith.constant 0 : i32
        %dma_start3A_262 = tpu.memref_slice %arg6[%dma_start3A_261] : memref<2048xi32, #tpu.memory_space<vmem>> -> memref<512xi32, #tpu.memory_space<vmem>>
        %dma_start3A_263 = arith.constant 0 : i32
        %dma_start3A_264 = tpu.memref_slice %arg11[%dma_start3A_263] : memref<1048576xf32, #tpu.memory_space<vmem_shared>> -> memref<1048576xf32, #tpu.memory_space<vmem_shared>>
        tpu.enqueue_indirect_dma source(%dma_start3A_264 : memref<1048576xf32, #tpu.memory_space<vmem_shared>>) target(%dma_start3A_260 : memref<512xf32, #tpu.memory_space<vmem>>) offsets(%dma_start3A_262 : memref<512xi32, #tpu.memory_space<vmem>>) semaphore(%arg12 : memref<!tpu.dma_semaphore, #tpu.memory_space<semaphore_mem>>)
        %dma_start3A_265 = arith.constant 512 : i32
        %dma_start3A_266 = tpu.memref_slice %arg8[%dma_start3A_265] : memref<2048xf32, #tpu.memory_space<vmem>> -> memref<512xf32, #tpu.memory_space<vmem>>
        %dma_start3A_267 = arith.constant 512 : i32
        %dma_start3A_268 = tpu.memref_slice %arg6[%dma_start3A_267] : memref<2048xi32, #tpu.memory_space<vmem>> -> memref<512xi32, #tpu.memory_space<vmem>>
        %dma_start3A_269 = arith.constant 0 : i32
        %dma_start3A_270 = tpu.memref_slice %arg11[%dma_start3A_269] : memref<1048576xf32, #tpu.memory_space<vmem_shared>> -> memref<1048576xf32, #tpu.memory_space<vmem_shared>>
        tpu.enqueue_indirect_dma source(%dma_start3A_270 : memref<1048576xf32, #tpu.memory_space<vmem_shared>>) target(%dma_start3A_266 : memref<512xf32, #tpu.memory_space<vmem>>) offsets(%dma_start3A_268 : memref<512xi32, #tpu.memory_space<vmem>>) semaphore(%arg12 : memref<!tpu.dma_semaphore, #tpu.memory_space<semaphore_mem>>)
        %dma_start3A_271 = arith.constant 1024 : i32
        %dma_start3A_272 = tpu.memref_slice %arg8[%dma_start3A_271] : memref<2048xf32, #tpu.memory_space<vmem>> -> memref<512xf32, #tpu.memory_space<vmem>>
        %dma_start3A_273 = arith.constant 1024 : i32
        %dma_start3A_274 = tpu.memref_slice %arg6[%dma_start3A_273] : memref<2048xi32, #tpu.memory_space<vmem>> -> memref<512xi32, #tpu.memory_space<vmem>>
        %dma_start3A_275 = arith.constant 0 : i32
        %dma_start3A_276 = tpu.memref_slice %arg11[%dma_start3A_275] : memref<1048576xf32, #tpu.memory_space<vmem_shared>> -> memref<1048576xf32, #tpu.memory_space<vmem_shared>>
        tpu.enqueue_indirect_dma source(%dma_start3A_276 : memref<1048576xf32, #tpu.memory_space<vmem_shared>>) target(%dma_start3A_272 : memref<512xf32, #tpu.memory_space<vmem>>) offsets(%dma_start3A_274 : memref<512xi32, #tpu.memory_space<vmem>>) semaphore(%arg12 : memref<!tpu.dma_semaphore, #tpu.memory_space<semaphore_mem>>)
        %dma_start3A_277 = arith.constant 1536 : i32
        %dma_start3A_278 = tpu.memref_slice %arg8[%dma_start3A_277] : memref<2048xf32, #tpu.memory_space<vmem>> -> memref<512xf32, #tpu.memory_space<vmem>>
        %dma_start3A_279 = arith.constant 1536 : i32
        %dma_start3A_280 = tpu.memref_slice %arg6[%dma_start3A_279] : memref<2048xi32, #tpu.memory_space<vmem>> -> memref<512xi32, #tpu.memory_space<vmem>>
        %dma_start3A_281 = arith.constant 0 : i32
        %dma_start3A_282 = tpu.memref_slice %arg11[%dma_start3A_281] : memref<1048576xf32, #tpu.memory_space<vmem_shared>> -> memref<1048576xf32, #tpu.memory_space<vmem_shared>>
        tpu.enqueue_indirect_dma source(%dma_start3A_282 : memref<1048576xf32, #tpu.memory_space<vmem_shared>>) target(%dma_start3A_278 : memref<512xf32, #tpu.memory_space<vmem>>) offsets(%dma_start3A_280 : memref<512xi32, #tpu.memory_space<vmem>>) semaphore(%arg12 : memref<!tpu.dma_semaphore, #tpu.memory_space<semaphore_mem>>)
        %dma_wait3A_283 = arith.constant 0 : i32
        %dma_wait3A_284 = tpu.memref_slice %arg3[%dma_wait3A_283] : memref<16777216xf32, #tpu.memory_space<hbm>> -> memref<2048xf32, #tpu.memory_space<hbm>>
        %dma_wait3A_285 = arith.constant 0 : i32
        %dma_wait3A_286 = tpu.memref_slice %arg3[%dma_wait3A_285] : memref<16777216xf32, #tpu.memory_space<hbm>> -> memref<2048xf32, #tpu.memory_space<hbm>>
        tpu.wait_dma2 semaphore(%arg13 : memref<!tpu.dma_semaphore, #tpu.memory_space<semaphore_mem>>) src(%dma_wait3A_286 : memref<2048xf32, #tpu.memory_space<hbm>>) dst(%arg9 : memref<2048xf32, #tpu.memory_space<vmem>>)
        %mul3A_287 = arith.constant 2 : i32
        %mul3A_288 = arith.muli %mul3A_287, %scan3A_205 : i32
        %add3A_289 = arith.constant 1 : i32
        %add3A_290 = arith.addi %mul3A_288, %add3A_289 : i32
        %scan3A_291 = arith.constant 0 : i32
        %scan3A_292 = arith.constant 8 : i32
        %scan3A_293 = arith.addi %scan3A_291, %scan3A_292 : i32
        %scan3A_294 = arith.constant 1 : i32
        scf.for %scan3A_296 = %scan3A_291 to %scan3A_293 step %scan3A_294  : i32 {
          %mul3A_297 = arith.constant 128 : i32
          %mul3A_298 = arith.muli %add3A_290, %mul3A_297 : i32
          %mul3A_299 = arith.constant 16 : i32
          %mul3A_300 = arith.muli %scan3A_296, %mul3A_299 : i32
          %add3A_301 = arith.addi %mul3A_298, %mul3A_300 : i32
          %get3A = arith.constant 0 : i32
          %get3A_302 = arith.index_cast %get3A : i32 to index
          %get3A_303 = arith.index_cast %add3A_301 : i32 to index
          %get3A_304 = tpu.vector_load %arg5[%get3A_302, %get3A_303] {strides = array<i32>} : memref<3x8192xf32, #tpu.memory_space<vmem>>, vector<1x16xf32>,
          %get3A_305 = vector.shape_cast %get3A_304 : vector<1x16xf32> to vector<16xf32>
          %get3A_306 = arith.constant 1 : i32
          %get3A_307 = arith.index_cast %get3A_306 : i32 to index
          %get3A_308 = arith.index_cast %add3A_301 : i32 to index
          %get3A_309 = tpu.vector_load %arg5[%get3A_307, %get3A_308] {strides = array<i32>} : memref<3x8192xf32, #tpu.memory_space<vmem>>, vector<1x16xf32>,
          %get3A_310 = vector.shape_cast %get3A_309 : vector<1x16xf32> to vector<16xf32>
          %get3A_311 = arith.constant 2 : i32
          %get3A_312 = arith.index_cast %get3A_311 : i32 to index
          %get3A_313 = arith.index_cast %add3A_301 : i32 to index
          %get3A_314 = tpu.vector_load %arg5[%get3A_312, %get3A_313] {strides = array<i32>} : memref<3x8192xf32, #tpu.memory_space<vmem>>, vector<1x16xf32>,
          %get3A_315 = vector.shape_cast %get3A_314 : vector<1x16xf32> to vector<16xf32>
          %mul3A_316 = arith.mulf %get3A_305, %select_n3A_118 : vector<16xf32>
          %mul3A_317 = arith.mulf %get3A_310, %select_n3A_118 : vector<16xf32>
          %mul3A_318 = arith.mulf %get3A_315, %select_n3A_118 : vector<16xf32>
          %convert_element_type3A_319 = arith.fptosi %mul3A_316 : vector<16xf32> to vector<16xi32>
          %convert_element_type3A_320 = arith.fptosi %mul3A_317 : vector<16xf32> to vector<16xi32>
          %convert_element_type3A_321 = arith.fptosi %mul3A_318 : vector<16xf32> to vector<16xi32>
          %convert_element_type3A_322 = arith.sitofp %convert_element_type3A_319 : vector<16xi32> to vector<16xf32>
          %sub3A = arith.subf %mul3A_316, %convert_element_type3A_322 : vector<16xf32>
          %convert_element_type3A_323 = arith.sitofp %convert_element_type3A_320 : vector<16xi32> to vector<16xf32>
          %sub3A_324 = arith.subf %mul3A_317, %convert_element_type3A_323 : vector<16xf32>
          %convert_element_type3A_325 = arith.sitofp %convert_element_type3A_321 : vector<16xi32> to vector<16xf32>
          %sub3A_326 = arith.subf %mul3A_318, %convert_element_type3A_325 : vector<16xf32>
          %sub3A_327 = arith.constant 1.000000e+00 : f32
          %sub3A_328 = vector.broadcast %sub3A_327 : f32 to vector<16xf32>
          %sub3A_329 = arith.subf %sub3A_328, %sub3A : vector<16xf32>
          %sub3A_330 = arith.constant 1.000000e+00 : f32
          %sub3A_331 = vector.broadcast %sub3A_330 : f32 to vector<16xf32>
          %sub3A_332 = arith.subf %sub3A_331, %sub3A_324 : vector<16xf32>
          %sub3A_333 = arith.constant 1.000000e+00 : f32
          %sub3A_334 = vector.broadcast %sub3A_333 : f32 to vector<16xf32>
          %sub3A_335 = arith.subf %sub3A_334, %sub3A_326 : vector<16xf32>
          %mul3A_336 = arith.mulf %sub3A_329, %sub3A_332 : vector<16xf32>
          %mul3A_337 = arith.mulf %sub3A_329, %sub3A_324 : vector<16xf32>
          %mul3A_338 = arith.mulf %sub3A, %sub3A_332 : vector<16xf32>
          %mul3A_339 = arith.mulf %sub3A, %sub3A_324 : vector<16xf32>
          %broadcast_in_dim3A_340 = arith.constant 0.000000e+00 : f32
          %broadcast_in_dim3A_341 = vector.broadcast %broadcast_in_dim3A_340 : f32 to vector<16xf32>
          %broadcast_in_dim3A_342 = arith.constant 0.000000e+00 : f32
          %broadcast_in_dim3A_343 = vector.broadcast %broadcast_in_dim3A_342 : f32 to vector<16xf32>
          %mul3A_344 = arith.constant 128 : i32
          %mul3A_345 = arith.muli %scan3A_296, %mul3A_344 : i32
          %mul3A_346 = arith.mulf %mul3A_336, %sub3A_335 : vector<16xf32>
          %add3A_347 = arith.constant 0 : i32
          %add3A_348 = arith.addi %mul3A_345, %add3A_347 : i32
          %get3A_349 = arith.index_cast %add3A_348 : i32 to index
          %get3A_350 = tpu.vector_load %arg9[%get3A_349] {strides = array<i32>} : memref<2048xf32, #tpu.memory_space<vmem>>, vector<16xf32>,
          %get3A_351 = vector.shape_cast %get3A_350 : vector<16xf32> to vector<16xf32>
          %add3A_352 = arith.constant 1024 : i32
          %add3A_353 = arith.addi %add3A_352, %mul3A_345 : i32
          %add3A_354 = arith.constant 0 : i32
          %add3A_355 = arith.addi %add3A_353, %add3A_354 : i32
          %get3A_356 = arith.index_cast %add3A_355 : i32 to index
          %get3A_357 = tpu.vector_load %arg9[%get3A_356] {strides = array<i32>} : memref<2048xf32, #tpu.memory_space<vmem>>, vector<16xf32>,
          %get3A_358 = vector.shape_cast %get3A_357 : vector<16xf32> to vector<16xf32>
          %mul3A_359 = arith.mulf %mul3A_346, %get3A_351 : vector<16xf32>
          %add3A_360 = arith.addf %broadcast_in_dim3A_341, %mul3A_359 : vector<16xf32>
          %mul3A_361 = arith.mulf %mul3A_346, %get3A_358 : vector<16xf32>
          %add3A_362 = arith.addf %broadcast_in_dim3A_343, %mul3A_361 : vector<16xf32>
          %mul3A_363 = arith.mulf %mul3A_336, %sub3A_326 : vector<16xf32>
          %add3A_364 = arith.constant 16 : i32
          %add3A_365 = arith.addi %mul3A_345, %add3A_364 : i32
          %get3A_366 = arith.index_cast %add3A_365 : i32 to index
          %get3A_367 = tpu.vector_load %arg9[%get3A_366] {strides = array<i32>} : memref<2048xf32, #tpu.memory_space<vmem>>, vector<16xf32>,
          %get3A_368 = vector.shape_cast %get3A_367 : vector<16xf32> to vector<16xf32>
          %add3A_369 = arith.constant 1024 : i32
          %add3A_370 = arith.addi %add3A_369, %mul3A_345 : i32
          %add3A_371 = arith.constant 16 : i32
          %add3A_372 = arith.addi %add3A_370, %add3A_371 : i32
          %get3A_373 = arith.index_cast %add3A_372 : i32 to index
          %get3A_374 = tpu.vector_load %arg9[%get3A_373] {strides = array<i32>} : memref<2048xf32, #tpu.memory_space<vmem>>, vector<16xf32>,
          %get3A_375 = vector.shape_cast %get3A_374 : vector<16xf32> to vector<16xf32>
          %mul3A_376 = arith.mulf %mul3A_363, %get3A_368 : vector<16xf32>
          %add3A_377 = arith.addf %add3A_360, %mul3A_376 : vector<16xf32>
          %mul3A_378 = arith.mulf %mul3A_363, %get3A_375 : vector<16xf32>
          %add3A_379 = arith.addf %add3A_362, %mul3A_378 : vector<16xf32>
          %mul3A_380 = arith.mulf %mul3A_337, %sub3A_335 : vector<16xf32>
          %add3A_381 = arith.constant 32 : i32
          %add3A_382 = arith.addi %mul3A_345, %add3A_381 : i32
          %get3A_383 = arith.index_cast %add3A_382 : i32 to index
          %get3A_384 = tpu.vector_load %arg9[%get3A_383] {strides = array<i32>} : memref<2048xf32, #tpu.memory_space<vmem>>, vector<16xf32>,
          %get3A_385 = vector.shape_cast %get3A_384 : vector<16xf32> to vector<16xf32>
          %add3A_386 = arith.constant 1024 : i32
          %add3A_387 = arith.addi %add3A_386, %mul3A_345 : i32
          %add3A_388 = arith.constant 32 : i32
          %add3A_389 = arith.addi %add3A_387, %add3A_388 : i32
          %get3A_390 = arith.index_cast %add3A_389 : i32 to index
          %get3A_391 = tpu.vector_load %arg9[%get3A_390] {strides = array<i32>} : memref<2048xf32, #tpu.memory_space<vmem>>, vector<16xf32>,
          %get3A_392 = vector.shape_cast %get3A_391 : vector<16xf32> to vector<16xf32>
          %mul3A_393 = arith.mulf %mul3A_380, %get3A_385 : vector<16xf32>
          %add3A_394 = arith.addf %add3A_377, %mul3A_393 : vector<16xf32>
          %mul3A_395 = arith.mulf %mul3A_380, %get3A_392 : vector<16xf32>
          %add3A_396 = arith.addf %add3A_379, %mul3A_395 : vector<16xf32>
          %mul3A_397 = arith.mulf %mul3A_337, %sub3A_326 : vector<16xf32>
          %add3A_398 = arith.constant 48 : i32
          %add3A_399 = arith.addi %mul3A_345, %add3A_398 : i32
          %get3A_400 = arith.index_cast %add3A_399 : i32 to index
          %get3A_401 = tpu.vector_load %arg9[%get3A_400] {strides = array<i32>} : memref<2048xf32, #tpu.memory_space<vmem>>, vector<16xf32>,
          %get3A_402 = vector.shape_cast %get3A_401 : vector<16xf32> to vector<16xf32>
          %add3A_403 = arith.constant 1024 : i32
          %add3A_404 = arith.addi %add3A_403, %mul3A_345 : i32
          %add3A_405 = arith.constant 48 : i32
          %add3A_406 = arith.addi %add3A_404, %add3A_405 : i32
          %get3A_407 = arith.index_cast %add3A_406 : i32 to index
          %get3A_408 = tpu.vector_load %arg9[%get3A_407] {strides = array<i32>} : memref<2048xf32, #tpu.memory_space<vmem>>, vector<16xf32>,
          %get3A_409 = vector.shape_cast %get3A_408 : vector<16xf32> to vector<16xf32>
          %mul3A_410 = arith.mulf %mul3A_397, %get3A_402 : vector<16xf32>
          %add3A_411 = arith.addf %add3A_394, %mul3A_410 : vector<16xf32>
          %mul3A_412 = arith.mulf %mul3A_397, %get3A_409 : vector<16xf32>
          %add3A_413 = arith.addf %add3A_396, %mul3A_412 : vector<16xf32>
          %mul3A_414 = arith.mulf %mul3A_338, %sub3A_335 : vector<16xf32>
          %add3A_415 = arith.constant 64 : i32
          %add3A_416 = arith.addi %mul3A_345, %add3A_415 : i32
          %get3A_417 = arith.index_cast %add3A_416 : i32 to index
          %get3A_418 = tpu.vector_load %arg9[%get3A_417] {strides = array<i32>} : memref<2048xf32, #tpu.memory_space<vmem>>, vector<16xf32>,
          %get3A_419 = vector.shape_cast %get3A_418 : vector<16xf32> to vector<16xf32>
          %add3A_420 = arith.constant 1024 : i32
          %add3A_421 = arith.addi %add3A_420, %mul3A_345 : i32
          %add3A_422 = arith.constant 64 : i32
          %add3A_423 = arith.addi %add3A_421, %add3A_422 : i32
          %get3A_424 = arith.index_cast %add3A_423 : i32 to index
          %get3A_425 = tpu.vector_load %arg9[%get3A_424] {strides = array<i32>} : memref<2048xf32, #tpu.memory_space<vmem>>, vector<16xf32>,
          %get3A_426 = vector.shape_cast %get3A_425 : vector<16xf32> to vector<16xf32>
          %mul3A_427 = arith.mulf %mul3A_414, %get3A_419 : vector<16xf32>
          %add3A_428 = arith.addf %add3A_411, %mul3A_427 : vector<16xf32>
          %mul3A_429 = arith.mulf %mul3A_414, %get3A_426 : vector<16xf32>
          %add3A_430 = arith.addf %add3A_413, %mul3A_429 : vector<16xf32>
          %mul3A_431 = arith.mulf %mul3A_338, %sub3A_326 : vector<16xf32>
          %add3A_432 = arith.constant 80 : i32
          %add3A_433 = arith.addi %mul3A_345, %add3A_432 : i32
          %get3A_434 = arith.index_cast %add3A_433 : i32 to index
          %get3A_435 = tpu.vector_load %arg9[%get3A_434] {strides = array<i32>} : memref<2048xf32, #tpu.memory_space<vmem>>, vector<16xf32>,
          %get3A_436 = vector.shape_cast %get3A_435 : vector<16xf32> to vector<16xf32>
          %add3A_437 = arith.constant 1024 : i32
          %add3A_438 = arith.addi %add3A_437, %mul3A_345 : i32
          %add3A_439 = arith.constant 80 : i32
          %add3A_440 = arith.addi %add3A_438, %add3A_439 : i32
          %get3A_441 = arith.index_cast %add3A_440 : i32 to index
          %get3A_442 = tpu.vector_load %arg9[%get3A_441] {strides = array<i32>} : memref<2048xf32, #tpu.memory_space<vmem>>, vector<16xf32>,
          %get3A_443 = vector.shape_cast %get3A_442 : vector<16xf32> to vector<16xf32>
          %mul3A_444 = arith.mulf %mul3A_431, %get3A_436 : vector<16xf32>
          %add3A_445 = arith.addf %add3A_428, %mul3A_444 : vector<16xf32>
          %mul3A_446 = arith.mulf %mul3A_431, %get3A_443 : vector<16xf32>
          %add3A_447 = arith.addf %add3A_430, %mul3A_446 : vector<16xf32>
          %mul3A_448 = arith.mulf %mul3A_339, %sub3A_335 : vector<16xf32>
          %add3A_449 = arith.constant 96 : i32
          %add3A_450 = arith.addi %mul3A_345, %add3A_449 : i32
          %get3A_451 = arith.index_cast %add3A_450 : i32 to index
          %get3A_452 = tpu.vector_load %arg9[%get3A_451] {strides = array<i32>} : memref<2048xf32, #tpu.memory_space<vmem>>, vector<16xf32>,
          %get3A_453 = vector.shape_cast %get3A_452 : vector<16xf32> to vector<16xf32>
          %add3A_454 = arith.constant 1024 : i32
          %add3A_455 = arith.addi %add3A_454, %mul3A_345 : i32
          %add3A_456 = arith.constant 96 : i32
          %add3A_457 = arith.addi %add3A_455, %add3A_456 : i32
          %get3A_458 = arith.index_cast %add3A_457 : i32 to index
          %get3A_459 = tpu.vector_load %arg9[%get3A_458] {strides = array<i32>} : memref<2048xf32, #tpu.memory_space<vmem>>, vector<16xf32>,
          %get3A_460 = vector.shape_cast %get3A_459 : vector<16xf32> to vector<16xf32>
          %mul3A_461 = arith.mulf %mul3A_448, %get3A_453 : vector<16xf32>
          %add3A_462 = arith.addf %add3A_445, %mul3A_461 : vector<16xf32>
          %mul3A_463 = arith.mulf %mul3A_448, %get3A_460 : vector<16xf32>
          %add3A_464 = arith.addf %add3A_447, %mul3A_463 : vector<16xf32>
          %mul3A_465 = arith.mulf %mul3A_339, %sub3A_326 : vector<16xf32>
          %add3A_466 = arith.constant 112 : i32
          %add3A_467 = arith.addi %mul3A_345, %add3A_466 : i32
          %get3A_468 = arith.index_cast %add3A_467 : i32 to index
          %get3A_469 = tpu.vector_load %arg9[%get3A_468] {strides = array<i32>} : memref<2048xf32, #tpu.memory_space<vmem>>, vector<16xf32>,
          %get3A_470 = vector.shape_cast %get3A_469 : vector<16xf32> to vector<16xf32>
          %add3A_471 = arith.constant 1024 : i32
          %add3A_472 = arith.addi %add3A_471, %mul3A_345 : i32
          %add3A_473 = arith.constant 112 : i32
          %add3A_474 = arith.addi %add3A_472, %add3A_473 : i32
          %get3A_475 = arith.index_cast %add3A_474 : i32 to index
          %get3A_476 = tpu.vector_load %arg9[%get3A_475] {strides = array<i32>} : memref<2048xf32, #tpu.memory_space<vmem>>, vector<16xf32>,
          %get3A_477 = vector.shape_cast %get3A_476 : vector<16xf32> to vector<16xf32>
          %mul3A_478 = arith.mulf %mul3A_465, %get3A_470 : vector<16xf32>
          %add3A_479 = arith.addf %add3A_462, %mul3A_478 : vector<16xf32>
          %mul3A_480 = arith.mulf %mul3A_465, %get3A_477 : vector<16xf32>
          %add3A_481 = arith.addf %add3A_464, %mul3A_480 : vector<16xf32>
          %mul3A_482 = arith.constant 128 : i32
          %mul3A_483 = arith.muli %add3A_290, %mul3A_482 : i32
          %mul3A_484 = arith.constant 16 : i32
          %mul3A_485 = arith.muli %scan3A_296, %mul3A_484 : i32
          %add3A_486 = arith.addi %mul3A_483, %mul3A_485 : i32
          %swap3A = arith.constant 0 : i32
          %swap3A_487 = arith.index_cast %swap3A : i32 to index
          %swap3A_488 = arith.index_cast %add3A_486 : i32 to index
          %swap3A_489 = tpu.vector_load %arg10[%swap3A_487, %swap3A_488] {strides = array<i32>} : memref<2x8192xf32, #tpu.memory_space<vmem>>, vector<1x16xf32>,
          %swap3A_490 = vector.shape_cast %swap3A_489 : vector<1x16xf32> to vector<16xf32>
          %swap3A_491 = vector.shape_cast %add3A_479 : vector<16xf32> to vector<1x16xf32>
          tpu.vector_store %arg10[%swap3A_487, %swap3A_488], %swap3A_491 {strides = array<i32>} : memref<2x8192xf32, #tpu.memory_space<vmem>>, vector<1x16xf32>,
          %swap3A_492 = arith.constant 1 : i32
          %swap3A_493 = arith.index_cast %swap3A_492 : i32 to index
          %swap3A_494 = arith.index_cast %add3A_486 : i32 to index
          %swap3A_495 = tpu.vector_load %arg10[%swap3A_493, %swap3A_494] {strides = array<i32>} : memref<2x8192xf32, #tpu.memory_space<vmem>>, vector<1x16xf32>,
          %swap3A_496 = vector.shape_cast %swap3A_495 : vector<1x16xf32> to vector<16xf32>
          %swap3A_497 = vector.shape_cast %add3A_481 : vector<16xf32> to vector<1x16xf32>
          tpu.vector_store %arg10[%swap3A_493, %swap3A_494], %swap3A_497 {strides = array<i32>} : memref<2x8192xf32, #tpu.memory_space<vmem>>, vector<1x16xf32>,
        }
        %scan3A_295 = arith.constant 8 : i32
      }
      %scan3A_153 = arith.constant 31 : i32
      %scan3A_154 = arith.constant 0 : i32
      %scan3A_155 = arith.constant 8 : i32
      %scan3A_156 = arith.addi %scan3A_154, %scan3A_155 : i32
      %scan3A_157 = arith.constant 1 : i32
      scf.for %scan3A_205 = %scan3A_154 to %scan3A_156 step %scan3A_157  : i32 {
        %mul3A_206 = arith.constant 16 : i32
        %mul3A_207 = arith.muli %scan3A_205, %mul3A_206 : i32
        %add3A_208 = arith.constant 8064 : i32
        %add3A_209 = arith.addi %add3A_208, %mul3A_207 : i32
        %get3A = arith.constant 0 : i32
        %get3A_210 = arith.index_cast %get3A : i32 to index
        %get3A_211 = arith.index_cast %add3A_209 : i32 to index
        %get3A_212 = tpu.vector_load %arg5[%get3A_210, %get3A_211] {strides = array<i32>} : memref<3x8192xf32, #tpu.memory_space<vmem>>, vector<1x16xf32>,
        %get3A_213 = vector.shape_cast %get3A_212 : vector<1x16xf32> to vector<16xf32>
        %get3A_214 = arith.constant 1 : i32
        %get3A_215 = arith.index_cast %get3A_214 : i32 to index
        %get3A_216 = arith.index_cast %add3A_209 : i32 to index
        %get3A_217 = tpu.vector_load %arg5[%get3A_215, %get3A_216] {strides = array<i32>} : memref<3x8192xf32, #tpu.memory_space<vmem>>, vector<1x16xf32>,
        %get3A_218 = vector.shape_cast %get3A_217 : vector<1x16xf32> to vector<16xf32>
        %get3A_219 = arith.constant 2 : i32
        %get3A_220 = arith.index_cast %get3A_219 : i32 to index
        %get3A_221 = arith.index_cast %add3A_209 : i32 to index
        %get3A_222 = tpu.vector_load %arg5[%get3A_220, %get3A_221] {strides = array<i32>} : memref<3x8192xf32, #tpu.memory_space<vmem>>, vector<1x16xf32>,
        %get3A_223 = vector.shape_cast %get3A_222 : vector<1x16xf32> to vector<16xf32>
        %mul3A_224 = arith.mulf %get3A_213, %select_n3A_118 : vector<16xf32>
        %mul3A_225 = arith.mulf %get3A_218, %select_n3A_118 : vector<16xf32>
        %mul3A_226 = arith.mulf %get3A_223, %select_n3A_118 : vector<16xf32>
        %convert_element_type3A_227 = arith.fptosi %mul3A_224 : vector<16xf32> to vector<16xi32>
        %convert_element_type3A_228 = arith.fptosi %mul3A_225 : vector<16xf32> to vector<16xi32>
        %convert_element_type3A_229 = arith.fptosi %mul3A_226 : vector<16xf32> to vector<16xi32>
        %convert_element_type3A_230 = arith.sitofp %convert_element_type3A_227 : vector<16xi32> to vector<16xf32>
        %sub3A = arith.subf %mul3A_224, %convert_element_type3A_230 : vector<16xf32>
        %convert_element_type3A_231 = arith.sitofp %convert_element_type3A_228 : vector<16xi32> to vector<16xf32>
        %sub3A_232 = arith.subf %mul3A_225, %convert_element_type3A_231 : vector<16xf32>
        %convert_element_type3A_233 = arith.sitofp %convert_element_type3A_229 : vector<16xi32> to vector<16xf32>
        %sub3A_234 = arith.subf %mul3A_226, %convert_element_type3A_233 : vector<16xf32>
        %mul3A_235 = arith.constant -1640531535 : i32
        %mul3A_236 = vector.broadcast %mul3A_235 : i32 to vector<16xi32>
        %mul3A_237 = arith.muli %convert_element_type3A_228, %mul3A_236 : vector<16xi32>
        %add3A_238 = arith.constant -1640531535 : i32
        %add3A_239 = vector.broadcast %add3A_238 : i32 to vector<16xi32>
        %add3A_240 = arith.addi %mul3A_237, %add3A_239 : vector<16xi32>
        %mul3A_241 = arith.constant 805459861 : i32
        %mul3A_242 = vector.broadcast %mul3A_241 : i32 to vector<16xi32>
        %mul3A_243 = arith.muli %convert_element_type3A_229, %mul3A_242 : vector<16xi32>
        %add3A_244 = arith.constant 805459861 : i32
        %add3A_245 = vector.broadcast %add3A_244 : i32 to vector<16xi32>
        %add3A_246 = arith.addi %mul3A_243, %add3A_245 : vector<16xi32>
        %xor3A = arith.xori %mul3A_237, %mul3A_243 : vector<16xi32>
        %xor3A_247 = arith.xori %mul3A_237, %add3A_246 : vector<16xi32>
        %xor3A_248 = arith.xori %add3A_240, %mul3A_243 : vector<16xi32>
        %xor3A_249 = arith.xori %add3A_240, %add3A_246 : vector<16xi32>
        %add3A_250 = arith.constant 1 : i32
        %add3A_251 = vector.broadcast %add3A_250 : i32 to vector<16xi32>
        %add3A_252 = arith.addi %convert_element_type3A_227, %add3A_251 : vector<16xi32>
        %xor3A_253 = arith.xori %convert_element_type3A_227, %xor3A : vector<16xi32>
        %xor3A_254 = arith.xori %convert_element_type3A_227, %xor3A_247 : vector<16xi32>
        %xor3A_255 = arith.xori %convert_element_type3A_227, %xor3A_248 : vector<16xi32>
        %xor3A_256 = arith.xori %convert_element_type3A_227, %xor3A_249 : vector<16xi32>
        %xor3A_257 = arith.xori %add3A_252, %xor3A : vector<16xi32>
        %xor3A_258 = arith.xori %add3A_252, %xor3A_247 : vector<16xi32>
        %xor3A_259 = arith.xori %add3A_252, %xor3A_248 : vector<16xi32>
        %xor3A_260 = arith.xori %add3A_252, %xor3A_249 : vector<16xi32>
        %mul3A_261 = arith.constant 128 : i32
        %mul3A_262 = arith.muli %scan3A_205, %mul3A_261 : i32
        %and3A = arith.constant 524287 : i32
        %and3A_263 = vector.broadcast %and3A : i32 to vector<16xi32>
        %and3A_264 = arith.andi %xor3A_253, %and3A_263 : vector<16xi32>
        %shift_right_arithmetic3A = arith.constant 7 : i32
        %shift_right_arithmetic3A_265 = vector.broadcast %shift_right_arithmetic3A : i32 to vector<16xi32>
        %shift_right_arithmetic3A_266 = arith.shrsi %and3A_264, %shift_right_arithmetic3A_265 : vector<16xi32>
        %shift_left3A = arith.constant 8 : i32
        %shift_left3A_267 = vector.broadcast %shift_left3A : i32 to vector<16xi32>
        %shift_left3A_268 = arith.shli %shift_right_arithmetic3A_266, %shift_left3A_267 : vector<16xi32>
        %and3A_269 = arith.constant 127 : i32
        %and3A_270 = vector.broadcast %and3A_269 : i32 to vector<16xi32>
        %and3A_271 = arith.andi %and3A_264, %and3A_270 : vector<16xi32>
        %or3A = arith.ori %shift_left3A_268, %and3A_271 : vector<16xi32>
        %add3A_272 = arith.constant 0 : i32
        %add3A_273 = arith.addi %mul3A_262, %add3A_272 : i32
        %swap3A = arith.index_cast %add3A_273 : i32 to index
        %swap3A_274 = tpu.vector_load %arg7[%swap3A] {strides = array<i32>} : memref<2048xi32, #tpu.memory_space<vmem>>, vector<16xi32>,
        %swap3A_275 = vector.shape_cast %swap3A_274 : vector<16xi32> to vector<16xi32>
        %swap3A_276 = vector.shape_cast %or3A : vector<16xi32> to vector<16xi32>
        tpu.vector_store %arg7[%swap3A], %swap3A_276 {strides = array<i32>} : memref<2048xi32, #tpu.memory_space<vmem>>, vector<16xi32>,
        %add3A_277 = arith.constant 128 : i32
        %add3A_278 = vector.broadcast %add3A_277 : i32 to vector<16xi32>
        %add3A_279 = arith.addi %or3A, %add3A_278 : vector<16xi32>
        %add3A_280 = arith.constant 1024 : i32
        %add3A_281 = arith.addi %add3A_280, %mul3A_262 : i32
        %add3A_282 = arith.constant 0 : i32
        %add3A_283 = arith.addi %add3A_281, %add3A_282 : i32
        %swap3A_284 = arith.index_cast %add3A_283 : i32 to index
        %swap3A_285 = tpu.vector_load %arg7[%swap3A_284] {strides = array<i32>} : memref<2048xi32, #tpu.memory_space<vmem>>, vector<16xi32>,
        %swap3A_286 = vector.shape_cast %swap3A_285 : vector<16xi32> to vector<16xi32>
        %swap3A_287 = vector.shape_cast %add3A_279 : vector<16xi32> to vector<16xi32>
        tpu.vector_store %arg7[%swap3A_284], %swap3A_287 {strides = array<i32>} : memref<2048xi32, #tpu.memory_space<vmem>>, vector<16xi32>,
        %and3A_288 = arith.constant 524287 : i32
        %and3A_289 = vector.broadcast %and3A_288 : i32 to vector<16xi32>
        %and3A_290 = arith.andi %xor3A_254, %and3A_289 : vector<16xi32>
        %shift_right_arithmetic3A_291 = arith.constant 7 : i32
        %shift_right_arithmetic3A_292 = vector.broadcast %shift_right_arithmetic3A_291 : i32 to vector<16xi32>
        %shift_right_arithmetic3A_293 = arith.shrsi %and3A_290, %shift_right_arithmetic3A_292 : vector<16xi32>
        %shift_left3A_294 = arith.constant 8 : i32
        %shift_left3A_295 = vector.broadcast %shift_left3A_294 : i32 to vector<16xi32>
        %shift_left3A_296 = arith.shli %shift_right_arithmetic3A_293, %shift_left3A_295 : vector<16xi32>
        %and3A_297 = arith.constant 127 : i32
        %and3A_298 = vector.broadcast %and3A_297 : i32 to vector<16xi32>
        %and3A_299 = arith.andi %and3A_290, %and3A_298 : vector<16xi32>
        %or3A_300 = arith.ori %shift_left3A_296, %and3A_299 : vector<16xi32>
        %add3A_301 = arith.constant 16 : i32
        %add3A_302 = arith.addi %mul3A_262, %add3A_301 : i32
        %swap3A_303 = arith.index_cast %add3A_302 : i32 to index
        %swap3A_304 = tpu.vector_load %arg7[%swap3A_303] {strides = array<i32>} : memref<2048xi32, #tpu.memory_space<vmem>>, vector<16xi32>,
        %swap3A_305 = vector.shape_cast %swap3A_304 : vector<16xi32> to vector<16xi32>
        %swap3A_306 = vector.shape_cast %or3A_300 : vector<16xi32> to vector<16xi32>
        tpu.vector_store %arg7[%swap3A_303], %swap3A_306 {strides = array<i32>} : memref<2048xi32, #tpu.memory_space<vmem>>, vector<16xi32>,
        %add3A_307 = arith.constant 128 : i32
        %add3A_308 = vector.broadcast %add3A_307 : i32 to vector<16xi32>
        %add3A_309 = arith.addi %or3A_300, %add3A_308 : vector<16xi32>
        %add3A_310 = arith.constant 1024 : i32
        %add3A_311 = arith.addi %add3A_310, %mul3A_262 : i32
        %add3A_312 = arith.constant 16 : i32
        %add3A_313 = arith.addi %add3A_311, %add3A_312 : i32
        %swap3A_314 = arith.index_cast %add3A_313 : i32 to index
        %swap3A_315 = tpu.vector_load %arg7[%swap3A_314] {strides = array<i32>} : memref<2048xi32, #tpu.memory_space<vmem>>, vector<16xi32>,
        %swap3A_316 = vector.shape_cast %swap3A_315 : vector<16xi32> to vector<16xi32>
        %swap3A_317 = vector.shape_cast %add3A_309 : vector<16xi32> to vector<16xi32>
        tpu.vector_store %arg7[%swap3A_314], %swap3A_317 {strides = array<i32>} : memref<2048xi32, #tpu.memory_space<vmem>>, vector<16xi32>,
        %and3A_318 = arith.constant 524287 : i32
        %and3A_319 = vector.broadcast %and3A_318 : i32 to vector<16xi32>
        %and3A_320 = arith.andi %xor3A_255, %and3A_319 : vector<16xi32>
        %shift_right_arithmetic3A_321 = arith.constant 7 : i32
        %shift_right_arithmetic3A_322 = vector.broadcast %shift_right_arithmetic3A_321 : i32 to vector<16xi32>
        %shift_right_arithmetic3A_323 = arith.shrsi %and3A_320, %shift_right_arithmetic3A_322 : vector<16xi32>
        %shift_left3A_324 = arith.constant 8 : i32
        %shift_left3A_325 = vector.broadcast %shift_left3A_324 : i32 to vector<16xi32>
        %shift_left3A_326 = arith.shli %shift_right_arithmetic3A_323, %shift_left3A_325 : vector<16xi32>
        %and3A_327 = arith.constant 127 : i32
        %and3A_328 = vector.broadcast %and3A_327 : i32 to vector<16xi32>
        %and3A_329 = arith.andi %and3A_320, %and3A_328 : vector<16xi32>
        %or3A_330 = arith.ori %shift_left3A_326, %and3A_329 : vector<16xi32>
        %add3A_331 = arith.constant 32 : i32
        %add3A_332 = arith.addi %mul3A_262, %add3A_331 : i32
        %swap3A_333 = arith.index_cast %add3A_332 : i32 to index
        %swap3A_334 = tpu.vector_load %arg7[%swap3A_333] {strides = array<i32>} : memref<2048xi32, #tpu.memory_space<vmem>>, vector<16xi32>,
        %swap3A_335 = vector.shape_cast %swap3A_334 : vector<16xi32> to vector<16xi32>
        %swap3A_336 = vector.shape_cast %or3A_330 : vector<16xi32> to vector<16xi32>
        tpu.vector_store %arg7[%swap3A_333], %swap3A_336 {strides = array<i32>} : memref<2048xi32, #tpu.memory_space<vmem>>, vector<16xi32>,
        %add3A_337 = arith.constant 128 : i32
        %add3A_338 = vector.broadcast %add3A_337 : i32 to vector<16xi32>
        %add3A_339 = arith.addi %or3A_330, %add3A_338 : vector<16xi32>
        %add3A_340 = arith.constant 1024 : i32
        %add3A_341 = arith.addi %add3A_340, %mul3A_262 : i32
        %add3A_342 = arith.constant 32 : i32
        %add3A_343 = arith.addi %add3A_341, %add3A_342 : i32
        %swap3A_344 = arith.index_cast %add3A_343 : i32 to index
        %swap3A_345 = tpu.vector_load %arg7[%swap3A_344] {strides = array<i32>} : memref<2048xi32, #tpu.memory_space<vmem>>, vector<16xi32>,
        %swap3A_346 = vector.shape_cast %swap3A_345 : vector<16xi32> to vector<16xi32>
        %swap3A_347 = vector.shape_cast %add3A_339 : vector<16xi32> to vector<16xi32>
        tpu.vector_store %arg7[%swap3A_344], %swap3A_347 {strides = array<i32>} : memref<2048xi32, #tpu.memory_space<vmem>>, vector<16xi32>,
        %and3A_348 = arith.constant 524287 : i32
        %and3A_349 = vector.broadcast %and3A_348 : i32 to vector<16xi32>
        %and3A_350 = arith.andi %xor3A_256, %and3A_349 : vector<16xi32>
        %shift_right_arithmetic3A_351 = arith.constant 7 : i32
        %shift_right_arithmetic3A_352 = vector.broadcast %shift_right_arithmetic3A_351 : i32 to vector<16xi32>
        %shift_right_arithmetic3A_353 = arith.shrsi %and3A_350, %shift_right_arithmetic3A_352 : vector<16xi32>
        %shift_left3A_354 = arith.constant 8 : i32
        %shift_left3A_355 = vector.broadcast %shift_left3A_354 : i32 to vector<16xi32>
        %shift_left3A_356 = arith.shli %shift_right_arithmetic3A_353, %shift_left3A_355 : vector<16xi32>
        %and3A_357 = arith.constant 127 : i32
        %and3A_358 = vector.broadcast %and3A_357 : i32 to vector<16xi32>
        %and3A_359 = arith.andi %and3A_350, %and3A_358 : vector<16xi32>
        %or3A_360 = arith.ori %shift_left3A_356, %and3A_359 : vector<16xi32>
        %add3A_361 = arith.constant 48 : i32
        %add3A_362 = arith.addi %mul3A_262, %add3A_361 : i32
        %swap3A_363 = arith.index_cast %add3A_362 : i32 to index
        %swap3A_364 = tpu.vector_load %arg7[%swap3A_363] {strides = array<i32>} : memref<2048xi32, #tpu.memory_space<vmem>>, vector<16xi32>,
        %swap3A_365 = vector.shape_cast %swap3A_364 : vector<16xi32> to vector<16xi32>
        %swap3A_366 = vector.shape_cast %or3A_360 : vector<16xi32> to vector<16xi32>
        tpu.vector_store %arg7[%swap3A_363], %swap3A_366 {strides = array<i32>} : memref<2048xi32, #tpu.memory_space<vmem>>, vector<16xi32>,
        %add3A_367 = arith.constant 128 : i32
        %add3A_368 = vector.broadcast %add3A_367 : i32 to vector<16xi32>
        %add3A_369 = arith.addi %or3A_360, %add3A_368 : vector<16xi32>
        %add3A_370 = arith.constant 1024 : i32
        %add3A_371 = arith.addi %add3A_370, %mul3A_262 : i32
        %add3A_372 = arith.constant 48 : i32
        %add3A_373 = arith.addi %add3A_371, %add3A_372 : i32
        %swap3A_374 = arith.index_cast %add3A_373 : i32 to index
        %swap3A_375 = tpu.vector_load %arg7[%swap3A_374] {strides = array<i32>} : memref<2048xi32, #tpu.memory_space<vmem>>, vector<16xi32>,
        %swap3A_376 = vector.shape_cast %swap3A_375 : vector<16xi32> to vector<16xi32>
        %swap3A_377 = vector.shape_cast %add3A_369 : vector<16xi32> to vector<16xi32>
        tpu.vector_store %arg7[%swap3A_374], %swap3A_377 {strides = array<i32>} : memref<2048xi32, #tpu.memory_space<vmem>>, vector<16xi32>,
        %and3A_378 = arith.constant 524287 : i32
        %and3A_379 = vector.broadcast %and3A_378 : i32 to vector<16xi32>
        %and3A_380 = arith.andi %xor3A_257, %and3A_379 : vector<16xi32>
        %shift_right_arithmetic3A_381 = arith.constant 7 : i32
        %shift_right_arithmetic3A_382 = vector.broadcast %shift_right_arithmetic3A_381 : i32 to vector<16xi32>
        %shift_right_arithmetic3A_383 = arith.shrsi %and3A_380, %shift_right_arithmetic3A_382 : vector<16xi32>
        %shift_left3A_384 = arith.constant 8 : i32
        %shift_left3A_385 = vector.broadcast %shift_left3A_384 : i32 to vector<16xi32>
        %shift_left3A_386 = arith.shli %shift_right_arithmetic3A_383, %shift_left3A_385 : vector<16xi32>
        %and3A_387 = arith.constant 127 : i32
        %and3A_388 = vector.broadcast %and3A_387 : i32 to vector<16xi32>
        %and3A_389 = arith.andi %and3A_380, %and3A_388 : vector<16xi32>
        %or3A_390 = arith.ori %shift_left3A_386, %and3A_389 : vector<16xi32>
        %add3A_391 = arith.constant 64 : i32
        %add3A_392 = arith.addi %mul3A_262, %add3A_391 : i32
        %swap3A_393 = arith.index_cast %add3A_392 : i32 to index
        %swap3A_394 = tpu.vector_load %arg7[%swap3A_393] {strides = array<i32>} : memref<2048xi32, #tpu.memory_space<vmem>>, vector<16xi32>,
        %swap3A_395 = vector.shape_cast %swap3A_394 : vector<16xi32> to vector<16xi32>
        %swap3A_396 = vector.shape_cast %or3A_390 : vector<16xi32> to vector<16xi32>
        tpu.vector_store %arg7[%swap3A_393], %swap3A_396 {strides = array<i32>} : memref<2048xi32, #tpu.memory_space<vmem>>, vector<16xi32>,
        %add3A_397 = arith.constant 128 : i32
        %add3A_398 = vector.broadcast %add3A_397 : i32 to vector<16xi32>
        %add3A_399 = arith.addi %or3A_390, %add3A_398 : vector<16xi32>
        %add3A_400 = arith.constant 1024 : i32
        %add3A_401 = arith.addi %add3A_400, %mul3A_262 : i32
        %add3A_402 = arith.constant 64 : i32
        %add3A_403 = arith.addi %add3A_401, %add3A_402 : i32
        %swap3A_404 = arith.index_cast %add3A_403 : i32 to index
        %swap3A_405 = tpu.vector_load %arg7[%swap3A_404] {strides = array<i32>} : memref<2048xi32, #tpu.memory_space<vmem>>, vector<16xi32>,
        %swap3A_406 = vector.shape_cast %swap3A_405 : vector<16xi32> to vector<16xi32>
        %swap3A_407 = vector.shape_cast %add3A_399 : vector<16xi32> to vector<16xi32>
        tpu.vector_store %arg7[%swap3A_404], %swap3A_407 {strides = array<i32>} : memref<2048xi32, #tpu.memory_space<vmem>>, vector<16xi32>,
        %and3A_408 = arith.constant 524287 : i32
        %and3A_409 = vector.broadcast %and3A_408 : i32 to vector<16xi32>
        %and3A_410 = arith.andi %xor3A_258, %and3A_409 : vector<16xi32>
        %shift_right_arithmetic3A_411 = arith.constant 7 : i32
        %shift_right_arithmetic3A_412 = vector.broadcast %shift_right_arithmetic3A_411 : i32 to vector<16xi32>
        %shift_right_arithmetic3A_413 = arith.shrsi %and3A_410, %shift_right_arithmetic3A_412 : vector<16xi32>
        %shift_left3A_414 = arith.constant 8 : i32
        %shift_left3A_415 = vector.broadcast %shift_left3A_414 : i32 to vector<16xi32>
        %shift_left3A_416 = arith.shli %shift_right_arithmetic3A_413, %shift_left3A_415 : vector<16xi32>
        %and3A_417 = arith.constant 127 : i32
        %and3A_418 = vector.broadcast %and3A_417 : i32 to vector<16xi32>
        %and3A_419 = arith.andi %and3A_410, %and3A_418 : vector<16xi32>
        %or3A_420 = arith.ori %shift_left3A_416, %and3A_419 : vector<16xi32>
        %add3A_421 = arith.constant 80 : i32
        %add3A_422 = arith.addi %mul3A_262, %add3A_421 : i32
        %swap3A_423 = arith.index_cast %add3A_422 : i32 to index
        %swap3A_424 = tpu.vector_load %arg7[%swap3A_423] {strides = array<i32>} : memref<2048xi32, #tpu.memory_space<vmem>>, vector<16xi32>,
        %swap3A_425 = vector.shape_cast %swap3A_424 : vector<16xi32> to vector<16xi32>
        %swap3A_426 = vector.shape_cast %or3A_420 : vector<16xi32> to vector<16xi32>
        tpu.vector_store %arg7[%swap3A_423], %swap3A_426 {strides = array<i32>} : memref<2048xi32, #tpu.memory_space<vmem>>, vector<16xi32>,
        %add3A_427 = arith.constant 128 : i32
        %add3A_428 = vector.broadcast %add3A_427 : i32 to vector<16xi32>
        %add3A_429 = arith.addi %or3A_420, %add3A_428 : vector<16xi32>
        %add3A_430 = arith.constant 1024 : i32
        %add3A_431 = arith.addi %add3A_430, %mul3A_262 : i32
        %add3A_432 = arith.constant 80 : i32
        %add3A_433 = arith.addi %add3A_431, %add3A_432 : i32
        %swap3A_434 = arith.index_cast %add3A_433 : i32 to index
        %swap3A_435 = tpu.vector_load %arg7[%swap3A_434] {strides = array<i32>} : memref<2048xi32, #tpu.memory_space<vmem>>, vector<16xi32>,
        %swap3A_436 = vector.shape_cast %swap3A_435 : vector<16xi32> to vector<16xi32>
        %swap3A_437 = vector.shape_cast %add3A_429 : vector<16xi32> to vector<16xi32>
        tpu.vector_store %arg7[%swap3A_434], %swap3A_437 {strides = array<i32>} : memref<2048xi32, #tpu.memory_space<vmem>>, vector<16xi32>,
        %and3A_438 = arith.constant 524287 : i32
        %and3A_439 = vector.broadcast %and3A_438 : i32 to vector<16xi32>
        %and3A_440 = arith.andi %xor3A_259, %and3A_439 : vector<16xi32>
        %shift_right_arithmetic3A_441 = arith.constant 7 : i32
        %shift_right_arithmetic3A_442 = vector.broadcast %shift_right_arithmetic3A_441 : i32 to vector<16xi32>
        %shift_right_arithmetic3A_443 = arith.shrsi %and3A_440, %shift_right_arithmetic3A_442 : vector<16xi32>
        %shift_left3A_444 = arith.constant 8 : i32
        %shift_left3A_445 = vector.broadcast %shift_left3A_444 : i32 to vector<16xi32>
        %shift_left3A_446 = arith.shli %shift_right_arithmetic3A_443, %shift_left3A_445 : vector<16xi32>
        %and3A_447 = arith.constant 127 : i32
        %and3A_448 = vector.broadcast %and3A_447 : i32 to vector<16xi32>
        %and3A_449 = arith.andi %and3A_440, %and3A_448 : vector<16xi32>
        %or3A_450 = arith.ori %shift_left3A_446, %and3A_449 : vector<16xi32>
        %add3A_451 = arith.constant 96 : i32
        %add3A_452 = arith.addi %mul3A_262, %add3A_451 : i32
        %swap3A_453 = arith.index_cast %add3A_452 : i32 to index
        %swap3A_454 = tpu.vector_load %arg7[%swap3A_453] {strides = array<i32>} : memref<2048xi32, #tpu.memory_space<vmem>>, vector<16xi32>,
        %swap3A_455 = vector.shape_cast %swap3A_454 : vector<16xi32> to vector<16xi32>
        %swap3A_456 = vector.shape_cast %or3A_450 : vector<16xi32> to vector<16xi32>
        tpu.vector_store %arg7[%swap3A_453], %swap3A_456 {strides = array<i32>} : memref<2048xi32, #tpu.memory_space<vmem>>, vector<16xi32>,
        %add3A_457 = arith.constant 128 : i32
        %add3A_458 = vector.broadcast %add3A_457 : i32 to vector<16xi32>
        %add3A_459 = arith.addi %or3A_450, %add3A_458 : vector<16xi32>
        %add3A_460 = arith.constant 1024 : i32
        %add3A_461 = arith.addi %add3A_460, %mul3A_262 : i32
        %add3A_462 = arith.constant 96 : i32
        %add3A_463 = arith.addi %add3A_461, %add3A_462 : i32
        %swap3A_464 = arith.index_cast %add3A_463 : i32 to index
        %swap3A_465 = tpu.vector_load %arg7[%swap3A_464] {strides = array<i32>} : memref<2048xi32, #tpu.memory_space<vmem>>, vector<16xi32>,
        %swap3A_466 = vector.shape_cast %swap3A_465 : vector<16xi32> to vector<16xi32>
        %swap3A_467 = vector.shape_cast %add3A_459 : vector<16xi32> to vector<16xi32>
        tpu.vector_store %arg7[%swap3A_464], %swap3A_467 {strides = array<i32>} : memref<2048xi32, #tpu.memory_space<vmem>>, vector<16xi32>,
        %and3A_468 = arith.constant 524287 : i32
        %and3A_469 = vector.broadcast %and3A_468 : i32 to vector<16xi32>
        %and3A_470 = arith.andi %xor3A_260, %and3A_469 : vector<16xi32>
        %shift_right_arithmetic3A_471 = arith.constant 7 : i32
        %shift_right_arithmetic3A_472 = vector.broadcast %shift_right_arithmetic3A_471 : i32 to vector<16xi32>
        %shift_right_arithmetic3A_473 = arith.shrsi %and3A_470, %shift_right_arithmetic3A_472 : vector<16xi32>
        %shift_left3A_474 = arith.constant 8 : i32
        %shift_left3A_475 = vector.broadcast %shift_left3A_474 : i32 to vector<16xi32>
        %shift_left3A_476 = arith.shli %shift_right_arithmetic3A_473, %shift_left3A_475 : vector<16xi32>
        %and3A_477 = arith.constant 127 : i32
        %and3A_478 = vector.broadcast %and3A_477 : i32 to vector<16xi32>
        %and3A_479 = arith.andi %and3A_470, %and3A_478 : vector<16xi32>
        %or3A_480 = arith.ori %shift_left3A_476, %and3A_479 : vector<16xi32>
        %add3A_481 = arith.constant 112 : i32
        %add3A_482 = arith.addi %mul3A_262, %add3A_481 : i32
        %swap3A_483 = arith.index_cast %add3A_482 : i32 to index
        %swap3A_484 = tpu.vector_load %arg7[%swap3A_483] {strides = array<i32>} : memref<2048xi32, #tpu.memory_space<vmem>>, vector<16xi32>,
        %swap3A_485 = vector.shape_cast %swap3A_484 : vector<16xi32> to vector<16xi32>
        %swap3A_486 = vector.shape_cast %or3A_480 : vector<16xi32> to vector<16xi32>
        tpu.vector_store %arg7[%swap3A_483], %swap3A_486 {strides = array<i32>} : memref<2048xi32, #tpu.memory_space<vmem>>, vector<16xi32>,
        %add3A_487 = arith.constant 128 : i32
        %add3A_488 = vector.broadcast %add3A_487 : i32 to vector<16xi32>
        %add3A_489 = arith.addi %or3A_480, %add3A_488 : vector<16xi32>
        %add3A_490 = arith.constant 1024 : i32
        %add3A_491 = arith.addi %add3A_490, %mul3A_262 : i32
        %add3A_492 = arith.constant 112 : i32
        %add3A_493 = arith.addi %add3A_491, %add3A_492 : i32
        %swap3A_494 = arith.index_cast %add3A_493 : i32 to index
        %swap3A_495 = tpu.vector_load %arg7[%swap3A_494] {strides = array<i32>} : memref<2048xi32, #tpu.memory_space<vmem>>, vector<16xi32>,
        %swap3A_496 = vector.shape_cast %swap3A_495 : vector<16xi32> to vector<16xi32>
        %swap3A_497 = vector.shape_cast %add3A_489 : vector<16xi32> to vector<16xi32>
        tpu.vector_store %arg7[%swap3A_494], %swap3A_497 {strides = array<i32>} : memref<2048xi32, #tpu.memory_space<vmem>>, vector<16xi32>,
      }
      %scan3A_158 = arith.constant 8 : i32
      %dma_start3A_159 = arith.constant 0 : i32
      %dma_start3A_160 = tpu.memref_slice %arg9[%dma_start3A_159] : memref<2048xf32, #tpu.memory_space<vmem>> -> memref<512xf32, #tpu.memory_space<vmem>>
      %dma_start3A_161 = arith.constant 0 : i32
      %dma_start3A_162 = tpu.memref_slice %arg7[%dma_start3A_161] : memref<2048xi32, #tpu.memory_space<vmem>> -> memref<512xi32, #tpu.memory_space<vmem>>
      %dma_start3A_163 = arith.constant 0 : i32
      %dma_start3A_164 = tpu.memref_slice %arg11[%dma_start3A_163] : memref<1048576xf32, #tpu.memory_space<vmem_shared>> -> memref<1048576xf32, #tpu.memory_space<vmem_shared>>
      tpu.enqueue_indirect_dma source(%dma_start3A_164 : memref<1048576xf32, #tpu.memory_space<vmem_shared>>) target(%dma_start3A_160 : memref<512xf32, #tpu.memory_space<vmem>>) offsets(%dma_start3A_162 : memref<512xi32, #tpu.memory_space<vmem>>) semaphore(%arg13 : memref<!tpu.dma_semaphore, #tpu.memory_space<semaphore_mem>>)
      %dma_start3A_165 = arith.constant 512 : i32
      %dma_start3A_166 = tpu.memref_slice %arg9[%dma_start3A_165] : memref<2048xf32, #tpu.memory_space<vmem>> -> memref<512xf32, #tpu.memory_space<vmem>>
      %dma_start3A_167 = arith.constant 512 : i32
      %dma_start3A_168 = tpu.memref_slice %arg7[%dma_start3A_167] : memref<2048xi32, #tpu.memory_space<vmem>> -> memref<512xi32, #tpu.memory_space<vmem>>
      %dma_start3A_169 = arith.constant 0 : i32
      %dma_start3A_170 = tpu.memref_slice %arg11[%dma_start3A_169] : memref<1048576xf32, #tpu.memory_space<vmem_shared>> -> memref<1048576xf32, #tpu.memory_space<vmem_shared>>
      tpu.enqueue_indirect_dma source(%dma_start3A_170 : memref<1048576xf32, #tpu.memory_space<vmem_shared>>) target(%dma_start3A_166 : memref<512xf32, #tpu.memory_space<vmem>>) offsets(%dma_start3A_168 : memref<512xi32, #tpu.memory_space<vmem>>) semaphore(%arg13 : memref<!tpu.dma_semaphore, #tpu.memory_space<semaphore_mem>>)
      %dma_start3A_171 = arith.constant 1024 : i32
      %dma_start3A_172 = tpu.memref_slice %arg9[%dma_start3A_171] : memref<2048xf32, #tpu.memory_space<vmem>> -> memref<512xf32, #tpu.memory_space<vmem>>
      %dma_start3A_173 = arith.constant 1024 : i32
      %dma_start3A_174 = tpu.memref_slice %arg7[%dma_start3A_173] : memref<2048xi32, #tpu.memory_space<vmem>> -> memref<512xi32, #tpu.memory_space<vmem>>
      %dma_start3A_175 = arith.constant 0 : i32
      %dma_start3A_176 = tpu.memref_slice %arg11[%dma_start3A_175] : memref<1048576xf32, #tpu.memory_space<vmem_shared>> -> memref<1048576xf32, #tpu.memory_space<vmem_shared>>
      tpu.enqueue_indirect_dma source(%dma_start3A_176 : memref<1048576xf32, #tpu.memory_space<vmem_shared>>) target(%dma_start3A_172 : memref<512xf32, #tpu.memory_space<vmem>>) offsets(%dma_start3A_174 : memref<512xi32, #tpu.memory_space<vmem>>) semaphore(%arg13 : memref<!tpu.dma_semaphore, #tpu.memory_space<semaphore_mem>>)
      %dma_start3A_177 = arith.constant 1536 : i32
      %dma_start3A_178 = tpu.memref_slice %arg9[%dma_start3A_177] : memref<2048xf32, #tpu.memory_space<vmem>> -> memref<512xf32, #tpu.memory_space<vmem>>
      %dma_start3A_179 = arith.constant 1536 : i32
      %dma_start3A_180 = tpu.memref_slice %arg7[%dma_start3A_179] : memref<2048xi32, #tpu.memory_space<vmem>> -> memref<512xi32, #tpu.memory_space<vmem>>
      %dma_start3A_181 = arith.constant 0 : i32
      %dma_start3A_182 = tpu.memref_slice %arg11[%dma_start3A_181] : memref<1048576xf32, #tpu.memory_space<vmem_shared>> -> memref<1048576xf32, #tpu.memory_space<vmem_shared>>
      tpu.enqueue_indirect_dma source(%dma_start3A_182 : memref<1048576xf32, #tpu.memory_space<vmem_shared>>) target(%dma_start3A_178 : memref<512xf32, #tpu.memory_space<vmem>>) offsets(%dma_start3A_180 : memref<512xi32, #tpu.memory_space<vmem>>) semaphore(%arg13 : memref<!tpu.dma_semaphore, #tpu.memory_space<semaphore_mem>>)
      %dma_wait3A_183 = arith.constant 0 : i32
      %dma_wait3A_184 = tpu.memref_slice %arg3[%dma_wait3A_183] : memref<16777216xf32, #tpu.memory_space<hbm>> -> memref<2048xf32, #tpu.memory_space<hbm>>
      %dma_wait3A_185 = arith.constant 0 : i32
      %dma_wait3A_186 = tpu.memref_slice %arg3[%dma_wait3A_185] : memref<16777216xf32, #tpu.memory_space<hbm>> -> memref<2048xf32, #tpu.memory_space<hbm>>
      tpu.wait_dma2 semaphore(%arg12 : memref<!tpu.dma_semaphore, #tpu.memory_space<semaphore_mem>>) src(%dma_wait3A_186 : memref<2048xf32, #tpu.memory_space<hbm>>) dst(%arg8 : memref<2048xf32, #tpu.memory_space<vmem>>)
      %scan3A_187 = arith.constant 0 : i32
      %scan3A_188 = arith.constant 8 : i32
      %scan3A_189 = arith.addi %scan3A_187, %scan3A_188 : i32
      %scan3A_190 = arith.constant 1 : i32
      scf.for %scan3A_205 = %scan3A_187 to %scan3A_189 step %scan3A_190  : i32 {
        %mul3A_206 = arith.constant 16 : i32
        %mul3A_207 = arith.muli %scan3A_205, %mul3A_206 : i32
        %add3A_208 = arith.constant 7936 : i32
        %add3A_209 = arith.addi %add3A_208, %mul3A_207 : i32
        %get3A = arith.constant 0 : i32
        %get3A_210 = arith.index_cast %get3A : i32 to index
        %get3A_211 = arith.index_cast %add3A_209 : i32 to index
        %get3A_212 = tpu.vector_load %arg5[%get3A_210, %get3A_211] {strides = array<i32>} : memref<3x8192xf32, #tpu.memory_space<vmem>>, vector<1x16xf32>,
        %get3A_213 = vector.shape_cast %get3A_212 : vector<1x16xf32> to vector<16xf32>
        %get3A_214 = arith.constant 1 : i32
        %get3A_215 = arith.index_cast %get3A_214 : i32 to index
        %get3A_216 = arith.index_cast %add3A_209 : i32 to index
        %get3A_217 = tpu.vector_load %arg5[%get3A_215, %get3A_216] {strides = array<i32>} : memref<3x8192xf32, #tpu.memory_space<vmem>>, vector<1x16xf32>,
        %get3A_218 = vector.shape_cast %get3A_217 : vector<1x16xf32> to vector<16xf32>
        %get3A_219 = arith.constant 2 : i32
        %get3A_220 = arith.index_cast %get3A_219 : i32 to index
        %get3A_221 = arith.index_cast %add3A_209 : i32 to index
        %get3A_222 = tpu.vector_load %arg5[%get3A_220, %get3A_221] {strides = array<i32>} : memref<3x8192xf32, #tpu.memory_space<vmem>>, vector<1x16xf32>,
        %get3A_223 = vector.shape_cast %get3A_222 : vector<1x16xf32> to vector<16xf32>
        %mul3A_224 = arith.mulf %get3A_213, %select_n3A_118 : vector<16xf32>
        %mul3A_225 = arith.mulf %get3A_218, %select_n3A_118 : vector<16xf32>
        %mul3A_226 = arith.mulf %get3A_223, %select_n3A_118 : vector<16xf32>
        %convert_element_type3A_227 = arith.fptosi %mul3A_224 : vector<16xf32> to vector<16xi32>
        %convert_element_type3A_228 = arith.fptosi %mul3A_225 : vector<16xf32> to vector<16xi32>
        %convert_element_type3A_229 = arith.fptosi %mul3A_226 : vector<16xf32> to vector<16xi32>
        %convert_element_type3A_230 = arith.sitofp %convert_element_type3A_227 : vector<16xi32> to vector<16xf32>
        %sub3A = arith.subf %mul3A_224, %convert_element_type3A_230 : vector<16xf32>
        %convert_element_type3A_231 = arith.sitofp %convert_element_type3A_228 : vector<16xi32> to vector<16xf32>
        %sub3A_232 = arith.subf %mul3A_225, %convert_element_type3A_231 : vector<16xf32>
        %convert_element_type3A_233 = arith.sitofp %convert_element_type3A_229 : vector<16xi32> to vector<16xf32>
        %sub3A_234 = arith.subf %mul3A_226, %convert_element_type3A_233 : vector<16xf32>
        %sub3A_235 = arith.constant 1.000000e+00 : f32
        %sub3A_236 = vector.broadcast %sub3A_235 : f32 to vector<16xf32>
        %sub3A_237 = arith.subf %sub3A_236, %sub3A : vector<16xf32>
        %sub3A_238 = arith.constant 1.000000e+00 : f32
        %sub3A_239 = vector.broadcast %sub3A_238 : f32 to vector<16xf32>
        %sub3A_240 = arith.subf %sub3A_239, %sub3A_232 : vector<16xf32>
        %sub3A_241 = arith.constant 1.000000e+00 : f32
        %sub3A_242 = vector.broadcast %sub3A_241 : f32 to vector<16xf32>
        %sub3A_243 = arith.subf %sub3A_242, %sub3A_234 : vector<16xf32>
        %mul3A_244 = arith.mulf %sub3A_237, %sub3A_240 : vector<16xf32>
        %mul3A_245 = arith.mulf %sub3A_237, %sub3A_232 : vector<16xf32>
        %mul3A_246 = arith.mulf %sub3A, %sub3A_240 : vector<16xf32>
        %mul3A_247 = arith.mulf %sub3A, %sub3A_232 : vector<16xf32>
        %broadcast_in_dim3A_248 = arith.constant 0.000000e+00 : f32
        %broadcast_in_dim3A_249 = vector.broadcast %broadcast_in_dim3A_248 : f32 to vector<16xf32>
        %broadcast_in_dim3A_250 = arith.constant 0.000000e+00 : f32
        %broadcast_in_dim3A_251 = vector.broadcast %broadcast_in_dim3A_250 : f32 to vector<16xf32>
        %mul3A_252 = arith.constant 128 : i32
        %mul3A_253 = arith.muli %scan3A_205, %mul3A_252 : i32
        %mul3A_254 = arith.mulf %mul3A_244, %sub3A_243 : vector<16xf32>
        %add3A_255 = arith.constant 0 : i32
        %add3A_256 = arith.addi %mul3A_253, %add3A_255 : i32
        %get3A_257 = arith.index_cast %add3A_256 : i32 to index
        %get3A_258 = tpu.vector_load %arg8[%get3A_257] {strides = array<i32>} : memref<2048xf32, #tpu.memory_space<vmem>>, vector<16xf32>,
        %get3A_259 = vector.shape_cast %get3A_258 : vector<16xf32> to vector<16xf32>
        %add3A_260 = arith.constant 1024 : i32
        %add3A_261 = arith.addi %add3A_260, %mul3A_253 : i32
        %add3A_262 = arith.constant 0 : i32
        %add3A_263 = arith.addi %add3A_261, %add3A_262 : i32
        %get3A_264 = arith.index_cast %add3A_263 : i32 to index
        %get3A_265 = tpu.vector_load %arg8[%get3A_264] {strides = array<i32>} : memref<2048xf32, #tpu.memory_space<vmem>>, vector<16xf32>,
        %get3A_266 = vector.shape_cast %get3A_265 : vector<16xf32> to vector<16xf32>
        %mul3A_267 = arith.mulf %mul3A_254, %get3A_259 : vector<16xf32>
        %add3A_268 = arith.addf %broadcast_in_dim3A_249, %mul3A_267 : vector<16xf32>
        %mul3A_269 = arith.mulf %mul3A_254, %get3A_266 : vector<16xf32>
        %add3A_270 = arith.addf %broadcast_in_dim3A_251, %mul3A_269 : vector<16xf32>
        %mul3A_271 = arith.mulf %mul3A_244, %sub3A_234 : vector<16xf32>
        %add3A_272 = arith.constant 16 : i32
        %add3A_273 = arith.addi %mul3A_253, %add3A_272 : i32
        %get3A_274 = arith.index_cast %add3A_273 : i32 to index
        %get3A_275 = tpu.vector_load %arg8[%get3A_274] {strides = array<i32>} : memref<2048xf32, #tpu.memory_space<vmem>>, vector<16xf32>,
        %get3A_276 = vector.shape_cast %get3A_275 : vector<16xf32> to vector<16xf32>
        %add3A_277 = arith.constant 1024 : i32
        %add3A_278 = arith.addi %add3A_277, %mul3A_253 : i32
        %add3A_279 = arith.constant 16 : i32
        %add3A_280 = arith.addi %add3A_278, %add3A_279 : i32
        %get3A_281 = arith.index_cast %add3A_280 : i32 to index
        %get3A_282 = tpu.vector_load %arg8[%get3A_281] {strides = array<i32>} : memref<2048xf32, #tpu.memory_space<vmem>>, vector<16xf32>,
        %get3A_283 = vector.shape_cast %get3A_282 : vector<16xf32> to vector<16xf32>
        %mul3A_284 = arith.mulf %mul3A_271, %get3A_276 : vector<16xf32>
        %add3A_285 = arith.addf %add3A_268, %mul3A_284 : vector<16xf32>
        %mul3A_286 = arith.mulf %mul3A_271, %get3A_283 : vector<16xf32>
        %add3A_287 = arith.addf %add3A_270, %mul3A_286 : vector<16xf32>
        %mul3A_288 = arith.mulf %mul3A_245, %sub3A_243 : vector<16xf32>
        %add3A_289 = arith.constant 32 : i32
        %add3A_290 = arith.addi %mul3A_253, %add3A_289 : i32
        %get3A_291 = arith.index_cast %add3A_290 : i32 to index
        %get3A_292 = tpu.vector_load %arg8[%get3A_291] {strides = array<i32>} : memref<2048xf32, #tpu.memory_space<vmem>>, vector<16xf32>,
        %get3A_293 = vector.shape_cast %get3A_292 : vector<16xf32> to vector<16xf32>
        %add3A_294 = arith.constant 1024 : i32
        %add3A_295 = arith.addi %add3A_294, %mul3A_253 : i32
        %add3A_296 = arith.constant 32 : i32
        %add3A_297 = arith.addi %add3A_295, %add3A_296 : i32
        %get3A_298 = arith.index_cast %add3A_297 : i32 to index
        %get3A_299 = tpu.vector_load %arg8[%get3A_298] {strides = array<i32>} : memref<2048xf32, #tpu.memory_space<vmem>>, vector<16xf32>,
        %get3A_300 = vector.shape_cast %get3A_299 : vector<16xf32> to vector<16xf32>
        %mul3A_301 = arith.mulf %mul3A_288, %get3A_293 : vector<16xf32>
        %add3A_302 = arith.addf %add3A_285, %mul3A_301 : vector<16xf32>
        %mul3A_303 = arith.mulf %mul3A_288, %get3A_300 : vector<16xf32>
        %add3A_304 = arith.addf %add3A_287, %mul3A_303 : vector<16xf32>
        %mul3A_305 = arith.mulf %mul3A_245, %sub3A_234 : vector<16xf32>
        %add3A_306 = arith.constant 48 : i32
        %add3A_307 = arith.addi %mul3A_253, %add3A_306 : i32
        %get3A_308 = arith.index_cast %add3A_307 : i32 to index
        %get3A_309 = tpu.vector_load %arg8[%get3A_308] {strides = array<i32>} : memref<2048xf32, #tpu.memory_space<vmem>>, vector<16xf32>,
        %get3A_310 = vector.shape_cast %get3A_309 : vector<16xf32> to vector<16xf32>
        %add3A_311 = arith.constant 1024 : i32
        %add3A_312 = arith.addi %add3A_311, %mul3A_253 : i32
        %add3A_313 = arith.constant 48 : i32
        %add3A_314 = arith.addi %add3A_312, %add3A_313 : i32
        %get3A_315 = arith.index_cast %add3A_314 : i32 to index
        %get3A_316 = tpu.vector_load %arg8[%get3A_315] {strides = array<i32>} : memref<2048xf32, #tpu.memory_space<vmem>>, vector<16xf32>,
        %get3A_317 = vector.shape_cast %get3A_316 : vector<16xf32> to vector<16xf32>
        %mul3A_318 = arith.mulf %mul3A_305, %get3A_310 : vector<16xf32>
        %add3A_319 = arith.addf %add3A_302, %mul3A_318 : vector<16xf32>
        %mul3A_320 = arith.mulf %mul3A_305, %get3A_317 : vector<16xf32>
        %add3A_321 = arith.addf %add3A_304, %mul3A_320 : vector<16xf32>
        %mul3A_322 = arith.mulf %mul3A_246, %sub3A_243 : vector<16xf32>
        %add3A_323 = arith.constant 64 : i32
        %add3A_324 = arith.addi %mul3A_253, %add3A_323 : i32
        %get3A_325 = arith.index_cast %add3A_324 : i32 to index
        %get3A_326 = tpu.vector_load %arg8[%get3A_325] {strides = array<i32>} : memref<2048xf32, #tpu.memory_space<vmem>>, vector<16xf32>,
        %get3A_327 = vector.shape_cast %get3A_326 : vector<16xf32> to vector<16xf32>
        %add3A_328 = arith.constant 1024 : i32
        %add3A_329 = arith.addi %add3A_328, %mul3A_253 : i32
        %add3A_330 = arith.constant 64 : i32
        %add3A_331 = arith.addi %add3A_329, %add3A_330 : i32
        %get3A_332 = arith.index_cast %add3A_331 : i32 to index
        %get3A_333 = tpu.vector_load %arg8[%get3A_332] {strides = array<i32>} : memref<2048xf32, #tpu.memory_space<vmem>>, vector<16xf32>,
        %get3A_334 = vector.shape_cast %get3A_333 : vector<16xf32> to vector<16xf32>
        %mul3A_335 = arith.mulf %mul3A_322, %get3A_327 : vector<16xf32>
        %add3A_336 = arith.addf %add3A_319, %mul3A_335 : vector<16xf32>
        %mul3A_337 = arith.mulf %mul3A_322, %get3A_334 : vector<16xf32>
        %add3A_338 = arith.addf %add3A_321, %mul3A_337 : vector<16xf32>
        %mul3A_339 = arith.mulf %mul3A_246, %sub3A_234 : vector<16xf32>
        %add3A_340 = arith.constant 80 : i32
        %add3A_341 = arith.addi %mul3A_253, %add3A_340 : i32
        %get3A_342 = arith.index_cast %add3A_341 : i32 to index
        %get3A_343 = tpu.vector_load %arg8[%get3A_342] {strides = array<i32>} : memref<2048xf32, #tpu.memory_space<vmem>>, vector<16xf32>,
        %get3A_344 = vector.shape_cast %get3A_343 : vector<16xf32> to vector<16xf32>
        %add3A_345 = arith.constant 1024 : i32
        %add3A_346 = arith.addi %add3A_345, %mul3A_253 : i32
        %add3A_347 = arith.constant 80 : i32
        %add3A_348 = arith.addi %add3A_346, %add3A_347 : i32
        %get3A_349 = arith.index_cast %add3A_348 : i32 to index
        %get3A_350 = tpu.vector_load %arg8[%get3A_349] {strides = array<i32>} : memref<2048xf32, #tpu.memory_space<vmem>>, vector<16xf32>,
        %get3A_351 = vector.shape_cast %get3A_350 : vector<16xf32> to vector<16xf32>
        %mul3A_352 = arith.mulf %mul3A_339, %get3A_344 : vector<16xf32>
        %add3A_353 = arith.addf %add3A_336, %mul3A_352 : vector<16xf32>
        %mul3A_354 = arith.mulf %mul3A_339, %get3A_351 : vector<16xf32>
        %add3A_355 = arith.addf %add3A_338, %mul3A_354 : vector<16xf32>
        %mul3A_356 = arith.mulf %mul3A_247, %sub3A_243 : vector<16xf32>
        %add3A_357 = arith.constant 96 : i32
        %add3A_358 = arith.addi %mul3A_253, %add3A_357 : i32
        %get3A_359 = arith.index_cast %add3A_358 : i32 to index
        %get3A_360 = tpu.vector_load %arg8[%get3A_359] {strides = array<i32>} : memref<2048xf32, #tpu.memory_space<vmem>>, vector<16xf32>,
        %get3A_361 = vector.shape_cast %get3A_360 : vector<16xf32> to vector<16xf32>
        %add3A_362 = arith.constant 1024 : i32
        %add3A_363 = arith.addi %add3A_362, %mul3A_253 : i32
        %add3A_364 = arith.constant 96 : i32
        %add3A_365 = arith.addi %add3A_363, %add3A_364 : i32
        %get3A_366 = arith.index_cast %add3A_365 : i32 to index
        %get3A_367 = tpu.vector_load %arg8[%get3A_366] {strides = array<i32>} : memref<2048xf32, #tpu.memory_space<vmem>>, vector<16xf32>,
        %get3A_368 = vector.shape_cast %get3A_367 : vector<16xf32> to vector<16xf32>
        %mul3A_369 = arith.mulf %mul3A_356, %get3A_361 : vector<16xf32>
        %add3A_370 = arith.addf %add3A_353, %mul3A_369 : vector<16xf32>
        %mul3A_371 = arith.mulf %mul3A_356, %get3A_368 : vector<16xf32>
        %add3A_372 = arith.addf %add3A_355, %mul3A_371 : vector<16xf32>
        %mul3A_373 = arith.mulf %mul3A_247, %sub3A_234 : vector<16xf32>
        %add3A_374 = arith.constant 112 : i32
        %add3A_375 = arith.addi %mul3A_253, %add3A_374 : i32
        %get3A_376 = arith.index_cast %add3A_375 : i32 to index
        %get3A_377 = tpu.vector_load %arg8[%get3A_376] {strides = array<i32>} : memref<2048xf32, #tpu.memory_space<vmem>>, vector<16xf32>,
        %get3A_378 = vector.shape_cast %get3A_377 : vector<16xf32> to vector<16xf32>
        %add3A_379 = arith.constant 1024 : i32
        %add3A_380 = arith.addi %add3A_379, %mul3A_253 : i32
        %add3A_381 = arith.constant 112 : i32
        %add3A_382 = arith.addi %add3A_380, %add3A_381 : i32
        %get3A_383 = arith.index_cast %add3A_382 : i32 to index
        %get3A_384 = tpu.vector_load %arg8[%get3A_383] {strides = array<i32>} : memref<2048xf32, #tpu.memory_space<vmem>>, vector<16xf32>,
        %get3A_385 = vector.shape_cast %get3A_384 : vector<16xf32> to vector<16xf32>
        %mul3A_386 = arith.mulf %mul3A_373, %get3A_378 : vector<16xf32>
        %add3A_387 = arith.addf %add3A_370, %mul3A_386 : vector<16xf32>
        %mul3A_388 = arith.mulf %mul3A_373, %get3A_385 : vector<16xf32>
        %add3A_389 = arith.addf %add3A_372, %mul3A_388 : vector<16xf32>
        %mul3A_390 = arith.constant 16 : i32
        %mul3A_391 = arith.muli %scan3A_205, %mul3A_390 : i32
        %add3A_392 = arith.constant 7936 : i32
        %add3A_393 = arith.addi %add3A_392, %mul3A_391 : i32
        %swap3A = arith.constant 0 : i32
        %swap3A_394 = arith.index_cast %swap3A : i32 to index
        %swap3A_395 = arith.index_cast %add3A_393 : i32 to index
        %swap3A_396 = tpu.vector_load %arg10[%swap3A_394, %swap3A_395] {strides = array<i32>} : memref<2x8192xf32, #tpu.memory_space<vmem>>, vector<1x16xf32>,
        %swap3A_397 = vector.shape_cast %swap3A_396 : vector<1x16xf32> to vector<16xf32>
        %swap3A_398 = vector.shape_cast %add3A_387 : vector<16xf32> to vector<1x16xf32>
        tpu.vector_store %arg10[%swap3A_394, %swap3A_395], %swap3A_398 {strides = array<i32>} : memref<2x8192xf32, #tpu.memory_space<vmem>>, vector<1x16xf32>,
        %swap3A_399 = arith.constant 1 : i32
        %swap3A_400 = arith.index_cast %swap3A_399 : i32 to index
        %swap3A_401 = arith.index_cast %add3A_393 : i32 to index
        %swap3A_402 = tpu.vector_load %arg10[%swap3A_400, %swap3A_401] {strides = array<i32>} : memref<2x8192xf32, #tpu.memory_space<vmem>>, vector<1x16xf32>,
        %swap3A_403 = vector.shape_cast %swap3A_402 : vector<1x16xf32> to vector<16xf32>
        %swap3A_404 = vector.shape_cast %add3A_389 : vector<16xf32> to vector<1x16xf32>
        tpu.vector_store %arg10[%swap3A_400, %swap3A_401], %swap3A_404 {strides = array<i32>} : memref<2x8192xf32, #tpu.memory_space<vmem>>, vector<1x16xf32>,
      }
      %scan3A_191 = arith.constant 8 : i32
      %dma_wait3A_192 = arith.constant 0 : i32
      %dma_wait3A_193 = tpu.memref_slice %arg3[%dma_wait3A_192] : memref<16777216xf32, #tpu.memory_space<hbm>> -> memref<2048xf32, #tpu.memory_space<hbm>>
      %dma_wait3A_194 = arith.constant 0 : i32
      %dma_wait3A_195 = tpu.memref_slice %arg3[%dma_wait3A_194] : memref<16777216xf32, #tpu.memory_space<hbm>> -> memref<2048xf32, #tpu.memory_space<hbm>>
      tpu.wait_dma2 semaphore(%arg13 : memref<!tpu.dma_semaphore, #tpu.memory_space<semaphore_mem>>) src(%dma_wait3A_195 : memref<2048xf32, #tpu.memory_space<hbm>>) dst(%arg9 : memref<2048xf32, #tpu.memory_space<vmem>>)
      %scan3A_196 = arith.constant 0 : i32
      %scan3A_197 = arith.constant 8 : i32
      %scan3A_198 = arith.addi %scan3A_196, %scan3A_197 : i32
      %scan3A_199 = arith.constant 1 : i32
      scf.for %scan3A_205 = %scan3A_196 to %scan3A_198 step %scan3A_199  : i32 {
        %mul3A_206 = arith.constant 16 : i32
        %mul3A_207 = arith.muli %scan3A_205, %mul3A_206 : i32
        %add3A_208 = arith.constant 8064 : i32
        %add3A_209 = arith.addi %add3A_208, %mul3A_207 : i32
        %get3A = arith.constant 0 : i32
        %get3A_210 = arith.index_cast %get3A : i32 to index
        %get3A_211 = arith.index_cast %add3A_209 : i32 to index
        %get3A_212 = tpu.vector_load %arg5[%get3A_210, %get3A_211] {strides = array<i32>} : memref<3x8192xf32, #tpu.memory_space<vmem>>, vector<1x16xf32>,
        %get3A_213 = vector.shape_cast %get3A_212 : vector<1x16xf32> to vector<16xf32>
        %get3A_214 = arith.constant 1 : i32
        %get3A_215 = arith.index_cast %get3A_214 : i32 to index
        %get3A_216 = arith.index_cast %add3A_209 : i32 to index
        %get3A_217 = tpu.vector_load %arg5[%get3A_215, %get3A_216] {strides = array<i32>} : memref<3x8192xf32, #tpu.memory_space<vmem>>, vector<1x16xf32>,
        %get3A_218 = vector.shape_cast %get3A_217 : vector<1x16xf32> to vector<16xf32>
        %get3A_219 = arith.constant 2 : i32
        %get3A_220 = arith.index_cast %get3A_219 : i32 to index
        %get3A_221 = arith.index_cast %add3A_209 : i32 to index
        %get3A_222 = tpu.vector_load %arg5[%get3A_220, %get3A_221] {strides = array<i32>} : memref<3x8192xf32, #tpu.memory_space<vmem>>, vector<1x16xf32>,
        %get3A_223 = vector.shape_cast %get3A_222 : vector<1x16xf32> to vector<16xf32>
        %mul3A_224 = arith.mulf %get3A_213, %select_n3A_118 : vector<16xf32>
        %mul3A_225 = arith.mulf %get3A_218, %select_n3A_118 : vector<16xf32>
        %mul3A_226 = arith.mulf %get3A_223, %select_n3A_118 : vector<16xf32>
        %convert_element_type3A_227 = arith.fptosi %mul3A_224 : vector<16xf32> to vector<16xi32>
        %convert_element_type3A_228 = arith.fptosi %mul3A_225 : vector<16xf32> to vector<16xi32>
        %convert_element_type3A_229 = arith.fptosi %mul3A_226 : vector<16xf32> to vector<16xi32>
        %convert_element_type3A_230 = arith.sitofp %convert_element_type3A_227 : vector<16xi32> to vector<16xf32>
        %sub3A = arith.subf %mul3A_224, %convert_element_type3A_230 : vector<16xf32>
        %convert_element_type3A_231 = arith.sitofp %convert_element_type3A_228 : vector<16xi32> to vector<16xf32>
        %sub3A_232 = arith.subf %mul3A_225, %convert_element_type3A_231 : vector<16xf32>
        %convert_element_type3A_233 = arith.sitofp %convert_element_type3A_229 : vector<16xi32> to vector<16xf32>
        %sub3A_234 = arith.subf %mul3A_226, %convert_element_type3A_233 : vector<16xf32>
        %sub3A_235 = arith.constant 1.000000e+00 : f32
        %sub3A_236 = vector.broadcast %sub3A_235 : f32 to vector<16xf32>
        %sub3A_237 = arith.subf %sub3A_236, %sub3A : vector<16xf32>
        %sub3A_238 = arith.constant 1.000000e+00 : f32
        %sub3A_239 = vector.broadcast %sub3A_238 : f32 to vector<16xf32>
        %sub3A_240 = arith.subf %sub3A_239, %sub3A_232 : vector<16xf32>
        %sub3A_241 = arith.constant 1.000000e+00 : f32
        %sub3A_242 = vector.broadcast %sub3A_241 : f32 to vector<16xf32>
        %sub3A_243 = arith.subf %sub3A_242, %sub3A_234 : vector<16xf32>
        %mul3A_244 = arith.mulf %sub3A_237, %sub3A_240 : vector<16xf32>
        %mul3A_245 = arith.mulf %sub3A_237, %sub3A_232 : vector<16xf32>
        %mul3A_246 = arith.mulf %sub3A, %sub3A_240 : vector<16xf32>
        %mul3A_247 = arith.mulf %sub3A, %sub3A_232 : vector<16xf32>
        %broadcast_in_dim3A_248 = arith.constant 0.000000e+00 : f32
        %broadcast_in_dim3A_249 = vector.broadcast %broadcast_in_dim3A_248 : f32 to vector<16xf32>
        %broadcast_in_dim3A_250 = arith.constant 0.000000e+00 : f32
        %broadcast_in_dim3A_251 = vector.broadcast %broadcast_in_dim3A_250 : f32 to vector<16xf32>
        %mul3A_252 = arith.constant 128 : i32
        %mul3A_253 = arith.muli %scan3A_205, %mul3A_252 : i32
        %mul3A_254 = arith.mulf %mul3A_244, %sub3A_243 : vector<16xf32>
        %add3A_255 = arith.constant 0 : i32
        %add3A_256 = arith.addi %mul3A_253, %add3A_255 : i32
        %get3A_257 = arith.index_cast %add3A_256 : i32 to index
        %get3A_258 = tpu.vector_load %arg9[%get3A_257] {strides = array<i32>} : memref<2048xf32, #tpu.memory_space<vmem>>, vector<16xf32>,
        %get3A_259 = vector.shape_cast %get3A_258 : vector<16xf32> to vector<16xf32>
        %add3A_260 = arith.constant 1024 : i32
        %add3A_261 = arith.addi %add3A_260, %mul3A_253 : i32
        %add3A_262 = arith.constant 0 : i32
        %add3A_263 = arith.addi %add3A_261, %add3A_262 : i32
        %get3A_264 = arith.index_cast %add3A_263 : i32 to index
        %get3A_265 = tpu.vector_load %arg9[%get3A_264] {strides = array<i32>} : memref<2048xf32, #tpu.memory_space<vmem>>, vector<16xf32>,
        %get3A_266 = vector.shape_cast %get3A_265 : vector<16xf32> to vector<16xf32>
        %mul3A_267 = arith.mulf %mul3A_254, %get3A_259 : vector<16xf32>
        %add3A_268 = arith.addf %broadcast_in_dim3A_249, %mul3A_267 : vector<16xf32>
        %mul3A_269 = arith.mulf %mul3A_254, %get3A_266 : vector<16xf32>
        %add3A_270 = arith.addf %broadcast_in_dim3A_251, %mul3A_269 : vector<16xf32>
        %mul3A_271 = arith.mulf %mul3A_244, %sub3A_234 : vector<16xf32>
        %add3A_272 = arith.constant 16 : i32
        %add3A_273 = arith.addi %mul3A_253, %add3A_272 : i32
        %get3A_274 = arith.index_cast %add3A_273 : i32 to index
        %get3A_275 = tpu.vector_load %arg9[%get3A_274] {strides = array<i32>} : memref<2048xf32, #tpu.memory_space<vmem>>, vector<16xf32>,
        %get3A_276 = vector.shape_cast %get3A_275 : vector<16xf32> to vector<16xf32>
        %add3A_277 = arith.constant 1024 : i32
        %add3A_278 = arith.addi %add3A_277, %mul3A_253 : i32
        %add3A_279 = arith.constant 16 : i32
        %add3A_280 = arith.addi %add3A_278, %add3A_279 : i32
        %get3A_281 = arith.index_cast %add3A_280 : i32 to index
        %get3A_282 = tpu.vector_load %arg9[%get3A_281] {strides = array<i32>} : memref<2048xf32, #tpu.memory_space<vmem>>, vector<16xf32>,
        %get3A_283 = vector.shape_cast %get3A_282 : vector<16xf32> to vector<16xf32>
        %mul3A_284 = arith.mulf %mul3A_271, %get3A_276 : vector<16xf32>
        %add3A_285 = arith.addf %add3A_268, %mul3A_284 : vector<16xf32>
        %mul3A_286 = arith.mulf %mul3A_271, %get3A_283 : vector<16xf32>
        %add3A_287 = arith.addf %add3A_270, %mul3A_286 : vector<16xf32>
        %mul3A_288 = arith.mulf %mul3A_245, %sub3A_243 : vector<16xf32>
        %add3A_289 = arith.constant 32 : i32
        %add3A_290 = arith.addi %mul3A_253, %add3A_289 : i32
        %get3A_291 = arith.index_cast %add3A_290 : i32 to index
        %get3A_292 = tpu.vector_load %arg9[%get3A_291] {strides = array<i32>} : memref<2048xf32, #tpu.memory_space<vmem>>, vector<16xf32>,
        %get3A_293 = vector.shape_cast %get3A_292 : vector<16xf32> to vector<16xf32>
        %add3A_294 = arith.constant 1024 : i32
        %add3A_295 = arith.addi %add3A_294, %mul3A_253 : i32
        %add3A_296 = arith.constant 32 : i32
        %add3A_297 = arith.addi %add3A_295, %add3A_296 : i32
        %get3A_298 = arith.index_cast %add3A_297 : i32 to index
        %get3A_299 = tpu.vector_load %arg9[%get3A_298] {strides = array<i32>} : memref<2048xf32, #tpu.memory_space<vmem>>, vector<16xf32>,
        %get3A_300 = vector.shape_cast %get3A_299 : vector<16xf32> to vector<16xf32>
        %mul3A_301 = arith.mulf %mul3A_288, %get3A_293 : vector<16xf32>
        %add3A_302 = arith.addf %add3A_285, %mul3A_301 : vector<16xf32>
        %mul3A_303 = arith.mulf %mul3A_288, %get3A_300 : vector<16xf32>
        %add3A_304 = arith.addf %add3A_287, %mul3A_303 : vector<16xf32>
        %mul3A_305 = arith.mulf %mul3A_245, %sub3A_234 : vector<16xf32>
        %add3A_306 = arith.constant 48 : i32
        %add3A_307 = arith.addi %mul3A_253, %add3A_306 : i32
        %get3A_308 = arith.index_cast %add3A_307 : i32 to index
        %get3A_309 = tpu.vector_load %arg9[%get3A_308] {strides = array<i32>} : memref<2048xf32, #tpu.memory_space<vmem>>, vector<16xf32>,
        %get3A_310 = vector.shape_cast %get3A_309 : vector<16xf32> to vector<16xf32>
        %add3A_311 = arith.constant 1024 : i32
        %add3A_312 = arith.addi %add3A_311, %mul3A_253 : i32
        %add3A_313 = arith.constant 48 : i32
        %add3A_314 = arith.addi %add3A_312, %add3A_313 : i32
        %get3A_315 = arith.index_cast %add3A_314 : i32 to index
        %get3A_316 = tpu.vector_load %arg9[%get3A_315] {strides = array<i32>} : memref<2048xf32, #tpu.memory_space<vmem>>, vector<16xf32>,
        %get3A_317 = vector.shape_cast %get3A_316 : vector<16xf32> to vector<16xf32>
        %mul3A_318 = arith.mulf %mul3A_305, %get3A_310 : vector<16xf32>
        %add3A_319 = arith.addf %add3A_302, %mul3A_318 : vector<16xf32>
        %mul3A_320 = arith.mulf %mul3A_305, %get3A_317 : vector<16xf32>
        %add3A_321 = arith.addf %add3A_304, %mul3A_320 : vector<16xf32>
        %mul3A_322 = arith.mulf %mul3A_246, %sub3A_243 : vector<16xf32>
        %add3A_323 = arith.constant 64 : i32
        %add3A_324 = arith.addi %mul3A_253, %add3A_323 : i32
        %get3A_325 = arith.index_cast %add3A_324 : i32 to index
        %get3A_326 = tpu.vector_load %arg9[%get3A_325] {strides = array<i32>} : memref<2048xf32, #tpu.memory_space<vmem>>, vector<16xf32>,
        %get3A_327 = vector.shape_cast %get3A_326 : vector<16xf32> to vector<16xf32>
        %add3A_328 = arith.constant 1024 : i32
        %add3A_329 = arith.addi %add3A_328, %mul3A_253 : i32
        %add3A_330 = arith.constant 64 : i32
        %add3A_331 = arith.addi %add3A_329, %add3A_330 : i32
        %get3A_332 = arith.index_cast %add3A_331 : i32 to index
        %get3A_333 = tpu.vector_load %arg9[%get3A_332] {strides = array<i32>} : memref<2048xf32, #tpu.memory_space<vmem>>, vector<16xf32>,
        %get3A_334 = vector.shape_cast %get3A_333 : vector<16xf32> to vector<16xf32>
        %mul3A_335 = arith.mulf %mul3A_322, %get3A_327 : vector<16xf32>
        %add3A_336 = arith.addf %add3A_319, %mul3A_335 : vector<16xf32>
        %mul3A_337 = arith.mulf %mul3A_322, %get3A_334 : vector<16xf32>
        %add3A_338 = arith.addf %add3A_321, %mul3A_337 : vector<16xf32>
        %mul3A_339 = arith.mulf %mul3A_246, %sub3A_234 : vector<16xf32>
        %add3A_340 = arith.constant 80 : i32
        %add3A_341 = arith.addi %mul3A_253, %add3A_340 : i32
        %get3A_342 = arith.index_cast %add3A_341 : i32 to index
        %get3A_343 = tpu.vector_load %arg9[%get3A_342] {strides = array<i32>} : memref<2048xf32, #tpu.memory_space<vmem>>, vector<16xf32>,
        %get3A_344 = vector.shape_cast %get3A_343 : vector<16xf32> to vector<16xf32>
        %add3A_345 = arith.constant 1024 : i32
        %add3A_346 = arith.addi %add3A_345, %mul3A_253 : i32
        %add3A_347 = arith.constant 80 : i32
        %add3A_348 = arith.addi %add3A_346, %add3A_347 : i32
        %get3A_349 = arith.index_cast %add3A_348 : i32 to index
        %get3A_350 = tpu.vector_load %arg9[%get3A_349] {strides = array<i32>} : memref<2048xf32, #tpu.memory_space<vmem>>, vector<16xf32>,
        %get3A_351 = vector.shape_cast %get3A_350 : vector<16xf32> to vector<16xf32>
        %mul3A_352 = arith.mulf %mul3A_339, %get3A_344 : vector<16xf32>
        %add3A_353 = arith.addf %add3A_336, %mul3A_352 : vector<16xf32>
        %mul3A_354 = arith.mulf %mul3A_339, %get3A_351 : vector<16xf32>
        %add3A_355 = arith.addf %add3A_338, %mul3A_354 : vector<16xf32>
        %mul3A_356 = arith.mulf %mul3A_247, %sub3A_243 : vector<16xf32>
        %add3A_357 = arith.constant 96 : i32
        %add3A_358 = arith.addi %mul3A_253, %add3A_357 : i32
        %get3A_359 = arith.index_cast %add3A_358 : i32 to index
        %get3A_360 = tpu.vector_load %arg9[%get3A_359] {strides = array<i32>} : memref<2048xf32, #tpu.memory_space<vmem>>, vector<16xf32>,
        %get3A_361 = vector.shape_cast %get3A_360 : vector<16xf32> to vector<16xf32>
        %add3A_362 = arith.constant 1024 : i32
        %add3A_363 = arith.addi %add3A_362, %mul3A_253 : i32
        %add3A_364 = arith.constant 96 : i32
        %add3A_365 = arith.addi %add3A_363, %add3A_364 : i32
        %get3A_366 = arith.index_cast %add3A_365 : i32 to index
        %get3A_367 = tpu.vector_load %arg9[%get3A_366] {strides = array<i32>} : memref<2048xf32, #tpu.memory_space<vmem>>, vector<16xf32>,
        %get3A_368 = vector.shape_cast %get3A_367 : vector<16xf32> to vector<16xf32>
        %mul3A_369 = arith.mulf %mul3A_356, %get3A_361 : vector<16xf32>
        %add3A_370 = arith.addf %add3A_353, %mul3A_369 : vector<16xf32>
        %mul3A_371 = arith.mulf %mul3A_356, %get3A_368 : vector<16xf32>
        %add3A_372 = arith.addf %add3A_355, %mul3A_371 : vector<16xf32>
        %mul3A_373 = arith.mulf %mul3A_247, %sub3A_234 : vector<16xf32>
        %add3A_374 = arith.constant 112 : i32
        %add3A_375 = arith.addi %mul3A_253, %add3A_374 : i32
        %get3A_376 = arith.index_cast %add3A_375 : i32 to index
        %get3A_377 = tpu.vector_load %arg9[%get3A_376] {strides = array<i32>} : memref<2048xf32, #tpu.memory_space<vmem>>, vector<16xf32>,
        %get3A_378 = vector.shape_cast %get3A_377 : vector<16xf32> to vector<16xf32>
        %add3A_379 = arith.constant 1024 : i32
        %add3A_380 = arith.addi %add3A_379, %mul3A_253 : i32
        %add3A_381 = arith.constant 112 : i32
        %add3A_382 = arith.addi %add3A_380, %add3A_381 : i32
        %get3A_383 = arith.index_cast %add3A_382 : i32 to index
        %get3A_384 = tpu.vector_load %arg9[%get3A_383] {strides = array<i32>} : memref<2048xf32, #tpu.memory_space<vmem>>, vector<16xf32>,
        %get3A_385 = vector.shape_cast %get3A_384 : vector<16xf32> to vector<16xf32>
        %mul3A_386 = arith.mulf %mul3A_373, %get3A_378 : vector<16xf32>
        %add3A_387 = arith.addf %add3A_370, %mul3A_386 : vector<16xf32>
        %mul3A_388 = arith.mulf %mul3A_373, %get3A_385 : vector<16xf32>
        %add3A_389 = arith.addf %add3A_372, %mul3A_388 : vector<16xf32>
        %mul3A_390 = arith.constant 16 : i32
        %mul3A_391 = arith.muli %scan3A_205, %mul3A_390 : i32
        %add3A_392 = arith.constant 8064 : i32
        %add3A_393 = arith.addi %add3A_392, %mul3A_391 : i32
        %swap3A = arith.constant 0 : i32
        %swap3A_394 = arith.index_cast %swap3A : i32 to index
        %swap3A_395 = arith.index_cast %add3A_393 : i32 to index
        %swap3A_396 = tpu.vector_load %arg10[%swap3A_394, %swap3A_395] {strides = array<i32>} : memref<2x8192xf32, #tpu.memory_space<vmem>>, vector<1x16xf32>,
        %swap3A_397 = vector.shape_cast %swap3A_396 : vector<1x16xf32> to vector<16xf32>
        %swap3A_398 = vector.shape_cast %add3A_387 : vector<16xf32> to vector<1x16xf32>
        tpu.vector_store %arg10[%swap3A_394, %swap3A_395], %swap3A_398 {strides = array<i32>} : memref<2x8192xf32, #tpu.memory_space<vmem>>, vector<1x16xf32>,
        %swap3A_399 = arith.constant 1 : i32
        %swap3A_400 = arith.index_cast %swap3A_399 : i32 to index
        %swap3A_401 = arith.index_cast %add3A_393 : i32 to index
        %swap3A_402 = tpu.vector_load %arg10[%swap3A_400, %swap3A_401] {strides = array<i32>} : memref<2x8192xf32, #tpu.memory_space<vmem>>, vector<1x16xf32>,
        %swap3A_403 = vector.shape_cast %swap3A_402 : vector<1x16xf32> to vector<16xf32>
        %swap3A_404 = vector.shape_cast %add3A_389 : vector<16xf32> to vector<1x16xf32>
        tpu.vector_store %arg10[%swap3A_400, %swap3A_401], %swap3A_404 {strides = array<i32>} : memref<2x8192xf32, #tpu.memory_space<vmem>>, vector<1x16xf32>,
      }
      %scan3A_200 = arith.constant 8 : i32
      %mul3A_201 = arith.constant 2 : i32
      %mul3A_202 = arith.muli %mul3A_201, %add3A : i32
      %dma_start3A_203 = tpu.memref_slice %arg4[%mul3A_202, %mul3A_0] : memref<32x131072xf32, #tpu.memory_space<hbm>> -> memref<2x8192xf32, #tpu.memory_space<hbm>>
      %dma_start3A_204 = tpu.memref_slice %arg4[%mul3A_202, %mul3A_0] : memref<32x131072xf32, #tpu.memory_space<hbm>> -> memref<2x8192xf32, #tpu.memory_space<hbm>>
      tpu.enqueue_dma source(%arg10 : memref<2x8192xf32, #tpu.memory_space<vmem>>) target(%dma_start3A_204 : memref<2x8192xf32, #tpu.memory_space<hbm>>) target_semaphore(%arg14 : memref<!tpu.dma_semaphore, #tpu.memory_space<semaphore_mem>>)
    }
    %scan3A_4 = arith.constant 8 : i32
    %dma_wait3A = arith.constant 0 : i32
    %dma_wait3A_5 = arith.constant 0 : i32
    %dma_wait3A_6 = tpu.memref_slice %arg4[%dma_wait3A, %dma_wait3A_5] : memref<32x131072xf32, #tpu.memory_space<hbm>> -> memref<2x8192xf32, #tpu.memory_space<hbm>>
    %dma_wait3A_7 = arith.constant 0 : i32
    %dma_wait3A_8 = arith.constant 0 : i32
    %dma_wait3A_9 = tpu.memref_slice %arg4[%dma_wait3A_7, %dma_wait3A_8] : memref<32x131072xf32, #tpu.memory_space<hbm>> -> memref<2x8192xf32, #tpu.memory_space<hbm>>
    tpu.wait_dma2 semaphore(%arg14 : memref<!tpu.dma_semaphore, #tpu.memory_space<semaphore_mem>>) src(%dma_wait3A_9 : memref<2x8192xf32, #tpu.memory_space<hbm>>) dst(%arg10 : memref<2x8192xf32, #tpu.memory_space<vmem>>)
    return
  }
}

module attributes {stable_mosaic.version = 14 : i64} {
  func.func @_mlp_body(%arg0: i32, %arg1: memref<32x4096xf32, #tpu.memory_space<vmem>>, %arg2: memref<3x4096xf32, #tpu.memory_space<vmem>>, %arg3: memref<64x32xf32, #tpu.memory_space<vmem>>, %arg4: memref<64x1xf32, #tpu.memory_space<vmem>>, %arg5: memref<16x64xf32, #tpu.memory_space<vmem>>, %arg6: memref<16x1xf32, #tpu.memory_space<vmem>>, %arg7: memref<64x16xf32, #tpu.memory_space<vmem>>, %arg8: memref<12x3xf32, #tpu.memory_space<vmem>>, %arg9: memref<64x3xf32, #tpu.memory_space<vmem>>, %arg10: memref<64x12xf32, #tpu.memory_space<vmem>>, %arg11: memref<64x12xf32, #tpu.memory_space<vmem>>, %arg12: memref<64x1xf32, #tpu.memory_space<vmem>>, %arg13: memref<64x64xf32, #tpu.memory_space<vmem>>, %arg14: memref<64x1xf32, #tpu.memory_space<vmem>>, %arg15: memref<3x64xf32, #tpu.memory_space<vmem>>, %arg16: memref<3x1xf32, #tpu.memory_space<vmem>>, %arg17: memref<1x4096xf32, #tpu.memory_space<vmem>>, %arg18: memref<3x4096xf32, #tpu.memory_space<vmem>>) attributes {dimension_semantics = [#tpu.dimension_semantics<arbitrary>], iteration_bounds = array<i64: 32>, scalar_prefetch = 0 : i64, scratch_operands = 0 : i64, tpu.core_type = #tpu.core_type<tc>, window_params = [{transform_indices = @transform_0, window_bounds = array<i64: 32, 4096>}, {transform_indices = @transform_1, window_bounds = array<i64: 3, 4096>}, {pipeline_mode = #tpu.pipeline_mode<synchronous>, transform_indices = @transform_2, window_bounds = array<i64: 64, 32>}, {pipeline_mode = #tpu.pipeline_mode<synchronous>, transform_indices = @transform_3, window_bounds = array<i64: 64, 1>}, {pipeline_mode = #tpu.pipeline_mode<synchronous>, transform_indices = @transform_4, window_bounds = array<i64: 16, 64>}, {pipeline_mode = #tpu.pipeline_mode<synchronous>, transform_indices = @transform_5, window_bounds = array<i64: 16, 1>}, {pipeline_mode = #tpu.pipeline_mode<synchronous>, transform_indices = @transform_6, window_bounds = array<i64: 64, 16>}, {pipeline_mode = #tpu.pipeline_mode<synchronous>, transform_indices = @transform_7, window_bounds = array<i64: 12, 3>}, {pipeline_mode = #tpu.pipeline_mode<synchronous>, transform_indices = @transform_8, window_bounds = array<i64: 64, 3>}, {pipeline_mode = #tpu.pipeline_mode<synchronous>, transform_indices = @transform_9, window_bounds = array<i64: 64, 12>}, {pipeline_mode = #tpu.pipeline_mode<synchronous>, transform_indices = @transform_10, window_bounds = array<i64: 64, 12>}, {pipeline_mode = #tpu.pipeline_mode<synchronous>, transform_indices = @transform_11, window_bounds = array<i64: 64, 1>}, {pipeline_mode = #tpu.pipeline_mode<synchronous>, transform_indices = @transform_12, window_bounds = array<i64: 64, 64>}, {pipeline_mode = #tpu.pipeline_mode<synchronous>, transform_indices = @transform_13, window_bounds = array<i64: 64, 1>}, {pipeline_mode = #tpu.pipeline_mode<synchronous>, transform_indices = @transform_14, window_bounds = array<i64: 3, 64>}, {pipeline_mode = #tpu.pipeline_mode<synchronous>, transform_indices = @transform_15, window_bounds = array<i64: 3, 1>}, {transform_indices = @transform_16, window_bounds = array<i64: 1, 4096>}, {transform_indices = @transform_17, window_bounds = array<i64: 3, 4096>}]} {
    %get3A = arith.constant 0 : index
    %get3A_0 = arith.constant 0 : index
    %get3A_1 = vector.load %arg1[%get3A, %get3A_0] : memref<32x4096xf32, #tpu.memory_space<vmem>>, vector<32x4096xf32>
    %get3A_2 = arith.constant 0 : index
    %get3A_3 = arith.constant 0 : index
    %get3A_4 = vector.load %arg3[%get3A_2, %get3A_3] : memref<64x32xf32, #tpu.memory_space<vmem>>, vector<64x32xf32>
    %dot_general3A = arith.constant dense<0.000000e+00> : vector<64x4096xf32>
    %dot_general3A_5 = tpu.matmul %get3A_4, %get3A_1, %dot_general3A {dimension_numbers = #tpu.dot_dimension_numbers<[1], [0], [0], [1], [0, 0, 1, 1], [], []>, transpose_lhs_hint = false} : vector<64x32xf32>, vector<32x4096xf32>, vector<64x4096xf32> -> vector<64x4096xf32>
    %get3A_6 = arith.constant 0 : index
    %get3A_7 = arith.constant 0 : index
    %get3A_8 = vector.load %arg4[%get3A_6, %get3A_7] : memref<64x1xf32, #tpu.memory_space<vmem>>, vector<64x1xf32>
    %add3A = vector.broadcast %get3A_8 : vector<64x1xf32> to vector<64x4096xf32>
    %add3A_9 = arith.addf %dot_general3A_5, %add3A : vector<64x4096xf32>
    %max3A = arith.constant 0.000000e+00 : f32
    %max3A_10 = vector.broadcast %max3A : f32 to vector<64x4096xf32>
    %max3A_11 = arith.maximumf %add3A_9, %max3A_10 : vector<64x4096xf32>
    %get3A_12 = arith.constant 0 : index
    %get3A_13 = arith.constant 0 : index
    %get3A_14 = vector.load %arg5[%get3A_12, %get3A_13] : memref<16x64xf32, #tpu.memory_space<vmem>>, vector<16x64xf32>
    %dot_general3A_15 = arith.constant dense<0.000000e+00> : vector<16x4096xf32>
    %dot_general3A_16 = tpu.matmul %get3A_14, %max3A_11, %dot_general3A_15 {dimension_numbers = #tpu.dot_dimension_numbers<[1], [0], [0], [1], [0, 0, 1, 1], [], []>, transpose_lhs_hint = false} : vector<16x64xf32>, vector<64x4096xf32>, vector<16x4096xf32> -> vector<16x4096xf32>
    %get3A_17 = arith.constant 0 : index
    %get3A_18 = arith.constant 0 : index
    %get3A_19 = vector.load %arg6[%get3A_17, %get3A_18] : memref<16x1xf32, #tpu.memory_space<vmem>>, vector<16x1xf32>
    %add3A_20 = vector.broadcast %get3A_19 : vector<16x1xf32> to vector<16x4096xf32>
    %add3A_21 = arith.addf %dot_general3A_16, %add3A_20 : vector<16x4096xf32>
    %slice3A = vector.extract_strided_slice %add3A_21 {offsets = [0, 0], sizes = [1, 4096], strides = [1, 1]} : vector<16x4096xf32> to vector<1x4096xf32>
    %swap3A = arith.constant 0 : index
    %swap3A_22 = arith.constant 0 : index
    %swap3A_23 = vector.load %arg17[%swap3A, %swap3A_22] : memref<1x4096xf32, #tpu.memory_space<vmem>>, vector<1x4096xf32>
    tpu.vector_store %arg17[%swap3A, %swap3A_22], %slice3A {strides = array<i32>} : memref<1x4096xf32, #tpu.memory_space<vmem>>, vector<1x4096xf32>,
    %get3A_24 = arith.constant 0 : index
    %get3A_25 = arith.constant 0 : index
    %get3A_26 = vector.load %arg2[%get3A_24, %get3A_25] : memref<3x4096xf32, #tpu.memory_space<vmem>>, vector<3x4096xf32>
    %get3A_27 = arith.constant 0 : index
    %get3A_28 = arith.constant 0 : index
    %get3A_29 = vector.load %arg8[%get3A_27, %get3A_28] : memref<12x3xf32, #tpu.memory_space<vmem>>, vector<12x3xf32>
    %dot_general3A_30 = arith.constant dense<0.000000e+00> : vector<12x4096xf32>
    %dot_general3A_31 = tpu.matmul %get3A_29, %get3A_26, %dot_general3A_30 {dimension_numbers = #tpu.dot_dimension_numbers<[1], [0], [0], [1], [0, 0, 1, 1], [], []>, transpose_lhs_hint = false} : vector<12x3xf32>, vector<3x4096xf32>, vector<12x4096xf32> -> vector<12x4096xf32>
    %get3A_32 = arith.constant 0 : index
    %get3A_33 = arith.constant 0 : index
    %get3A_34 = vector.load %arg7[%get3A_32, %get3A_33] : memref<64x16xf32, #tpu.memory_space<vmem>>, vector<64x16xf32>
    %dot_general3A_35 = arith.constant dense<0.000000e+00> : vector<64x4096xf32>
    %dot_general3A_36 = tpu.matmul %get3A_34, %add3A_21, %dot_general3A_35 {dimension_numbers = #tpu.dot_dimension_numbers<[1], [0], [0], [1], [0, 0, 1, 1], [], []>, transpose_lhs_hint = false} : vector<64x16xf32>, vector<16x4096xf32>, vector<64x4096xf32> -> vector<64x4096xf32>
    %get3A_37 = arith.constant 0 : index
    %get3A_38 = arith.constant 0 : index
    %get3A_39 = vector.load %arg12[%get3A_37, %get3A_38] : memref<64x1xf32, #tpu.memory_space<vmem>>, vector<64x1xf32>
    %add3A_40 = vector.broadcast %get3A_39 : vector<64x1xf32> to vector<64x4096xf32>
    %add3A_41 = arith.addf %dot_general3A_36, %add3A_40 : vector<64x4096xf32>
    %get3A_42 = arith.constant 0 : index
    %get3A_43 = arith.constant 0 : index
    %get3A_44 = vector.load %arg9[%get3A_42, %get3A_43] : memref<64x3xf32, #tpu.memory_space<vmem>>, vector<64x3xf32>
    %dot_general3A_45 = arith.constant dense<0.000000e+00> : vector<64x4096xf32>
    %dot_general3A_46 = tpu.matmul %get3A_44, %get3A_26, %dot_general3A_45 {dimension_numbers = #tpu.dot_dimension_numbers<[1], [0], [0], [1], [0, 0, 1, 1], [], []>, transpose_lhs_hint = false} : vector<64x3xf32>, vector<3x4096xf32>, vector<64x4096xf32> -> vector<64x4096xf32>
    %add3A_47 = arith.addf %add3A_41, %dot_general3A_46 : vector<64x4096xf32>
    %get3A_48 = arith.constant 0 : index
    %get3A_49 = arith.constant 0 : index
    %get3A_50 = vector.load %arg10[%get3A_48, %get3A_49] : memref<64x12xf32, #tpu.memory_space<vmem>>, vector<64x12xf32>
    %sin3A = math.sin %dot_general3A_31 : vector<12x4096xf32>
    %dot_general3A_51 = arith.constant dense<0.000000e+00> : vector<64x4096xf32>
    %dot_general3A_52 = tpu.matmul %get3A_50, %sin3A, %dot_general3A_51 {dimension_numbers = #tpu.dot_dimension_numbers<[1], [0], [0], [1], [0, 0, 1, 1], [], []>, transpose_lhs_hint = false} : vector<64x12xf32>, vector<12x4096xf32>, vector<64x4096xf32> -> vector<64x4096xf32>
    %add3A_53 = arith.addf %add3A_47, %dot_general3A_52 : vector<64x4096xf32>
    %get3A_54 = arith.constant 0 : index
    %get3A_55 = arith.constant 0 : index
    %get3A_56 = vector.load %arg11[%get3A_54, %get3A_55] : memref<64x12xf32, #tpu.memory_space<vmem>>, vector<64x12xf32>
    %cos3A = math.cos %dot_general3A_31 : vector<12x4096xf32>
    %dot_general3A_57 = arith.constant dense<0.000000e+00> : vector<64x4096xf32>
    %dot_general3A_58 = tpu.matmul %get3A_56, %cos3A, %dot_general3A_57 {dimension_numbers = #tpu.dot_dimension_numbers<[1], [0], [0], [1], [0, 0, 1, 1], [], []>, transpose_lhs_hint = false} : vector<64x12xf32>, vector<12x4096xf32>, vector<64x4096xf32> -> vector<64x4096xf32>
    %add3A_59 = arith.addf %add3A_53, %dot_general3A_58 : vector<64x4096xf32>
    %max3A_60 = arith.constant 0.000000e+00 : f32
    %max3A_61 = vector.broadcast %max3A_60 : f32 to vector<64x4096xf32>
    %max3A_62 = arith.maximumf %add3A_59, %max3A_61 : vector<64x4096xf32>
    %get3A_63 = arith.constant 0 : index
    %get3A_64 = arith.constant 0 : index
    %get3A_65 = vector.load %arg13[%get3A_63, %get3A_64] : memref<64x64xf32, #tpu.memory_space<vmem>>, vector<64x64xf32>
    %dot_general3A_66 = arith.constant dense<0.000000e+00> : vector<64x4096xf32>
    %dot_general3A_67 = tpu.matmul %get3A_65, %max3A_62, %dot_general3A_66 {dimension_numbers = #tpu.dot_dimension_numbers<[1], [0], [0], [1], [0, 0, 1, 1], [], []>, transpose_lhs_hint = false} : vector<64x64xf32>, vector<64x4096xf32>, vector<64x4096xf32> -> vector<64x4096xf32>
    %get3A_68 = arith.constant 0 : index
    %get3A_69 = arith.constant 0 : index
    %get3A_70 = vector.load %arg14[%get3A_68, %get3A_69] : memref<64x1xf32, #tpu.memory_space<vmem>>, vector<64x1xf32>
    %add3A_71 = vector.broadcast %get3A_70 : vector<64x1xf32> to vector<64x4096xf32>
    %add3A_72 = arith.addf %dot_general3A_67, %add3A_71 : vector<64x4096xf32>
    %max3A_73 = arith.constant 0.000000e+00 : f32
    %max3A_74 = vector.broadcast %max3A_73 : f32 to vector<64x4096xf32>
    %max3A_75 = arith.maximumf %add3A_72, %max3A_74 : vector<64x4096xf32>
    %get3A_76 = arith.constant 0 : index
    %get3A_77 = arith.constant 0 : index
    %get3A_78 = vector.load %arg15[%get3A_76, %get3A_77] : memref<3x64xf32, #tpu.memory_space<vmem>>, vector<3x64xf32>
    %dot_general3A_79 = arith.constant dense<0.000000e+00> : vector<3x4096xf32>
    %dot_general3A_80 = tpu.matmul %get3A_78, %max3A_75, %dot_general3A_79 {dimension_numbers = #tpu.dot_dimension_numbers<[1], [0], [0], [1], [0, 0, 1, 1], [], []>, transpose_lhs_hint = false} : vector<3x64xf32>, vector<64x4096xf32>, vector<3x4096xf32> -> vector<3x4096xf32>
    %get3A_81 = arith.constant 0 : index
    %get3A_82 = arith.constant 0 : index
    %get3A_83 = vector.load %arg16[%get3A_81, %get3A_82] : memref<3x1xf32, #tpu.memory_space<vmem>>, vector<3x1xf32>
    %add3A_84 = vector.broadcast %get3A_83 : vector<3x1xf32> to vector<3x4096xf32>
    %add3A_85 = arith.addf %dot_general3A_80, %add3A_84 : vector<3x4096xf32>
    %neg3A = arith.constant 0.000000e+00 : f32
    %neg3A_86 = vector.broadcast %neg3A : f32 to vector<3x4096xf32>
    %neg3A_87 = arith.subf %neg3A_86, %add3A_85 : vector<3x4096xf32>
    %exp3A = math.exp %neg3A_87 : vector<3x4096xf32>
    %add3A_88 = arith.constant 1.000000e+00 : f32
    %add3A_89 = vector.broadcast %add3A_88 : f32 to vector<3x4096xf32>
    %add3A_90 = arith.addf %add3A_89, %exp3A : vector<3x4096xf32>
    %div3A = arith.constant 1.000000e+00 : f32
    %div3A_91 = vector.broadcast %div3A : f32 to vector<3x4096xf32>
    %div3A_92 = arith.divf %div3A_91, %add3A_90 : vector<3x4096xf32>
    %swap3A_93 = arith.constant 0 : index
    %swap3A_94 = arith.constant 0 : index
    %swap3A_95 = vector.load %arg18[%swap3A_93, %swap3A_94] : memref<3x4096xf32, #tpu.memory_space<vmem>>, vector<3x4096xf32>
    tpu.vector_store %arg18[%swap3A_93, %swap3A_94], %div3A_92 {strides = array<i32>} : memref<3x4096xf32, #tpu.memory_space<vmem>>, vector<3x4096xf32>,
    return
  }
  func.func @transform_0(%arg0: i32) -> (i32, i32) {
    %c0_i32 = arith.constant 0 : i32
    %c0_i32_0 = arith.constant 0 : i32
    return %c0_i32, %arg0 : i32, i32
  }
  func.func @transform_1(%arg0: i32) -> (i32, i32) {
    %c0_i32 = arith.constant 0 : i32
    %c0_i32_0 = arith.constant 0 : i32
    return %c0_i32, %arg0 : i32, i32
  }
  func.func @transform_2(%arg0: i32) -> (i32, i32) {
    %c0_i32 = arith.constant 0 : i32
    %c0_i32_0 = arith.constant 0 : i32
    %c0_i32_1 = arith.constant 0 : i32
    return %c0_i32, %c0_i32_0 : i32, i32
  }
  func.func @transform_3(%arg0: i32) -> (i32, i32) {
    %c0_i32 = arith.constant 0 : i32
    %c0_i32_0 = arith.constant 0 : i32
    %c0_i32_1 = arith.constant 0 : i32
    return %c0_i32, %c0_i32_0 : i32, i32
  }
  func.func @transform_4(%arg0: i32) -> (i32, i32) {
    %c0_i32 = arith.constant 0 : i32
    %c0_i32_0 = arith.constant 0 : i32
    %c0_i32_1 = arith.constant 0 : i32
    return %c0_i32, %c0_i32_0 : i32, i32
  }
  func.func @transform_5(%arg0: i32) -> (i32, i32) {
    %c0_i32 = arith.constant 0 : i32
    %c0_i32_0 = arith.constant 0 : i32
    %c0_i32_1 = arith.constant 0 : i32
    return %c0_i32, %c0_i32_0 : i32, i32
  }
  func.func @transform_6(%arg0: i32) -> (i32, i32) {
    %c0_i32 = arith.constant 0 : i32
    %c0_i32_0 = arith.constant 0 : i32
    %c0_i32_1 = arith.constant 0 : i32
    return %c0_i32, %c0_i32_0 : i32, i32
  }
  func.func @transform_7(%arg0: i32) -> (i32, i32) {
    %c0_i32 = arith.constant 0 : i32
    %c0_i32_0 = arith.constant 0 : i32
    %c0_i32_1 = arith.constant 0 : i32
    return %c0_i32, %c0_i32_0 : i32, i32
  }
  func.func @transform_8(%arg0: i32) -> (i32, i32) {
    %c0_i32 = arith.constant 0 : i32
    %c0_i32_0 = arith.constant 0 : i32
    %c0_i32_1 = arith.constant 0 : i32
    return %c0_i32, %c0_i32_0 : i32, i32
  }
  func.func @transform_9(%arg0: i32) -> (i32, i32) {
    %c0_i32 = arith.constant 0 : i32
    %c0_i32_0 = arith.constant 0 : i32
    %c0_i32_1 = arith.constant 0 : i32
    return %c0_i32, %c0_i32_0 : i32, i32
  }
  func.func @transform_10(%arg0: i32) -> (i32, i32) {
    %c0_i32 = arith.constant 0 : i32
    %c0_i32_0 = arith.constant 0 : i32
    %c0_i32_1 = arith.constant 0 : i32
    return %c0_i32, %c0_i32_0 : i32, i32
  }
  func.func @transform_11(%arg0: i32) -> (i32, i32) {
    %c0_i32 = arith.constant 0 : i32
    %c0_i32_0 = arith.constant 0 : i32
    %c0_i32_1 = arith.constant 0 : i32
    return %c0_i32, %c0_i32_0 : i32, i32
  }
  func.func @transform_12(%arg0: i32) -> (i32, i32) {
    %c0_i32 = arith.constant 0 : i32
    %c0_i32_0 = arith.constant 0 : i32
    %c0_i32_1 = arith.constant 0 : i32
    return %c0_i32, %c0_i32_0 : i32, i32
  }
  func.func @transform_13(%arg0: i32) -> (i32, i32) {
    %c0_i32 = arith.constant 0 : i32
    %c0_i32_0 = arith.constant 0 : i32
    %c0_i32_1 = arith.constant 0 : i32
    return %c0_i32, %c0_i32_0 : i32, i32
  }
  func.func @transform_14(%arg0: i32) -> (i32, i32) {
    %c0_i32 = arith.constant 0 : i32
    %c0_i32_0 = arith.constant 0 : i32
    %c0_i32_1 = arith.constant 0 : i32
    return %c0_i32, %c0_i32_0 : i32, i32
  }
  func.func @transform_15(%arg0: i32) -> (i32, i32) {
    %c0_i32 = arith.constant 0 : i32
    %c0_i32_0 = arith.constant 0 : i32
    %c0_i32_1 = arith.constant 0 : i32
    return %c0_i32, %c0_i32_0 : i32, i32
  }
  func.func @transform_16(%arg0: i32) -> (i32, i32) {
    %c0_i32 = arith.constant 0 : i32
    %c0_i32_0 = arith.constant 0 : i32
    return %c0_i32, %arg0 : i32, i32
  }
  func.func @transform_17(%arg0: i32) -> (i32, i32) {
    %c0_i32 = arith.constant 0 : i32
    %c0_i32_0 = arith.constant 0 : i32
    return %c0_i32, %arg0 : i32, i32
  }
}

</mosaic_0001>

<sc_bundles>
// kernel: kernel.4.cloned.1.call-start
scs
__scs_entry_jumppad:
0x0: {  	(pc) =	sbr.rel $0x88, $3  }
0x1: {  	(tag) =	ssettag $0x0;
	lr =	simm.s32 $0x1  }
0x2: {  	[smem:$0x3F94] =	sst lr;
	_ =	strace $0xD0000000  }
0x3: {  	_ = 	snop  }
0x4: {  	_ = 	snop  }
0x5: {  	_ = 	snop  }
0x6: {  	_ = 	snop  }
0x7: {  	_ = 	snop  }
__scs_overlays_trampoline_lowered:
0x8: {  	[smem:$0x3FA3] =	sst s0  }
0x9: {  	[smem:$0x3FA4] =	sst s1  }
0xa: {  	[smem:$0x3FA5] =	sst s2  }
0xb: {  	[smem:$0x3FA6] =	sst s3  }
0xc: {  	[smem:$0x3FA7] =	sst s4  }
0xd: {  	[smem:$0x3FA8] =	sst s5  }
0xe: {  	[smem:$0x3FA9] =	sst s6  }
0xf: {  	[smem:$0x3FAA] =	sst s7  }
0x10: {  	[smem:$0x3FAB] =	sst s8  }
0x11: {  	[smem:$0x3FAC] =	sst s9;
	s0 =	simm.s32 @!p0 $0x0  }
0x12: {  	s1 =	sld [smem:$0x3F92];
	s0 =	simm.s32 @p0 $0x1  }
0x13: {  	[smem:$0x3FAD] =	sst s0;
	s0 =	simm.s32 @!p1 $0x0  }
0x14: {  	s2 =	sld [smem:$0x3F91];
	s0 =	simm.s32 @p1 $0x1  }
0x15: {  	[smem:$0x3FAE] =	sst s0;
	s0 =	simm.s32 @!p2 $0x0  }
0x16: {  	s3 =	sld [smem:$0x3FDB];
	s0 =	simm.s32 @p2 $0x1  }
0x17: {  	s4 =	simm.s32 $0x1BF5;
	[smem:$0x3FB0] =	sst s0  }
0x18: {  	s0 =	sld [smem:$0x3F93];
	_ =	swait.ge [sflag:s4], $0x0  }
0x19: {  	s7 =	sld [smem:$0x3F94]  }
0x1a: {  	s8 =	sadd.s32 $0xFFFFE003, lr  }
0x1b: {  	s9 =	sadd.s32 $0xFFFFFEF7, lr;
	s5 =	simm.s32 $0xFFFFFFFF;
	p2 =	slt.u32 s8, $0xFFFFF086  }
0x1c: {  	p1 =	slt.u32 s9, $0xF7A;
	s5 =	simm.s32 @!p2 $0x0  }
0x1d: {  	s5 =	simm.s32 @p1 $0x1;
	p0 =	seq.s32 s7, s2  }
0x1e: {  	s7 =	smul.u32 @!p0 $0xF7A, s2;
	p2 =	seq.s32 @!p0 s5, $0x0  }
0x1f: {  	s9 =	smul.u32 $0xF7A, s1;
	s8 =	simm.s32 @!p0 $0x1BF5;
	p2 =	por !p2, p0  }
0x20: {  	[sflag:s8] =	ssyncset.s32 @!p0 $0xFFFFF086;
	s6 =	sadd.s32 @!p0 s3, s7;
	s7 =	simm.s32 @!p0 $0x108  }
0x21: {  	s3 =	sadd.s32 s3, s9;
	s6 =	sadd.s32 @!p0 $0x88, s6;
	s7 =	simm.s32 @p2 $0x1082  }
0x22: {  	[simem:s7], [sflag:s8] =	dma.local @!p0 [hbm:s6], $0xF7A  }
0x23: {  	s9 =	sor.u32 $0xD0000000, s2;
	s6 =	simm.s32 $0x108;
	_ =	swait.ge @!p0 [sflag:s8], $0x0  }
0x24: {  	s3 =	sadd.s32 $0x88, s3;
	s6 =	simm.s32 @!p1 $0x1082;
	[sflag:s4] =	ssyncset.s32 $0xFFFFF086  }
0x25: {  	[simem:s6], [sflag:s4] =	dma.local [hbm:s3], $0xF7A  }
0x26: {  	[smem:$0x3F94] =	sst s1;
	(tag) =	ssettag s2;
	_ =	strace s9  }
0x27: {  	s1 =	sld [smem:$0x3FA4]  }
0x28: {  	s2 =	sld [smem:$0x3FA5]  }
0x29: {  	s4 =	sld [smem:$0x3FA7]  }
0x2a: {  	p0 =	seq.s32 s5, $0x0;
	s5 =	sld [smem:$0x3FA8]  }
0x2b: {  	s6 =	sld [smem:$0x3FA9]  }
0x2c: {  	s7 =	sld [smem:$0x3FAA]  }
0x2d: {  	s3 =	simm.s32 $0x108;
	s8 =	sld [smem:$0x3FAB]  }
0x2e: {  	s3 =	simm.s32 @!p0 $0x1082;
	s9 =	sld [smem:$0x3FAC]  }
0x2f: {  	lr =	sadd.s32 s0, s3;
	s0 =	sld [smem:$0x3FA3]  }
0x30: {  	s3 =	sld [smem:$0x3FA6]  }
0x31: {  	[smem:$0x3FAF] =	sst s10  }
0x32: {  	s10 =	sld [smem:$0x3FAD];
	_ =	sdelay $0x3  }
0x33: {  	p0 =	seq.s32 s10, $0x1;
	s10 =	sld [smem:$0x3FAF];
	_ =	sdelay $0x3  }
0x34: {  	[smem:$0x3FAF] =	sst s10  }
0x35: {  	s10 =	sld [smem:$0x3FAE];
	_ =	sdelay $0x3  }
0x36: {  	p1 =	seq.s32 s10, $0x1;
	s10 =	sld [smem:$0x3FAF];
	_ =	sdelay $0x3  }
0x37: {  	[smem:$0x3FAF] =	sst s10  }
0x38: {  	s10 =	sld [smem:$0x3FB0]  }
0x39: {  	_ = 	snop;
	(pc) =	sbr.ind lr, $3  }
0x3a: {  	_ = 	snop  }
0x3b: {  	_ = 	snop  }
0x3c: {  	p2 =	seq.s32 s10, $0x1;
	s10 =	sld [smem:$0x3FAF]  }
0x3d: {  	_ =	shalt  }
0x3e: {  	_ =	shalt  }
0x3f: {  	_ =	shalt  }
0x40: {  	_ =	shalt  }
0x41: {  	_ =	shalt  }
0x42: {  	_ =	shalt  }
0x43: {  	_ =	shalt  }
0x44: {  	_ =	shalt  }
0x45: {  	_ =	shalt  }
0x46: {  	_ =	shalt  }
0x47: {  	_ =	shalt  }
0x48: {  	_ =	shalt  }
0x49: {  	_ =	shalt  }
0x4a: {  	_ =	shalt  }
0x4b: {  	_ =	shalt  }
0x4c: {  	_ =	shalt  }
0x4d: {  	_ =	shalt  }
0x4e: {  	_ =	shalt  }
0x4f: {  	_ =	shalt  }
0x50: {  	_ =	shalt  }
0x51: {  	_ =	shalt  }
0x52: {  	_ =	shalt  }
0x53: {  	_ =	shalt  }
0x54: {  	_ =	shalt  }
0x55: {  	_ =	shalt  }
0x56: {  	_ =	shalt  }
0x57: {  	_ =	shalt  }
0x58: {  	_ =	shalt  }
0x59: {  	_ =	shalt  }
0x5a: {  	_ =	shalt  }
0x5b: {  	_ =	shalt  }
0x5c: {  	_ =	shalt  }
0x5d: {  	_ =	shalt  }
0x5e: {  	_ =	shalt  }
0x5f: {  	_ =	shalt  }
0x60: {  	_ =	shalt  }
0x61: {  	_ =	shalt  }
0x62: {  	_ =	shalt  }
0x63: {  	_ =	shalt  }
0x64: {  	_ =	shalt  }
0x65: {  	_ =	shalt  }
0x66: {  	_ =	shalt  }
0x67: {  	_ =	shalt  }
0x68: {  	_ =	shalt  }
0x69: {  	_ =	shalt  }
0x6a: {  	_ =	shalt  }
0x6b: {  	_ =	shalt  }
0x6c: {  	_ =	shalt  }
0x6d: {  	_ =	shalt  }
0x6e: {  	_ =	shalt  }
0x6f: {  	_ =	shalt  }
0x70: {  	_ =	shalt  }
0x71: {  	_ =	shalt  }
0x72: {  	_ =	shalt  }
0x73: {  	_ =	shalt  }
0x74: {  	_ =	shalt  }
0x75: {  	_ =	shalt  }
0x76: {  	_ =	shalt  }
0x77: {  	_ =	shalt  }
0x78: {  	_ =	shalt  }
0x79: {  	_ =	shalt  }
0x7a: {  	_ =	shalt  }
0x7b: {  	_ =	shalt  }
0x7c: {  	_ =	shalt  }
0x7d: {  	_ =	shalt  }
0x7e: {  	_ =	shalt  }
0x7f: {  	_ =	shalt  }
0x80: {  	_ =	shalt  }
0x81: {  	_ =	shalt  }
0x82: {  	_ =	shalt  }
0x83: {  	_ =	shalt  }
0x84: {  	_ =	shalt  }
0x85: {  	_ =	shalt  }
0x86: {  	_ =	shalt  }
0x87: {  	_ =	shalt  }
.Lfunc_end0:
.L_simem_size_0:
called_computation_lowered:
.L_overlay_start_0:
0x88: {  	s2 =	sld [smem:$0x3FD9]  }
0x89: {  	s3 =	sld [smem:$0x3FFE];
	_ =	sdelay $0x1  }
0x8a: {  	s1 =	srdreg.scid  }
0x8b: {  	s0 =	sand.u32 $0x1, s1  }
0x8c: {  	s17 =	sshll.u32 s0, $0xA;
	s2 =	sadd.s32 s3, s2  }
0x8d: {  	s2 =	sadd.s32 s2, s17  }
0x8e: {  	[smem:$0x3FBB] =	sst s2  }
0x8f: {  	_ = 	snop  }
0x90: {  	s2 =	sld [smem:$0x3FC9]  }
0x91: {  	s18 =	sld [smem:$0x3FC7];
	(tm) =	ssettm $0x1  }
0x92: {  	s4 =	sld [smem:$0x3FFB];
	_ =	sdelay $0x3  }
0x93: {  	_ =	strace s4  }
0x94: {  	s4 =	sld [smem:$0x3FFC];
	_ =	sdelay $0x3  }
0x95: {  	_ =	strace s4  }
0x96: {  	s4 =	sld [smem:$0x3FFD];
	_ =	sdelay $0x3  }
0x97: {  	_ =	strace s4  }
0x98: {  	_ =	strace $0x8FFFFFFF  }
0x99: {  	s19 =	sld [smem:$0x3FDB];
	_ =	sdelay $0x1  }
0x9a: {  	s5 =	simm.s32 $_scs_section_size  }
0x9b: {  	s6 =	simm.s32 $_size__tile_overlayer_lowered;
	s7 =	simm.s32 $_tile_overlayer_lowered  }
0x9c: {  	s22 =	simm.s32 $0x1BFF;
	s21 =	sshll.u32 s7, $0x1;
	s4 =	sadd.s32 s5, s19  }
0x9d: {  	s8 =	simm.s32 $0x0;
	s20 =	sshll.u32 s6, $0x1;
	s6 =	sadd.s32 s21, s4  }
0x9e: {  	[timem:s8], [sflag:s22] =	dma.local [hbm:s6], s20  }
0x9f: {  	_ =	swait.ge [sflag:s22], s20  }
0xa0: {  	s5 =	ssub.s32 $0x0, s20;
	[sflag:s22] =	ssyncset.done $0x0  }
0xa1: {  	[sflag:s22] =	ssyncadd.s32 s5;
	_ =	sdelay $0x1  }
0xa2: {  	s23 =	simm.s32 $0x1B8B  }
0xa3: {  	_ =	swait.ge [sflag:s23], $0x1  }
0xa4: {  	[sflag:s23] =	ssyncset.done $0x0  }
0xa5: {  	s25 =	simm.s32 $0x1B8E;
	s24 =	sld [smem:$0x3FFE];
	[sflag:s23] =	ssyncadd.s32 $0xFFFFFFFF  }
0xa6: {  	s26 =	simm.s32 $execute0_lowered;
	[smem:$0x3FD2] =	sst s25  }
0xa7: {  	s6 =	sshll.u32 s26, $0x1;
	_ =	strace $0x80000046;
	[dreg:$0x1] =	wrdreg $0xFFFFFFFF  }
0xa8: {  	s28 =	simm.s32 $_size_execute0_lowered;
	s4 =	sadd.s32 s4, s6;
	[dreg:$0x0] =	wrdreg $0x0  }
0xa9: {  	s6 =	sshll.u32 s28, $0x1;
	[dreg:$0x2] =	wrdreg s4  }
0xaa: {  	[dreg:$0x3] =	wrdreg s6  }
0xab: {  	[dreg:$0x4] =	wrdreg $0xC0  }
0xac: {  	_ =	task [dreg:s8], $0x5FFFF  }
0xad: {  	[dreg:$0x1] =	wrdreg $0xFFFFFFFF  }
0xae: {  	[dreg:$0x0] =	wrdreg $0x60  }
0xaf: {  	[dreg:$0x2] =	wrdreg s2  }
0xb0: {  	[dreg:$0x3] =	wrdreg s18  }
0xb1: {  	[dreg:$0x4] =	wrdreg s24  }
0xb2: {  	[dreg:$0x5] =	wrdreg $0xE0000  }
0xb3: {  	[dreg:$0x6] =	wrdreg $0x9  }
0xb4: {  	_ =	task.clear_ibuf [dreg:s8], $0x7FFFF;
	_ =	strace $0x90000046  }
0xb5: {  	s29 =	simm.s32 $0x9;
	_ =	strace $0x80000048  }
0xb6: {  	_ =	swait.ge [sflag:s29], $0x1  }
0xb7: {  	[sflag:s29] =	ssyncadd.s32 $0xFFFFFFFF  }
0xb8: {  	_ =	strace $0x90000048  }
0xb9: {  	_ =	sfence  }
0xba: {  	s30 =	sld [smem:$0x0];
	_ =	sdelay $0x2  }
0xbb: {  	s31 =	sshll.u32 s1, $0xD;
	s1 =	sshrl.u32 s1, $0x2  }
0xbc: {  	s3 =	sand.u32 $0x4000, s31;
	s1 =	sadd.s32 s1, s30  }
0xbd: {  	s0 =	sor.u32 s3, s0;
	s1 =	sshll.u32 s1, $0x11  }
0xbe: {  	s0 =	sor.u32 s1, s0  }
0xbf: {  	s0 =	sadd.s32 $0x8F2B, s0  }
0xc0: {  	[sflag:s0] =	ssyncadd.remote.s32 $0x1  }
0xc1: {  	_ =	sfence.sel $0xFFFF  }
0xc2: {  	[dreg:$0x0] =	wrdreg $0xFFFFFFFF;
	(pc) =	sbr.abs _section_cstart, $3  }
0xc3: {  	[dreg:$0x1] =	wrdreg $0xFFFFFFFF  }
0xc4: {  	_ =	task.clear_ibuf [dreg:s8], $0x2FFFF;
	_ =	strace $0x9FFFFFFF  }
0xc5: {  	(tm) =	ssettm $0x7FFFFFFF  }
tec
execute0_lowered:
.L_overlay_start_1:
0x0: {  	(tag) =	ssettag $0x1  }
0x1: {  	s0 =	rddreg [dreg:$0x0]  }
0x2: {  	s1 =	rddreg [dreg:$0x2]  }
0x3: {  	s3 =	rddreg [dreg:$0x3]  }
0x4: {  	s2 =	srdreg.scid;
	s4 =	simm.s32 $0x0;
	s6 =	stileid.u32  }
0x5: {  	s13 =	simm.s32 $0x8000;
	s14 =	simm.s32 $0x9000;
	s15 =	simm.s32 $0x8200  }
0x6: {  	s16 =	simm.s32 $0x9200;
	s17 =	simm.s32 $0x8400;
	s18 =	simm.s32 $0x9400  }
0x7: {  	s19 =	simm.s32 $0x8600;
	s28 =	simm.s32 $0x9C00;
	s29 =	simm.s32 $0x8E00  }
0x8: {  	s30 =	simm.s32 $0x9E00;
	s31 =	simm.s32 $0x1;
	s2 =	sand.u32 $0x1, s2  }
0x9: {  	[smem:$0x7FF] =	sst s4;
	s20 =	sshll.u32 s6, $0xD;
	s22 =	sshll.u32 s6, $0xC  }
0xa: {  	s7 =	sshll.u32 s6, $0x10;
	s26 =	sshll.u32 s6, $0x6;
	s5 =	ssub.s32 $0x2, s2  }
0xb: {  	_ =	strace $0x80000047;
	s1 =	sadd.s32 s20, s1;
	s0 =	sadd.s32 s0, s22  }
0xc: {  	s23 =	sshll.u32 s2, $0x3;
	[dreg:$0x5] =	wrdreg s7;
	s24 =	sadd.s32 s7, s3  }
0xd: {  	s20 =	simm.s32 $0x9600;
	s22 =	simm.s32 $0x8800;
	[dreg:$0x6] =	wrdreg s0  }
0xe: {  	s21 =	sshrl.u32 s5, $0x1;
	[dreg:$0x7] =	wrdreg s23;
	s1 =	sadd.s32 $0x2800, s1  }
0xf: {  	s0 =	sshrl.u32 s24, $0x3;
	s23 =	simm.s32 $0x9800;
	s24 =	simm.s32 $0x8A00  }
0x10: {  	s4 =	ssub.s32 s5, s21;
	[dreg:$0x8] =	wrdreg s1;
	s1 =	sor.u32 $0x1C04, s26  }
0x11: {  	[dreg:$0xb] =	wrdreg s0;
	s21 =	simm.s32 $0x200;
	s26 =	simm.s32 $0x8C00  }
0x12: {  	s0 =	simm.s32 $0x2;
	s25 =	smax.u32 s4, $0x1;
	[dreg:$0xa] =	wrdreg s1  }
0x13: {  	v0 =	vimm.f32 $0.0e+00;
	s4 =	simm.s32 $0x0;
	[dreg:$0x9] =	wrdreg s25;
	s25 =	simm.s32 $0x9A00  }
.LBB2_1:
0x14: {  	[dreg:$0xc] =	wrdreg s4  }
0x15: {  	s1 =	simm.s32 $0x0;
	s2 =	rddreg [dreg:$0x6];
	s12 =	simm.s32 $0x4  }
0x16: {  	[tilespmem:s1], [sflag:$0x4] =	stream.linear.gather [hbm4b:s2+s1], $0x8000, $0x38;
	[tilespmem:$0x1E000] =	vst v63  }
0x17: {  	_ =	swait.ge [sflag:s12], $0x8000  }
0x18: {  	[sflag:s12] =	ssyncset.done $0x0  }
0x19: {  	s6 =	simm.s32 $0x0;
	[sflag:s12] =	ssyncadd.s32 $0xFFFF8000  }
.LBB2_2:
0x1a: {  	s1 =	rddreg [dreg:$0x7]  }
0x1b: {  	s1 =	sadd.s32 s1, s6  }
0x1c: {  	[dreg:$0xe] =	wrdreg s1  }
0x1d: {  	s2 =	rddreg [dreg:$0x5];
	v1 =	vmov s1;
	s1 =	sshll.u32 s1, $0x14;
	[bflag:$0x0] =	sbarrier.arrive $0xFFFF  }
0x1e: {  	vm0 =	veq.s32 v1, $0x0;
	s1 =	sor.u32 s2, s1;
	s9 =	rddreg [dreg:$0x1]  }
0x1f: {  	vm13 =	veq.s32 v1, $0x1;
	v2 =	vsel vm0, $0x41800000, v0;
	s1 =	sshrl.u32 s1, $0x3;
	s10 =	rddreg [dreg:$0xa]  }
0x20: {  	s11 =	simm.s32 $0x4;
	vm14 =	veq.s32 v1, $0x2;
	s4 =	rddreg [dreg:$0xb];
	v2 =	vsel vm13, $0x41B00000, v2;
	s1 =	sadd.s32 s9, s1  }
0x21: {  	vm15 =	veq.s32 v1, $0x3;
	v2 =	vsel vm14, $0x41F00000, v2;
	[spmem:s4], [sflag:s10] =	dma.local [hbm:s1], $0x2000  }
0x22: {  	vm4 =	veq.s32 v1, $0x4;
	v2 =	vsel vm15, $0x42280000, v2;
	_ =	swait.ge [sflag:s11], $0x2000  }
0x23: {  	vm5 =	veq.s32 v1, $0x5;
	v2 =	vsel vm4, $0x42680000, v2;
	[sflag:s11] =	ssyncset.done $0x0  }
0x24: {  	p0 =	seq.s32 s6, $0x0;
	vm6 =	veq.s32 v1, $0x6;
	[dreg:$0xd] =	wrdreg s6;
	v2 =	vsel vm5, $0x42A00000, v2;
	[sflag:s11] =	ssyncadd.s32 $0xFFFFE000  }
0x25: {  	vm7 =	veq.s32 v1, $0x7;
	s1 =	simm.s32 @!p0 $0x3;
	v2 =	vsel vm6, $0x42DE0000, v2;
	[bflag:$0x0] =	sbarrier.arrive $0xFFFF  }
0x26: {  	vm8 =	veq.s32 v1, $0x8;
	v2 =	vsel vm7, $0x43190000, v2;
	_ =	swait.ge @!p0 [sflag:s1], $0x4000  }
0x27: {  	vm9 =	veq.s32 v1, $0x9;
	v2 =	vsel vm8, $0x43540000, v2;
	[sflag:s1] =	ssyncset.done @!p0 $0x0  }
0x28: {  	s12 =	simm.s32 $0x0;
	vm10 =	veq.s32 v1, $0xA;
	v2 =	vsel vm9, $0x43930000, v2;
	[sflag:s1] =	ssyncadd.s32 @!p0 $0xFFFFC000  }
0x29: {  	vm11 =	veq.s32 v1, $0xB;
	v2 =	vsel vm10, $0x43CB0000, v2;
	v3 =	vld [tilespmem:s12+$0x80]  }
0x2a: {  	vm12 =	veq.s32 v1, $0xC;
	v4 =	vld [tilespmem:s12+$0x100];
	v2 =	vsel vm11, $0x440C4000, v2  }
0x2b: {  	vm13 =	veq.s32 v1, $0xD;
	v5 =	vld [tilespmem:s12+$0x0];
	v2 =	vsel vm12, $0x44420000, v2  }
0x2c: {  	vm14 =	veq.s32 v1, $0xE;
	v2 =	vsel vm13, $0x44860000, v2  }
0x2d: {  	vm15 =	veq.s32 v1, $0xF;
	v2 =	vsel vm14, $0x44B94000, v2  }
0x2e: {  	v1 =	vsel vm15, $0x45000000, v2  }
0x2f: {  	v2 =	vmul.f32 v3, v1;
	v3 =	vmul.f32 v4, v1  }
0x30: {  	v4 =	vmul.f32 v5, v1  }
0x31: {  	v2 =	vtrunc.f32 v2;
	v3 =	vtrunc.f32 v3  }
0x32: {  	v2 =	vcvt.f32.s32 v2;
	v3 =	vcvt.f32.s32 v3  }
0x33: {  	v4 =	vtrunc.f32 v4  }
0x34: {  	v4 =	vcvt.f32.s32 v4;
	v5 =	vmul.u32 $0x9E3779B1, v2;
	v7 =	vmul.u32 $0x30025795, v3;
	_ =	sdelay $0x1  }
0x35: {  	v6 =	vadd.s32 $0x1, v4;
	v2 =	vadd.s32 $0x9E3779B1, v5;
	v3 =	vadd.s32 $0x30025795, v7  }
0x36: {  	v8 =	vxor.u32 v5, v3;
	v10 =	vxor.u32 v7, v2;
	v3 =	vxor.u32 v2, v3  }
0x37: {  	v2 =	vxor.u32 v4, v8;
	v9 =	vxor.u32 v4, v3;
	v13 =	vxor.u32 v6, v3  }
0x38: {  	v11 =	vxor.u32 v6, v8;
	v8 =	vxor.u32 v6, v10;
	v12 =	vshll.u32 v13, $0x1  }
0x39: {  	s2 =	simm.s32 $0x8400;
	s4 =	simm.s32 $0x8400;
	s1 =	simm.s32 $0x40;
	v3 =	vshll.u32 v2, $0x1;
	v13 =	vand.u32 $0x7F, v13;
	v12 =	vand.u32 $0xFFF00, v12  }
.LBB2_3:
0x3a: {  	p0 =	sne.s32 s1, $0x1C0  }
0x3b: {  	v14 =	vshll.u32 v9, $0x1;
	v15 =	vshll.u32 v11, $0x1;
	v12 =	vor.u32 v13, v12;
	s4 =	sadd.s32 $0x80, s4;
	s5 =	smov.u32 s1;
	s1 =	sadd.s32 $0x40, s1  }
0x3c: {  	v11 =	vand.u32 $0x7F, v11;
	v13 =	vand.u32 $0xFFF00, v15;
	[tilespmem:s2+$0xFFFFFC70] =	vst v12;
	v12 =	vor.u32 $0x80, v12  }
0x3d: {  	v10 =	vxor.u32 v4, v10;
	v11 =	vor.u32 v11, v13;
	v13 =	vshll.u32 v8, $0x1;
	[tilespmem:s2+$0x70] =	vst v12  }
0x3e: {  	v9 =	vand.u32 $0x7F, v9;
	v12 =	vand.u32 $0xFFF00, v14;
	[tilespmem:s2+$0xFFFFFC50] =	vst v11;
	v11 =	vor.u32 $0x80, v11  }
0x3f: {  	v8 =	vand.u32 $0x7F, v8;
	v9 =	vor.u32 v9, v12;
	[tilespmem:s2+$0x50] =	vst v11;
	v11 =	vand.u32 $0xFFF00, v13  }
0x40: {  	v12 =	vshll.u32 v10, $0x1;
	[tilespmem:s2+$0xFFFFFC30] =	vst v9;
	v9 =	vor.u32 $0x80, v9;
	v8 =	vor.u32 v8, v11  }
0x41: {  	v10 =	vand.u32 $0x7F, v10;
	v11 =	vand.u32 $0xFFF00, v12;
	[tilespmem:s2+$0x30] =	vst v9;
	v9 =	vor.u32 $0x80, v8  }
0x42: {  	v5 =	vxor.u32 v5, v7;
	v7 =	vor.u32 v10, v11;
	[tilespmem:s2+$0x60] =	vst v9  }
0x43: {  	v4 =	vxor.u32 v4, v5;
	v5 =	vxor.u32 v6, v5;
	v6 =	vor.u32 $0x80, v7;
	[tilespmem:s2+$0xFFFFFC60] =	vst v8  }
0x44: {  	v8 =	vshll.u32 v4, $0x1;
	[tilespmem:s2+$0x20] =	vst v6;
	v6 =	vshll.u32 v5, $0x1;
	v5 =	vand.u32 $0x7F, v5  }
0x45: {  	v4 =	vand.u32 $0x7F, v4;
	v8 =	vand.u32 $0xFFF00, v8;
	[tilespmem:s2+$0xFFFFFC20] =	vst v7;
	v6 =	vand.u32 $0xFFF00, v6  }
0x46: {  	v4 =	vor.u32 v4, v8;
	v5 =	vor.u32 v5, v6  }
0x47: {  	[tilespmem:s2+$0xFFFFFC00] =	vst v4;
	v4 =	vor.u32 $0x80, v4;
	v6 =	vor.u32 $0x80, v5  }
0x48: {  	[tilespmem:s2+$0x0] =	vst v4  }
0x49: {  	v3 =	vand.u32 $0xFFF00, v3;
	v2 =	vand.u32 $0x7F, v2;
	[tilespmem:s2+$0x40] =	vst v6  }
0x4a: {  	v2 =	vor.u32 v2, v3;
	[tilespmem:s2+$0xFFFFFC40] =	vst v5  }
0x4b: {  	s5 =	sshra.s32 s5, $0x2;
	[tilespmem:s2+$0xFFFFFC10] =	vst v2;
	v2 =	vor.u32 $0x80, v2  }
0x4c: {  	[tilespmem:s2+$0x10] =	vst v2;
	s2 =	smov.u32 s4  }
0x4d: {  	v2 =	vld [tilespmem:s5+$0x80]  }
0x4e: {  	v3 =	vld [tilespmem:s5+$0x100];
	_ =	sdelay $0x1  }
0x4f: {  	v4 =	vld [tilespmem:s5+$0x0];
	_ =	sdelay $0x1  }
0x50: {  	v2 =	vmul.f32 v2, v1  }
0x51: {  	v3 =	vmul.f32 v3, v1  }
0x52: {  	v2 =	vtrunc.f32 v2  }
0x53: {  	v4 =	vmul.f32 v4, v1;
	v3 =	vtrunc.f32 v3  }
0x54: {  	v2 =	vcvt.f32.s32 v2;
	v3 =	vcvt.f32.s32 v3  }
0x55: {  	v4 =	vtrunc.f32 v4  }
0x56: {  	v5 =	vmul.u32 $0x9E3779B1, v2;
	v4 =	vcvt.f32.s32 v4;
	v7 =	vmul.u32 $0x30025795, v3;
	_ =	sdelay $0x1  }
.Ltmp0:
0x57: {  	v2 =	vadd.s32 $0x9E3779B1, v5;
	v3 =	vadd.s32 $0x30025795, v7;
	v6 =	vadd.s32 $0x1, v4;
	(pc) =	sbr.rel @p0 .LBB2_3-.Ltmp0, $4  }
0x58: {  	v10 =	vxor.u32 v7, v2;
	v8 =	vxor.u32 v5, v3;
	v3 =	vxor.u32 v2, v3  }
0x59: {  	v2 =	vxor.u32 v4, v8;
	v9 =	vxor.u32 v4, v3;
	v13 =	vxor.u32 v6, v3  }
0x5a: {  	v11 =	vxor.u32 v6, v8;
	v8 =	vxor.u32 v6, v10;
	v12 =	vshll.u32 v13, $0x1  }
0x5b: {  	v3 =	vshll.u32 v2, $0x1;
	v13 =	vand.u32 $0x7F, v13;
	v12 =	vand.u32 $0xFFF00, v12  }
0x5c: {  	v14 =	vshll.u32 v11, $0x1  }
0x5d: {  	v15 =	vshll.u32 v9, $0x1;
	v12 =	vor.u32 v13, v12;
	v50 =	vand.u32 $0x7F, v11  }
0x5e: {  	v3 =	vand.u32 $0xFFF00, v3;
	v2 =	vand.u32 $0x7F, v2;
	[tilespmem:s2+$0xFFFFFC70] =	vst v12;
	v12 =	vor.u32 $0x80, v12  }
0x5f: {  	v52 =	vand.u32 $0x7F, v9;
	v49 =	vand.u32 $0xFFF00, v14;
	v2 =	vor.u32 v2, v3;
	[tilespmem:s2+$0x70] =	vst v12  }
0x60: {  	v53 =	vshll.u32 v8, $0x1;
	v51 =	vand.u32 $0xFFF00, v15;
	v11 =	vor.u32 v50, v49;
	[tilespmem:s2+$0xFFFFFC10] =	vst v2  }
0x61: {  	v55 =	vand.u32 $0x7F, v8;
	v54 =	vand.u32 $0xFFF00, v53;
	v9 =	vor.u32 v52, v51;
	[tilespmem:s2+$0xFFFFFC50] =	vst v11  }
0x62: {  	v8 =	vor.u32 v55, v54;
	[tilespmem:s2+$0xFFFFFC30] =	vst v9  }
0x63: {  	v10 =	vxor.u32 v4, v10;
	v2 =	vor.u32 $0x80, v2;
	[tilespmem:s2+$0xFFFFFC60] =	vst v8  }
0x64: {  	v5 =	vxor.u32 v5, v7;
	v56 =	vshll.u32 v10, $0x1;
	v11 =	vor.u32 $0x80, v11;
	[tilespmem:s2+$0x10] =	vst v2  }
0x65: {  	v10 =	vand.u32 $0x7F, v10;
	v60 =	vxor.u32 v4, v5;
	v9 =	vor.u32 $0x80, v9;
	[tilespmem:s2+$0x50] =	vst v11  }
0x66: {  	v5 =	vxor.u32 v6, v5;
	v57 =	vand.u32 $0xFFF00, v56;
	v58 =	vor.u32 $0x80, v8;
	[tilespmem:s2+$0x30] =	vst v9  }
0x67: {  	v62 =	vshll.u32 v60, $0x1;
	v63 =	vshll.u32 v5, $0x1;
	v59 =	vor.u32 v10, v57;
	[tilespmem:s2+$0x60] =	vst v58  }
0x68: {  	v4 =	vand.u32 $0x7F, v60;
	v8 =	vand.u32 $0xFFF00, v62;
	v61 =	vor.u32 $0x80, v59;
	[tilespmem:s2+$0xFFFFFC20] =	vst v59  }
0x69: {  	v5 =	vand.u32 $0x7F, v5;
	v6 =	vand.u32 $0xFFF00, v63;
	v4 =	vor.u32 v4, v8;
	[tilespmem:s2+$0x20] =	vst v61  }
0x6a: {  	v5 =	vor.u32 v5, v6;
	[tilespmem:s2+$0xFFFFFC00] =	vst v4  }
0x6b: {  	v4 =	vor.u32 $0x80, v4;
	[tilespmem:s2+$0xFFFFFC40] =	vst v5  }
0x6c: {  	v6 =	vor.u32 $0x80, v5;
	[tilespmem:s2+$0x0] =	vst v4  }
0x6d: {  	[tilespmem:s2+$0x40] =	vst v6;
	s2 =	simm.s32 $0x200  }
0x6e: {  	[tilespmem:s14], [sflag:$0x1] =	stream.indirect.gather [spmem:s3], $0x1, s13, s2, $0xb8;
	[tilespmem:$0x1E000] =	vst v63  }
0x6f: {  	_ = 	snop  }
0x70: {  	[tilespmem:s16], [sflag:$0x1] =	stream.indirect.gather [spmem:s3], $0x1, s15, s2, $0xb8;
	[tilespmem:$0x1E000] =	vst v63  }
0x71: {  	s4 =	simm.s32 $0x0;
	s6 =	simm.s32 $0xA080;
	s7 =	simm.s32 $0x100  }
0x72: {  	[tilespmem:s18], [sflag:$0x1] =	stream.indirect.gather [spmem:s3], $0x1, s17, s2, $0xb8;
	[tilespmem:$0x1E000] =	vst v63  }
0x73: {  	s5 =	simm.s32 $0x400;
	s8 =	simm.s32 $0xA180;
	s11 =	simm.s32 $0x300  }
0x74: {  	[tilespmem:s20], [sflag:$0x1] =	stream.indirect.gather [spmem:s3], $0x1, s19, s2, $0xb8;
	[tilespmem:$0x1E000] =	vst v63  }
.LBB2_5:
0x75: {  	v2 =	vmov s2;
	_ =	sdelay $0x3  }
0x76: {  	s1 =	simm.s32 $0x0  }
0x77: {  	v3 =	vld.idx.msk [tilespmem:v2+s1+$0x80 ss:$0x1], $0xffff  }
0x78: {  	v4 =	vld.idx.msk [tilespmem:v2+s1+$0x100 ss:$0x1], $0xffff  }
0x79: {  	v5 =	vld.idx.msk [tilespmem:v2+s1+$0x0 ss:$0x1], $0xffff;
	_ =	sdelay $0x3  }
0x7a: {  	v3 =	vmul.f32 v3, v1;
	v4 =	vmul.f32 v4, v1  }
0x7b: {  	v5 =	vmul.f32 v5, v1  }
0x7c: {  	v3 =	vtrunc.f32 v3;
	v4 =	vtrunc.f32 v4  }
0x7d: {  	v3 =	vcvt.f32.s32 v3;
	v4 =	vcvt.f32.s32 v4  }
0x7e: {  	v5 =	vtrunc.f32 v5  }
0x7f: {  	v5 =	vcvt.f32.s32 v5;
	v6 =	vmul.u32 $0x9E3779B1, v3;
	v8 =	vmul.u32 $0x30025795, v4;
	_ =	sdelay $0x1  }
0x80: {  	v7 =	vadd.s32 $0x1, v5;
	v3 =	vadd.s32 $0x9E3779B1, v6;
	v4 =	vadd.s32 $0x30025795, v8  }
0x81: {  	v9 =	vxor.u32 v6, v4;
	v11 =	vxor.u32 v8, v3;
	v4 =	vxor.u32 v3, v4  }
0x82: {  	v3 =	vxor.u32 v5, v9;
	v10 =	vxor.u32 v5, v4;
	v14 =	vxor.u32 v7, v4  }
0x83: {  	v12 =	vxor.u32 v7, v9;
	v9 =	vxor.u32 v7, v11;
	v13 =	vshll.u32 v14, $0x1  }
0x84: {  	s12 =	simm.s32 $0x8C00;
	s10 =	simm.s32 $0x8C00;
	s1 =	simm.s32 $0x40;
	v4 =	vshll.u32 v3, $0x1;
	v14 =	vand.u32 $0x7F, v14;
	v13 =	vand.u32 $0xFFF00, v13  }
.LBB2_6:
0x85: {  	p0 =	sne.s32 s1, $0x1C0  }
0x86: {  	v15 =	vshll.u32 v10, $0x1;
	v16 =	vshll.u32 v12, $0x1;
	v13 =	vor.u32 v14, v13;
	s12 =	sadd.s32 $0x80, s12;
	s9 =	smov.u32 s1;
	s1 =	sadd.s32 $0x40, s1  }
0x87: {  	v12 =	vand.u32 $0x7F, v12;
	v14 =	vand.u32 $0xFFF00, v16;
	[tilespmem:s10+$0xFFFFFC70] =	vst v13;
	v13 =	vor.u32 $0x80, v13  }
0x88: {  	v11 =	vxor.u32 v5, v11;
	v12 =	vor.u32 v12, v14;
	v14 =	vshll.u32 v9, $0x1;
	[tilespmem:s10+$0x70] =	vst v13  }
0x89: {  	v10 =	vand.u32 $0x7F, v10;
	v13 =	vand.u32 $0xFFF00, v15;
	[tilespmem:s10+$0xFFFFFC50] =	vst v12;
	v12 =	vor.u32 $0x80, v12  }
0x8a: {  	v9 =	vand.u32 $0x7F, v9;
	v10 =	vor.u32 v10, v13;
	[tilespmem:s10+$0x50] =	vst v12;
	v12 =	vand.u32 $0xFFF00, v14  }
0x8b: {  	v13 =	vshll.u32 v11, $0x1;
	[tilespmem:s10+$0xFFFFFC30] =	vst v10;
	v10 =	vor.u32 $0x80, v10;
	v9 =	vor.u32 v9, v12  }
0x8c: {  	v11 =	vand.u32 $0x7F, v11;
	v12 =	vand.u32 $0xFFF00, v13;
	[tilespmem:s10+$0x30] =	vst v10;
	v10 =	vor.u32 $0x80, v9  }
0x8d: {  	v6 =	vxor.u32 v6, v8;
	v8 =	vor.u32 v11, v12;
	[tilespmem:s10+$0x60] =	vst v10  }
0x8e: {  	v5 =	vxor.u32 v5, v6;
	v6 =	vxor.u32 v7, v6;
	v7 =	vor.u32 $0x80, v8;
	[tilespmem:s10+$0xFFFFFC60] =	vst v9  }
0x8f: {  	v9 =	vshll.u32 v5, $0x1;
	[tilespmem:s10+$0x20] =	vst v7;
	v7 =	vshll.u32 v6, $0x1;
	v6 =	vand.u32 $0x7F, v6  }
0x90: {  	v5 =	vand.u32 $0x7F, v5;
	v9 =	vand.u32 $0xFFF00, v9;
	[tilespmem:s10+$0xFFFFFC20] =	vst v8;
	v7 =	vand.u32 $0xFFF00, v7  }
0x91: {  	v5 =	vor.u32 v5, v9;
	v6 =	vor.u32 v6, v7  }
0x92: {  	[tilespmem:s10+$0xFFFFFC00] =	vst v5;
	v5 =	vor.u32 $0x80, v5;
	v7 =	vor.u32 $0x80, v6  }
0x93: {  	[tilespmem:s10+$0x0] =	vst v5  }
0x94: {  	v4 =	vand.u32 $0xFFF00, v4;
	v3 =	vand.u32 $0x7F, v3;
	[tilespmem:s10+$0x40] =	vst v7  }
0x95: {  	v3 =	vor.u32 v3, v4;
	[tilespmem:s10+$0xFFFFFC40] =	vst v6  }
0x96: {  	s9 =	sshra.s32 s9, $0x2;
	[tilespmem:s10+$0xFFFFFC10] =	vst v3;
	v3 =	vor.u32 $0x80, v3  }
0x97: {  	[tilespmem:s10+$0x10] =	vst v3;
	s10 =	smov.u32 s12  }
0x98: {  	v3 =	vld.idx.msk [tilespmem:v2+s9+$0x80 ss:$0x1], $0xffff  }
0x99: {  	v4 =	vld.idx.msk [tilespmem:v2+s9+$0x100 ss:$0x1], $0xffff;
	_ =	sdelay $0x1  }
0x9a: {  	v5 =	vld.idx.msk [tilespmem:v2+s9+$0x0 ss:$0x1], $0xffff;
	_ =	sdelay $0x2  }
0x9b: {  	v3 =	vmul.f32 v3, v1  }
0x9c: {  	v4 =	vmul.f32 v4, v1  }
0x9d: {  	v3 =	vtrunc.f32 v3  }
0x9e: {  	v5 =	vmul.f32 v5, v1;
	v4 =	vtrunc.f32 v4  }
0x9f: {  	v3 =	vcvt.f32.s32 v3;
	v4 =	vcvt.f32.s32 v4  }
0xa0: {  	v5 =	vtrunc.f32 v5  }
0xa1: {  	v6 =	vmul.u32 $0x9E3779B1, v3;
	v5 =	vcvt.f32.s32 v5;
	v8 =	vmul.u32 $0x30025795, v4;
	_ =	sdelay $0x1  }
.Ltmp1:
0xa2: {  	v3 =	vadd.s32 $0x9E3779B1, v6;
	v4 =	vadd.s32 $0x30025795, v8;
	v7 =	vadd.s32 $0x1, v5;
	(pc) =	sbr.rel @p0 .LBB2_6-.Ltmp1, $4  }
0xa3: {  	v11 =	vxor.u32 v8, v3;
	v9 =	vxor.u32 v6, v4;
	v4 =	vxor.u32 v3, v4  }
0xa4: {  	v3 =	vxor.u32 v5, v9;
	v10 =	vxor.u32 v5, v4;
	v14 =	vxor.u32 v7, v4  }
0xa5: {  	v12 =	vxor.u32 v7, v9;
	v9 =	vxor.u32 v7, v11;
	v13 =	vshll.u32 v14, $0x1  }
0xa6: {  	v4 =	vshll.u32 v3, $0x1;
	v14 =	vand.u32 $0x7F, v14;
	v13 =	vand.u32 $0xFFF00, v13  }
0xa7: {  	v2 =	vshll.u32 v12, $0x1;
	v15 =	vshll.u32 v10, $0x1;
	v13 =	vor.u32 v14, v13  }
0xa8: {  	v36 =	vand.u32 $0x7F, v12;
	v2 =	vand.u32 $0xFFF00, v2;
	[tilespmem:s10+$0xFFFFFC70] =	vst v13;
	v13 =	vor.u32 $0x80, v13  }
0xa9: {  	v38 =	vand.u32 $0x7F, v10;
	v37 =	vand.u32 $0xFFF00, v15;
	v2 =	vor.u32 v36, v2;
	[tilespmem:s10+$0x70] =	vst v13  }
0xaa: {  	v11 =	vxor.u32 v5, v11;
	v39 =	vshll.u32 v9, $0x1;
	v10 =	vor.u32 v38, v37;
	[tilespmem:s10+$0xFFFFFC50] =	vst v2  }
0xab: {  	v40 =	vand.u32 $0x7F, v9;
	v41 =	vshll.u32 v11, $0x1;
	v2 =	vor.u32 $0x80, v2;
	[tilespmem:s10+$0xFFFFFC30] =	vst v10  }
0xac: {  	v11 =	vand.u32 $0x7F, v11;
	v42 =	vand.u32 $0xFFF00, v41;
	v10 =	vor.u32 $0x80, v10;
	[tilespmem:s10+$0x50] =	vst v2  }
0xad: {  	v6 =	vxor.u32 v6, v8;
	v44 =	vor.u32 v11, v42;
	v2 =	vand.u32 $0xFFF00, v39;
	[tilespmem:s10+$0x30] =	vst v10  }
0xae: {  	v5 =	vxor.u32 v5, v6;
	v6 =	vxor.u32 v7, v6;
	[tilespmem:s10+$0xFFFFFC20] =	vst v44;
	v2 =	vor.u32 v40, v2  }
0xaf: {  	v7 =	vor.u32 $0x80, v44;
	v43 =	vor.u32 $0x80, v2;
	[tilespmem:s10+$0xFFFFFC60] =	vst v2;
	v2 =	vshll.u32 v5, $0x1  }
0xb0: {  	[tilespmem:s10+$0x20] =	vst v7;
	v7 =	vshll.u32 v6, $0x1;
	v5 =	vand.u32 $0x7F, v5;
	v2 =	vand.u32 $0xFFF00, v2  }
0xb1: {  	v6 =	vand.u32 $0x7F, v6;
	v7 =	vand.u32 $0xFFF00, v7;
	[tilespmem:s10+$0x60] =	vst v43;
	v2 =	vor.u32 v5, v2  }
0xb2: {  	v5 =	vor.u32 v6, v7;
	[tilespmem:s10+$0xFFFFFC00] =	vst v2  }
0xb3: {  	v2 =	vor.u32 $0x80, v2;
	[tilespmem:s10+$0xFFFFFC40] =	vst v5  }
0xb4: {  	v3 =	vand.u32 $0x7F, v3;
	v6 =	vor.u32 $0x80, v5;
	[tilespmem:s10+$0x0] =	vst v2;
	v2 =	vand.u32 $0xFFF00, v4  }
0xb5: {  	[tilespmem:s10+$0x40] =	vst v6;
	v2 =	vor.u32 v3, v2  }
0xb6: {  	[tilespmem:s10+$0xFFFFFC10] =	vst v2;
	v2 =	vor.u32 $0x80, v2  }
0xb7: {  	[tilespmem:s10+$0x10] =	vst v2  }
0xb8: {  	[tilespmem:s23], [sflag:$0x2] =	stream.indirect.gather [spmem:s3], $0x1, s22, s21, $0xb8;
	[tilespmem:$0x1E000] =	vst v63  }
0xb9: {  	_ = 	snop  }
0xba: {  	[tilespmem:s25], [sflag:$0x2] =	stream.indirect.gather [spmem:s3], $0x1, s24, s21, $0xb8;
	[tilespmem:$0x1E000] =	vst v63  }
0xbb: {  	_ = 	snop  }
0xbc: {  	[tilespmem:s28], [sflag:$0x2] =	stream.indirect.gather [spmem:s3], $0x1, s26, s21, $0xb8;
	[tilespmem:$0x1E000] =	vst v63  }
0xbd: {  	v2 =	vmov s7  }
0xbe: {  	[tilespmem:s30], [sflag:$0x2] =	stream.indirect.gather [spmem:s3], $0x1, s29, s21, $0xb8;
	[tilespmem:$0x1E000] =	vst v63  }
0xbf: {  	_ =	swait.ge [sflag:s31], $0x800  }
0xc0: {  	[sflag:s31] =	ssyncset.done $0x0  }
0xc1: {  	s12 =	simm.s32 $0x0;
	[sflag:s31] =	ssyncadd.s32 $0xFFFFF800  }
0xc2: {  	v3 =	vld.idx.msk [tilespmem:v2+s12+$0xFFFFFF00 ss:$0x1], $0xffff  }
0xc3: {  	v4 =	vld.idx.msk [tilespmem:v2+s12+$0xFFFFFF80 ss:$0x1], $0xffff  }
0xc4: {  	v5 =	vld.idx.msk [tilespmem:v2+s12+$0x0 ss:$0x1], $0xffff;
	_ =	sdelay $0x3  }
0xc5: {  	v3 =	vmul.f32 v3, v1  }
0xc6: {  	v4 =	vmul.f32 v4, v1;
	v5 =	vmul.f32 v5, v1  }
0xc7: {  	v6 =	vtrunc.f32 v3  }
0xc8: {  	v7 =	vtrunc.f32 v4;
	v45 =	vtrunc.f32 v5  }
0xc9: {  	v6 =	vcvt.f32.s32 v6;
	v7 =	vcvt.f32.s32 v7  }
0xca: {  	v8 =	vcvt.f32.s32 v45  }
0xcb: {  	v6 =	vcvt.s32.f32 v6;
	v7 =	vcvt.s32.f32 v7  }
0xcc: {  	v8 =	vcvt.s32.f32 v8  }
0xcd: {  	v3 =	vsub.f32 v3, v6;
	v4 =	vsub.f32 v4, v7  }
0xce: {  	s10 =	simm.s32 $0x9400;
	v5 =	vsub.f32 v5, v8  }
0xcf: {  	v46 =	vld [tilespmem:s10+$0xFFFFFC00];
	v6 =	vsub.f32 $1.000000000e+00, v3;
	v7 =	vsub.f32 $1.000000000e+00, v4  }
0xd0: {  	v47 =	vld [tilespmem:s10+$0x0]  }
0xd1: {  	v50 =	vld [tilespmem:s10+$0xFFFFFC10];
	v48 =	vsub.f32 $1.000000000e+00, v5;
	v49 =	vmul.f32 v7, v6  }
0xd2: {  	v52 =	vld [tilespmem:s10+$0x10];
	v51 =	vmul.f32 v4, v3  }
0xd3: {  	v53 =	vld [tilespmem:s10+$0xFFFFFC20];
	v4 =	vmul.f32 v4, v6;
	v6 =	vmul.f32 v48, v49  }
0xd4: {  	v54 =	vld [tilespmem:s10+$0x20];
	v3 =	vmul.f32 v7, v3;
	v7 =	vmul.f32 v49, v5  }
0xd5: {  	v55 =	vld [tilespmem:s10+$0xFFFFFC30];
	v8 =	vmul.f32 v6, v46;
	v6 =	vmul.f32 v6, v47  }
0xd6: {  	v17 =	vld [tilespmem:s10+$0x30];
	v16 =	vmul.f32 v48, v4  }
0xd7: {  	v56 =	vld [tilespmem:s10+$0xFFFFFC40];
	v12 =	vmul.f32 v7, v50;
	v7 =	vmul.f32 v7, v52;
	v6 =	vadd.f32 $0.0e+00, v6  }
0xd8: {  	v18 =	vld [tilespmem:s10+$0x40];
	v8 =	vadd.f32 $0.0e+00, v8  }
0xd9: {  	v57 =	vld [tilespmem:s10+$0xFFFFFC50];
	v4 =	vmul.f32 v5, v4;
	v6 =	vadd.f32 v6, v7;
	v7 =	vmul.f32 v54, v16  }
0xda: {  	v59 =	vld [tilespmem:s10+$0x50];
	v58 =	vmul.f32 v48, v3;
	v15 =	vmul.f32 v16, v53;
	v8 =	vadd.f32 v8, v12  }
0xdb: {  	v9 =	vmul.f32 v55, v4;
	v4 =	vmul.f32 v17, v4;
	v6 =	vadd.f32 v6, v7  }
0xdc: {  	v60 =	vld [tilespmem:s10+$0x60];
	v8 =	vadd.f32 v8, v15  }
0xdd: {  	v3 =	vmul.f32 v3, v5;
	v7 =	vld [tilespmem:s10+$0xFFFFFC60];
	v4 =	vadd.f32 v6, v4;
	v6 =	vmul.f32 v18, v58  }
0xde: {  	v61 =	vld [tilespmem:s10+$0xFFFFFC70];
	v10 =	vmul.f32 v48, v51;
	v14 =	vmul.f32 v56, v58;
	v8 =	vadd.f32 v8, v9  }
0xdf: {  	v62 =	vld [tilespmem:s10+$0x70];
	v11 =	vmul.f32 v57, v3;
	v3 =	vmul.f32 v59, v3;
	v4 =	vadd.f32 v6, v4  }
0xe0: {  	v8 =	vadd.f32 v8, v14  }
0xe1: {  	v3 =	vadd.f32 v3, v4;
	v4 =	vmul.f32 v60, v10  }
0xe2: {  	v5 =	vmul.f32 v5, v51;
	v6 =	vmul.f32 v7, v10;
	v7 =	vadd.f32 v11, v8  }
0xe3: {  	v4 =	vadd.f32 v4, v3;
	v3 =	vmov s6  }
0xe4: {  	v63 =	vmul.f32 v61, v5;
	v6 =	vadd.f32 v6, v7;
	v7 =	vmul.f32 v62, v5;
	_ =	sdelay $0x1  }
0xe5: {  	s1 =	simm.s32 $0x40;
	v5 =	vadd.f32 v63, v6;
	v4 =	vadd.f32 v7, v4  }
.LBB2_8:
0xe6: {  	p0 =	sne.s32 s1, $0x1C0  }
0xe7: {  	s10 =	sadd.s32 $0x80, s10;
	s9 =	smov.u32 s1;
	s1 =	sadd.s32 $0x40, s1;
	[tilespmem:v3+s12+$0xFFFFFF80 ss:$0x1] =	vst.idx.msk $0xffff, v5  }
0xe8: {  	[tilespmem:v3+s12+$0x0 ss:$0x1] =	vst.idx.msk $0xffff, v4;
	s12 =	sshra.s32 s9, $0x2  }
0xe9: {  	v4 =	vld.idx.msk [tilespmem:v2+s12+$0xFFFFFF00 ss:$0x1], $0xffff  }
0xea: {  	v5 =	vld.idx.msk [tilespmem:v2+s12+$0xFFFFFF80 ss:$0x1], $0xffff  }
0xeb: {  	v6 =	vld.idx.msk [tilespmem:v2+s12+$0x0 ss:$0x1], $0xffff;
	_ =	sdelay $0x3  }
0xec: {  	v4 =	vmul.f32 v4, v1  }
0xed: {  	v5 =	vmul.f32 v5, v1  }
0xee: {  	v6 =	vmul.f32 v6, v1;
	v7 =	vtrunc.f32 v4  }
0xef: {  	v7 =	vcvt.f32.s32 v7;
	v8 =	vtrunc.f32 v5  }
0xf0: {  	v8 =	vcvt.f32.s32 v8;
	v9 =	vtrunc.f32 v6  }
0xf1: {  	v9 =	vcvt.f32.s32 v9;
	v7 =	vcvt.s32.f32 v7  }
0xf2: {  	v8 =	vcvt.s32.f32 v8  }
0xf3: {  	v4 =	vsub.f32 v4, v7;
	v7 =	vcvt.s32.f32 v9  }
0xf4: {  	v5 =	vsub.f32 v5, v8  }
0xf5: {  	v6 =	vsub.f32 v6, v7;
	v7 =	vsub.f32 $1.000000000e+00, v4  }
0xf6: {  	v8 =	vsub.f32 $1.000000000e+00, v5;
	v9 =	vmul.f32 v5, v4;
	v10 =	vld [tilespmem:s10+$0xFFFFFC00]  }
0xf7: {  	v11 =	vsub.f32 $1.000000000e+00, v6;
	v5 =	vmul.f32 v5, v7;
	v12 =	vld [tilespmem:s10+$0x0]  }
0xf8: {  	v7 =	vmul.f32 v8, v7;
	v4 =	vmul.f32 v8, v4;
	v8 =	vld [tilespmem:s10+$0xFFFFFC10]  }
0xf9: {  	v14 =	vmul.f32 v11, v5;
	v5 =	vmul.f32 v6, v5;
	v13 =	vld [tilespmem:s10+$0x10]  }
0xfa: {  	v15 =	vmul.f32 v11, v7;
	v7 =	vmul.f32 v7, v6;
	v16 =	vld [tilespmem:s10+$0xFFFFFC20]  }
0xfb: {  	v18 =	vmul.f32 v11, v4;
	v4 =	vmul.f32 v4, v6;
	v17 =	vld [tilespmem:s10+$0x20]  }
0xfc: {  	v10 =	vmul.f32 v15, v10;
	v12 =	vmul.f32 v15, v12;
	v15 =	vld [tilespmem:s10+$0xFFFFFC30]  }
0xfd: {  	v11 =	vmul.f32 v11, v9;
	v8 =	vmul.f32 v7, v8;
	v19 =	vld [tilespmem:s10+$0x30]  }
0xfe: {  	v10 =	vadd.f32 $0.0e+00, v10;
	v12 =	vadd.f32 $0.0e+00, v12;
	v7 =	vmul.f32 v7, v13;
	v13 =	vld [tilespmem:s10+$0xFFFFFC40]  }
0xff: {  	v6 =	vmul.f32 v6, v9;
	v16 =	vmul.f32 v14, v16;
	v20 =	vld [tilespmem:s10+$0x40]  }
0x100: {  	v8 =	vadd.f32 v10, v8;
	v7 =	vadd.f32 v12, v7;
	v9 =	vmul.f32 v17, v14;
	v10 =	vld [tilespmem:s10+$0xFFFFFC50]  }
0x101: {  	v12 =	vmul.f32 v15, v5;
	v14 =	vld [tilespmem:s10+$0x50]  }
0x102: {  	v8 =	vadd.f32 v8, v16;
	v7 =	vadd.f32 v7, v9;
	v5 =	vmul.f32 v19, v5;
	v9 =	vld [tilespmem:s10+$0xFFFFFC60]  }
0x103: {  	v13 =	vmul.f32 v13, v18;
	v15 =	vld [tilespmem:s10+$0x60]  }
0x104: {  	v8 =	vadd.f32 v8, v12;
	v5 =	vadd.f32 v7, v5;
	v7 =	vmul.f32 v20, v18;
	v12 =	vld [tilespmem:s10+$0xFFFFFC70]  }
0x105: {  	v10 =	vmul.f32 v10, v4;
	v16 =	vld [tilespmem:s10+$0x70]  }
0x106: {  	v8 =	vadd.f32 v8, v13;
	v5 =	vadd.f32 v7, v5;
	v4 =	vmul.f32 v14, v4  }
0x107: {  	v7 =	vmul.f32 v9, v11  }
.Ltmp2:
0x108: {  	v8 =	vadd.f32 v10, v8;
	v4 =	vadd.f32 v4, v5;
	v5 =	vmul.f32 v15, v11;
	(pc) =	sbr.rel @p0 .LBB2_8-.Ltmp2, $3  }
0x109: {  	v9 =	vmul.f32 v12, v6  }
0x10a: {  	v7 =	vadd.f32 v7, v8;
	v4 =	vadd.f32 v5, v4;
	v6 =	vmul.f32 v16, v6;
	_ =	sdelay $0x1  }
0x10b: {  	v5 =	vadd.f32 v9, v7;
	v4 =	vadd.f32 v6, v4  }
0x10c: {  	_ = 	snop  }
0x10d: {  	v2 =	vmov s5;
	_ =	sdelay $0x2  }
0x10e: {  	[tilespmem:v3+s12+$0xFFFFFF80 ss:$0x1] =	vst.idx.msk $0xffff, v5  }
0x10f: {  	s1 =	simm.s32 $0x0;
	[tilespmem:v3+s12+$0x0 ss:$0x1] =	vst.idx.msk $0xffff, v4  }
0x110: {  	v3 =	vld.idx.msk [tilespmem:v2+s1+$0x80 ss:$0x1], $0xffff  }
0x111: {  	v4 =	vld.idx.msk [tilespmem:v2+s1+$0x100 ss:$0x1], $0xffff  }
0x112: {  	v5 =	vld.idx.msk [tilespmem:v2+s1+$0x0 ss:$0x1], $0xffff;
	_ =	sdelay $0x3  }
0x113: {  	v3 =	vmul.f32 v3, v1;
	v4 =	vmul.f32 v4, v1  }
0x114: {  	v5 =	vmul.f32 v5, v1  }
0x115: {  	v3 =	vtrunc.f32 v3;
	v4 =	vtrunc.f32 v4  }
0x116: {  	v3 =	vcvt.f32.s32 v3;
	v4 =	vcvt.f32.s32 v4  }
0x117: {  	v5 =	vtrunc.f32 v5  }
0x118: {  	v5 =	vcvt.f32.s32 v5;
	v6 =	vmul.u32 $0x9E3779B1, v3;
	v8 =	vmul.u32 $0x30025795, v4;
	_ =	sdelay $0x1  }
0x119: {  	v7 =	vadd.s32 $0x1, v5;
	v3 =	vadd.s32 $0x9E3779B1, v6;
	v4 =	vadd.s32 $0x30025795, v8  }
0x11a: {  	v9 =	vxor.u32 v6, v4;
	v11 =	vxor.u32 v8, v3;
	v4 =	vxor.u32 v3, v4  }
0x11b: {  	v3 =	vxor.u32 v5, v9;
	v10 =	vxor.u32 v5, v4;
	v14 =	vxor.u32 v7, v4  }
0x11c: {  	v12 =	vxor.u32 v7, v9;
	v9 =	vxor.u32 v7, v11;
	v13 =	vshll.u32 v14, $0x1  }
0x11d: {  	s10 =	simm.s32 $0x8400;
	s12 =	simm.s32 $0x8400;
	s1 =	simm.s32 $0x40;
	v4 =	vshll.u32 v3, $0x1;
	v14 =	vand.u32 $0x7F, v14;
	v13 =	vand.u32 $0xFFF00, v13  }
.LBB2_10:
0x11e: {  	p0 =	sne.s32 s1, $0x1C0  }
0x11f: {  	v15 =	vshll.u32 v10, $0x1;
	v16 =	vshll.u32 v12, $0x1;
	v13 =	vor.u32 v14, v13;
	s12 =	sadd.s32 $0x80, s12;
	s9 =	smov.u32 s1;
	s1 =	sadd.s32 $0x40, s1  }
0x120: {  	v12 =	vand.u32 $0x7F, v12;
	v14 =	vand.u32 $0xFFF00, v16;
	[tilespmem:s10+$0xFFFFFC70] =	vst v13;
	v13 =	vor.u32 $0x80, v13  }
0x121: {  	v11 =	vxor.u32 v5, v11;
	v12 =	vor.u32 v12, v14;
	v14 =	vshll.u32 v9, $0x1;
	[tilespmem:s10+$0x70] =	vst v13  }
0x122: {  	v10 =	vand.u32 $0x7F, v10;
	v13 =	vand.u32 $0xFFF00, v15;
	[tilespmem:s10+$0xFFFFFC50] =	vst v12;
	v12 =	vor.u32 $0x80, v12  }
0x123: {  	v9 =	vand.u32 $0x7F, v9;
	v10 =	vor.u32 v10, v13;
	[tilespmem:s10+$0x50] =	vst v12;
	v12 =	vand.u32 $0xFFF00, v14  }
0x124: {  	v13 =	vshll.u32 v11, $0x1;
	[tilespmem:s10+$0xFFFFFC30] =	vst v10;
	v10 =	vor.u32 $0x80, v10;
	v9 =	vor.u32 v9, v12  }
0x125: {  	v11 =	vand.u32 $0x7F, v11;
	v12 =	vand.u32 $0xFFF00, v13;
	[tilespmem:s10+$0x30] =	vst v10;
	v10 =	vor.u32 $0x80, v9  }
0x126: {  	v6 =	vxor.u32 v6, v8;
	v8 =	vor.u32 v11, v12;
	[tilespmem:s10+$0x60] =	vst v10  }
0x127: {  	v5 =	vxor.u32 v5, v6;
	v6 =	vxor.u32 v7, v6;
	v7 =	vor.u32 $0x80, v8;
	[tilespmem:s10+$0xFFFFFC60] =	vst v9  }
0x128: {  	v9 =	vshll.u32 v5, $0x1;
	[tilespmem:s10+$0x20] =	vst v7;
	v7 =	vshll.u32 v6, $0x1;
	v6 =	vand.u32 $0x7F, v6  }
0x129: {  	v5 =	vand.u32 $0x7F, v5;
	v9 =	vand.u32 $0xFFF00, v9;
	[tilespmem:s10+$0xFFFFFC20] =	vst v8;
	v7 =	vand.u32 $0xFFF00, v7  }
0x12a: {  	v5 =	vor.u32 v5, v9;
	v6 =	vor.u32 v6, v7  }
0x12b: {  	[tilespmem:s10+$0xFFFFFC00] =	vst v5;
	v5 =	vor.u32 $0x80, v5;
	v7 =	vor.u32 $0x80, v6  }
0x12c: {  	[tilespmem:s10+$0x0] =	vst v5  }
0x12d: {  	v4 =	vand.u32 $0xFFF00, v4;
	v3 =	vand.u32 $0x7F, v3;
	[tilespmem:s10+$0x40] =	vst v7  }
0x12e: {  	v3 =	vor.u32 v3, v4;
	[tilespmem:s10+$0xFFFFFC40] =	vst v6  }
0x12f: {  	s9 =	sshra.s32 s9, $0x2;
	[tilespmem:s10+$0xFFFFFC10] =	vst v3;
	v3 =	vor.u32 $0x80, v3  }
0x130: {  	[tilespmem:s10+$0x10] =	vst v3;
	s10 =	smov.u32 s12  }
0x131: {  	v3 =	vld.idx.msk [tilespmem:v2+s9+$0x80 ss:$0x1], $0xffff  }
0x132: {  	v4 =	vld.idx.msk [tilespmem:v2+s9+$0x100 ss:$0x1], $0xffff;
	_ =	sdelay $0x1  }
0x133: {  	v5 =	vld.idx.msk [tilespmem:v2+s9+$0x0 ss:$0x1], $0xffff;
	_ =	sdelay $0x2  }
0x134: {  	v3 =	vmul.f32 v3, v1  }
0x135: {  	v4 =	vmul.f32 v4, v1  }
0x136: {  	v3 =	vtrunc.f32 v3  }
0x137: {  	v5 =	vmul.f32 v5, v1;
	v4 =	vtrunc.f32 v4  }
0x138: {  	v3 =	vcvt.f32.s32 v3;
	v4 =	vcvt.f32.s32 v4  }
0x139: {  	v5 =	vtrunc.f32 v5  }
0x13a: {  	v6 =	vmul.u32 $0x9E3779B1, v3;
	v5 =	vcvt.f32.s32 v5;
	v8 =	vmul.u32 $0x30025795, v4;
	_ =	sdelay $0x1  }
.Ltmp3:
0x13b: {  	v3 =	vadd.s32 $0x9E3779B1, v6;
	v4 =	vadd.s32 $0x30025795, v8;
	v7 =	vadd.s32 $0x1, v5;
	(pc) =	sbr.rel @p0 .LBB2_10-.Ltmp3, $4  }
0x13c: {  	v11 =	vxor.u32 v8, v3;
	v9 =	vxor.u32 v6, v4;
	v4 =	vxor.u32 v3, v4  }
0x13d: {  	v3 =	vxor.u32 v5, v9;
	v10 =	vxor.u32 v5, v4;
	v14 =	vxor.u32 v7, v4  }
0x13e: {  	v12 =	vxor.u32 v7, v9;
	v9 =	vxor.u32 v7, v11;
	v13 =	vshll.u32 v14, $0x1  }
0x13f: {  	v4 =	vshll.u32 v3, $0x1;
	v14 =	vand.u32 $0x7F, v14;
	v13 =	vand.u32 $0xFFF00, v13  }
0x140: {  	v2 =	vshll.u32 v12, $0x1;
	v15 =	vshll.u32 v10, $0x1;
	v13 =	vor.u32 v14, v13  }
0x141: {  	v36 =	vand.u32 $0x7F, v12;
	v2 =	vand.u32 $0xFFF00, v2;
	[tilespmem:s10+$0xFFFFFC70] =	vst v13;
	v13 =	vor.u32 $0x80, v13  }
0x142: {  	v38 =	vand.u32 $0x7F, v10;
	v37 =	vand.u32 $0xFFF00, v15;
	v2 =	vor.u32 v36, v2;
	[tilespmem:s10+$0x70] =	vst v13  }
0x143: {  	v11 =	vxor.u32 v5, v11;
	v39 =	vshll.u32 v9, $0x1;
	v10 =	vor.u32 v38, v37;
	[tilespmem:s10+$0xFFFFFC50] =	vst v2  }
0x144: {  	v40 =	vand.u32 $0x7F, v9;
	v41 =	vshll.u32 v11, $0x1;
	v2 =	vor.u32 $0x80, v2;
	[tilespmem:s10+$0xFFFFFC30] =	vst v10  }
0x145: {  	v11 =	vand.u32 $0x7F, v11;
	v42 =	vand.u32 $0xFFF00, v41;
	v10 =	vor.u32 $0x80, v10;
	[tilespmem:s10+$0x50] =	vst v2  }
0x146: {  	v6 =	vxor.u32 v6, v8;
	v44 =	vor.u32 v11, v42;
	v2 =	vand.u32 $0xFFF00, v39;
	[tilespmem:s10+$0x30] =	vst v10  }
0x147: {  	v5 =	vxor.u32 v5, v6;
	v6 =	vxor.u32 v7, v6;
	[tilespmem:s10+$0xFFFFFC20] =	vst v44;
	v2 =	vor.u32 v40, v2  }
0x148: {  	v7 =	vor.u32 $0x80, v44;
	v43 =	vor.u32 $0x80, v2;
	[tilespmem:s10+$0xFFFFFC60] =	vst v2;
	v2 =	vshll.u32 v5, $0x1  }
0x149: {  	[tilespmem:s10+$0x20] =	vst v7;
	v7 =	vshll.u32 v6, $0x1;
	v5 =	vand.u32 $0x7F, v5;
	v2 =	vand.u32 $0xFFF00, v2  }
0x14a: {  	v6 =	vand.u32 $0x7F, v6;
	v7 =	vand.u32 $0xFFF00, v7;
	[tilespmem:s10+$0x60] =	vst v43;
	v2 =	vor.u32 v5, v2  }
0x14b: {  	v5 =	vor.u32 v6, v7;
	[tilespmem:s10+$0xFFFFFC00] =	vst v2  }
0x14c: {  	v2 =	vor.u32 $0x80, v2;
	[tilespmem:s10+$0xFFFFFC40] =	vst v5  }
0x14d: {  	v3 =	vand.u32 $0x7F, v3;
	v6 =	vor.u32 $0x80, v5;
	[tilespmem:s10+$0x0] =	vst v2;
	v2 =	vand.u32 $0xFFF00, v4  }
0x14e: {  	[tilespmem:s10+$0x40] =	vst v6;
	v2 =	vor.u32 v3, v2  }
0x14f: {  	[tilespmem:s10+$0xFFFFFC10] =	vst v2;
	v2 =	vor.u32 $0x80, v2  }
0x150: {  	[tilespmem:s10+$0x10] =	vst v2  }
0x151: {  	[tilespmem:s14], [sflag:$0x1] =	stream.indirect.gather [spmem:s3], $0x1, s13, s21, $0xb8;
	[tilespmem:$0x1E000] =	vst v63  }
0x152: {  	_ = 	snop  }
0x153: {  	[tilespmem:s16], [sflag:$0x1] =	stream.indirect.gather [spmem:s3], $0x1, s15, s21, $0xb8;
	[tilespmem:$0x1E000] =	vst v63  }
0x154: {  	_ = 	snop  }
0x155: {  	[tilespmem:s18], [sflag:$0x1] =	stream.indirect.gather [spmem:s3], $0x1, s17, s21, $0xb8;
	[tilespmem:$0x1E000] =	vst v63  }
0x156: {  	v2 =	vmov s11  }
0x157: {  	[tilespmem:s20], [sflag:$0x1] =	stream.indirect.gather [spmem:s3], $0x1, s19, s21, $0xb8;
	[tilespmem:$0x1E000] =	vst v63  }
0x158: {  	_ =	swait.ge [sflag:s0], $0x800  }
0x159: {  	[sflag:s0] =	ssyncset.done $0x0  }
0x15a: {  	s12 =	simm.s32 $0x0;
	[sflag:s0] =	ssyncadd.s32 $0xFFFFF800  }
0x15b: {  	v3 =	vld.idx.msk [tilespmem:v2+s12+$0xFFFFFF00 ss:$0x1], $0xffff  }
0x15c: {  	v4 =	vld.idx.msk [tilespmem:v2+s12+$0xFFFFFF80 ss:$0x1], $0xffff  }
0x15d: {  	v5 =	vld.idx.msk [tilespmem:v2+s12+$0x0 ss:$0x1], $0xffff;
	_ =	sdelay $0x3  }
0x15e: {  	v3 =	vmul.f32 v3, v1  }
0x15f: {  	v4 =	vmul.f32 v4, v1;
	v5 =	vmul.f32 v5, v1  }
0x160: {  	v6 =	vtrunc.f32 v3  }
0x161: {  	v7 =	vtrunc.f32 v4;
	v45 =	vtrunc.f32 v5  }
0x162: {  	v6 =	vcvt.f32.s32 v6;
	v7 =	vcvt.f32.s32 v7  }
0x163: {  	v8 =	vcvt.f32.s32 v45  }
0x164: {  	v6 =	vcvt.s32.f32 v6;
	v7 =	vcvt.s32.f32 v7  }
0x165: {  	v8 =	vcvt.s32.f32 v8  }
0x166: {  	v3 =	vsub.f32 v3, v6;
	v4 =	vsub.f32 v4, v7  }
0x167: {  	s10 =	simm.s32 $0x9C00;
	v5 =	vsub.f32 v5, v8  }
0x168: {  	v46 =	vld [tilespmem:s10+$0xFFFFFC00];
	v6 =	vsub.f32 $1.000000000e+00, v3;
	v7 =	vsub.f32 $1.000000000e+00, v4  }
0x169: {  	v47 =	vld [tilespmem:s10+$0x0]  }
0x16a: {  	v50 =	vld [tilespmem:s10+$0xFFFFFC10];
	v48 =	vsub.f32 $1.000000000e+00, v5;
	v49 =	vmul.f32 v7, v6  }
0x16b: {  	v52 =	vld [tilespmem:s10+$0x10];
	v51 =	vmul.f32 v4, v3  }
0x16c: {  	v53 =	vld [tilespmem:s10+$0xFFFFFC20];
	v4 =	vmul.f32 v4, v6;
	v6 =	vmul.f32 v48, v49  }
0x16d: {  	v54 =	vld [tilespmem:s10+$0x20];
	v3 =	vmul.f32 v7, v3;
	v7 =	vmul.f32 v49, v5  }
0x16e: {  	v55 =	vld [tilespmem:s10+$0xFFFFFC30];
	v8 =	vmul.f32 v6, v46;
	v6 =	vmul.f32 v6, v47  }
0x16f: {  	v17 =	vld [tilespmem:s10+$0x30];
	v16 =	vmul.f32 v48, v4  }
0x170: {  	v56 =	vld [tilespmem:s10+$0xFFFFFC40];
	v12 =	vmul.f32 v7, v50;
	v7 =	vmul.f32 v7, v52;
	v6 =	vadd.f32 $0.0e+00, v6  }
0x171: {  	v18 =	vld [tilespmem:s10+$0x40];
	v8 =	vadd.f32 $0.0e+00, v8  }
0x172: {  	v57 =	vld [tilespmem:s10+$0xFFFFFC50];
	v4 =	vmul.f32 v5, v4;
	v6 =	vadd.f32 v6, v7;
	v7 =	vmul.f32 v54, v16  }
0x173: {  	v59 =	vld [tilespmem:s10+$0x50];
	v58 =	vmul.f32 v48, v3;
	v15 =	vmul.f32 v16, v53;
	v8 =	vadd.f32 v8, v12  }
0x174: {  	v9 =	vmul.f32 v55, v4;
	v4 =	vmul.f32 v17, v4;
	v6 =	vadd.f32 v6, v7  }
0x175: {  	v60 =	vld [tilespmem:s10+$0x60];
	v8 =	vadd.f32 v8, v15  }
0x176: {  	v3 =	vmul.f32 v3, v5;
	v7 =	vld [tilespmem:s10+$0xFFFFFC60];
	v4 =	vadd.f32 v6, v4;
	v6 =	vmul.f32 v18, v58  }
0x177: {  	v61 =	vld [tilespmem:s10+$0xFFFFFC70];
	v10 =	vmul.f32 v48, v51;
	v14 =	vmul.f32 v56, v58;
	v8 =	vadd.f32 v8, v9  }
0x178: {  	v62 =	vld [tilespmem:s10+$0x70];
	v11 =	vmul.f32 v57, v3;
	v3 =	vmul.f32 v59, v3;
	v4 =	vadd.f32 v6, v4  }
0x179: {  	v8 =	vadd.f32 v8, v14  }
0x17a: {  	v3 =	vadd.f32 v3, v4;
	v4 =	vmul.f32 v60, v10  }
0x17b: {  	v5 =	vmul.f32 v5, v51;
	v6 =	vmul.f32 v7, v10;
	v7 =	vadd.f32 v11, v8  }
0x17c: {  	v4 =	vadd.f32 v4, v3;
	v3 =	vmov s8  }
0x17d: {  	v63 =	vmul.f32 v61, v5;
	v6 =	vadd.f32 v6, v7;
	v7 =	vmul.f32 v62, v5;
	_ =	sdelay $0x1  }
0x17e: {  	s1 =	simm.s32 $0x40;
	v5 =	vadd.f32 v63, v6;
	v4 =	vadd.f32 v7, v4  }
.LBB2_12:
0x17f: {  	p0 =	sne.s32 s1, $0x1C0  }
0x180: {  	s10 =	sadd.s32 $0x80, s10;
	s9 =	smov.u32 s1;
	s1 =	sadd.s32 $0x40, s1;
	[tilespmem:v3+s12+$0xFFFFFF80 ss:$0x1] =	vst.idx.msk $0xffff, v5  }
0x181: {  	[tilespmem:v3+s12+$0x0 ss:$0x1] =	vst.idx.msk $0xffff, v4;
	s12 =	sshra.s32 s9, $0x2  }
0x182: {  	v4 =	vld.idx.msk [tilespmem:v2+s12+$0xFFFFFF00 ss:$0x1], $0xffff  }
0x183: {  	v5 =	vld.idx.msk [tilespmem:v2+s12+$0xFFFFFF80 ss:$0x1], $0xffff  }
0x184: {  	v6 =	vld.idx.msk [tilespmem:v2+s12+$0x0 ss:$0x1], $0xffff;
	_ =	sdelay $0x3  }
0x185: {  	v4 =	vmul.f32 v4, v1  }
0x186: {  	v5 =	vmul.f32 v5, v1  }
0x187: {  	v6 =	vmul.f32 v6, v1;
	v7 =	vtrunc.f32 v4  }
0x188: {  	v7 =	vcvt.f32.s32 v7;
	v8 =	vtrunc.f32 v5  }
0x189: {  	v8 =	vcvt.f32.s32 v8;
	v9 =	vtrunc.f32 v6  }
0x18a: {  	v9 =	vcvt.f32.s32 v9;
	v7 =	vcvt.s32.f32 v7  }
0x18b: {  	v8 =	vcvt.s32.f32 v8  }
0x18c: {  	v4 =	vsub.f32 v4, v7;
	v7 =	vcvt.s32.f32 v9  }
0x18d: {  	v5 =	vsub.f32 v5, v8  }
0x18e: {  	v6 =	vsub.f32 v6, v7;
	v7 =	vsub.f32 $1.000000000e+00, v4  }
0x18f: {  	v8 =	vsub.f32 $1.000000000e+00, v5;
	v9 =	vmul.f32 v5, v4;
	v10 =	vld [tilespmem:s10+$0xFFFFFC00]  }
0x190: {  	v11 =	vsub.f32 $1.000000000e+00, v6;
	v5 =	vmul.f32 v5, v7;
	v12 =	vld [tilespmem:s10+$0x0]  }
0x191: {  	v7 =	vmul.f32 v8, v7;
	v4 =	vmul.f32 v8, v4;
	v8 =	vld [tilespmem:s10+$0xFFFFFC10]  }
0x192: {  	v14 =	vmul.f32 v11, v5;
	v5 =	vmul.f32 v6, v5;
	v13 =	vld [tilespmem:s10+$0x10]  }
0x193: {  	v15 =	vmul.f32 v11, v7;
	v7 =	vmul.f32 v7, v6;
	v16 =	vld [tilespmem:s10+$0xFFFFFC20]  }
0x194: {  	v18 =	vmul.f32 v11, v4;
	v4 =	vmul.f32 v4, v6;
	v17 =	vld [tilespmem:s10+$0x20]  }
0x195: {  	v10 =	vmul.f32 v15, v10;
	v12 =	vmul.f32 v15, v12;
	v15 =	vld [tilespmem:s10+$0xFFFFFC30]  }
0x196: {  	v11 =	vmul.f32 v11, v9;
	v8 =	vmul.f32 v7, v8;
	v19 =	vld [tilespmem:s10+$0x30]  }
0x197: {  	v10 =	vadd.f32 $0.0e+00, v10;
	v12 =	vadd.f32 $0.0e+00, v12;
	v7 =	vmul.f32 v7, v13;
	v13 =	vld [tilespmem:s10+$0xFFFFFC40]  }
0x198: {  	v6 =	vmul.f32 v6, v9;
	v16 =	vmul.f32 v14, v16;
	v20 =	vld [tilespmem:s10+$0x40]  }
0x199: {  	v8 =	vadd.f32 v10, v8;
	v7 =	vadd.f32 v12, v7;
	v9 =	vmul.f32 v17, v14;
	v10 =	vld [tilespmem:s10+$0xFFFFFC50]  }
0x19a: {  	v12 =	vmul.f32 v15, v5;
	v14 =	vld [tilespmem:s10+$0x50]  }
0x19b: {  	v8 =	vadd.f32 v8, v16;
	v7 =	vadd.f32 v7, v9;
	v5 =	vmul.f32 v19, v5;
	v9 =	vld [tilespmem:s10+$0xFFFFFC60]  }
0x19c: {  	v13 =	vmul.f32 v13, v18;
	v15 =	vld [tilespmem:s10+$0x60]  }
0x19d: {  	v8 =	vadd.f32 v8, v12;
	v5 =	vadd.f32 v7, v5;
	v7 =	vmul.f32 v20, v18;
	v12 =	vld [tilespmem:s10+$0xFFFFFC70]  }
0x19e: {  	v10 =	vmul.f32 v10, v4;
	v16 =	vld [tilespmem:s10+$0x70]  }
0x19f: {  	v8 =	vadd.f32 v8, v13;
	v5 =	vadd.f32 v7, v5;
	v4 =	vmul.f32 v14, v4  }
0x1a0: {  	v7 =	vmul.f32 v9, v11  }
.Ltmp4:
0x1a1: {  	v8 =	vadd.f32 v10, v8;
	v4 =	vadd.f32 v4, v5;
	v5 =	vmul.f32 v15, v11;
	(pc) =	sbr.rel @p0 .LBB2_12-.Ltmp4, $3  }
0x1a2: {  	v9 =	vmul.f32 v12, v6  }
0x1a3: {  	v7 =	vadd.f32 v7, v8;
	v4 =	vadd.f32 v5, v4;
	v6 =	vmul.f32 v16, v6;
	_ =	sdelay $0x1  }
0x1a4: {  	v5 =	vadd.f32 v9, v7;
	v4 =	vadd.f32 v6, v4  }
0x1a5: {  	s4 =	sadd.s32 $0x1, s4  }
0x1a6: {  	p0 =	sne.s32 s4, $0x1F  }
.Ltmp5:
0x1a7: {  	_ = 	snop;
	(pc) =	sbr.rel @p0 .LBB2_5-.Ltmp5, $3  }
0x1a8: {  	_ =	sdelay $0x1  }
0x1a9: {  	s2 =	sadd.s32 $0x400, s2;
	s6 =	sadd.s32 $0x200, s6;
	s7 =	sadd.s32 $0x400, s7;
	[tilespmem:v3+s12+$0xFFFFFF80 ss:$0x1] =	vst.idx.msk $0xffff, v5  }
0x1aa: {  	s5 =	sadd.s32 $0x400, s5;
	s8 =	sadd.s32 $0x200, s8;
	s11 =	sadd.s32 $0x400, s11;
	[tilespmem:v3+s12+$0x0 ss:$0x1] =	vst.idx.msk $0xffff, v4  }
0x1ab: {  	s1 =	simm.s32 $0x0  }
0x1ac: {  	v2 =	vld [tilespmem:s1+$0x7E80]  }
0x1ad: {  	v3 =	vld [tilespmem:s1+$0x7F00]  }
0x1ae: {  	v4 =	vld [tilespmem:s1+$0x7E00];
	_ =	sdelay $0x3  }
0x1af: {  	v2 =	vmul.f32 v2, v1;
	v3 =	vmul.f32 v3, v1  }
0x1b0: {  	v4 =	vmul.f32 v4, v1  }
0x1b1: {  	v2 =	vtrunc.f32 v2;
	v3 =	vtrunc.f32 v3  }
0x1b2: {  	v2 =	vcvt.f32.s32 v2;
	v3 =	vcvt.f32.s32 v3  }
0x1b3: {  	v4 =	vtrunc.f32 v4  }
0x1b4: {  	v4 =	vcvt.f32.s32 v4;
	v5 =	vmul.u32 $0x9E3779B1, v2;
	v7 =	vmul.u32 $0x30025795, v3;
	_ =	sdelay $0x1  }
0x1b5: {  	v6 =	vadd.s32 $0x1, v4;
	v2 =	vadd.s32 $0x9E3779B1, v5;
	v3 =	vadd.s32 $0x30025795, v7  }
0x1b6: {  	v8 =	vxor.u32 v5, v3;
	v10 =	vxor.u32 v7, v2;
	v3 =	vxor.u32 v2, v3  }
0x1b7: {  	v2 =	vxor.u32 v4, v8;
	v9 =	vxor.u32 v4, v3;
	v13 =	vxor.u32 v6, v3  }
0x1b8: {  	v11 =	vxor.u32 v6, v8;
	v8 =	vxor.u32 v6, v10;
	v12 =	vshll.u32 v13, $0x1  }
0x1b9: {  	s4 =	simm.s32 $0x40;
	s2 =	simm.s32 $0x8C00;
	s1 =	simm.s32 $0x8C00;
	v3 =	vshll.u32 v2, $0x1;
	v13 =	vand.u32 $0x7F, v13;
	v12 =	vand.u32 $0xFFF00, v12  }
.LBB2_15:
0x1ba: {  	p0 =	sne.s32 s4, $0x1C0  }
0x1bb: {  	v14 =	vshll.u32 v9, $0x1;
	v15 =	vshll.u32 v11, $0x1;
	v12 =	vor.u32 v13, v12;
	s1 =	sadd.s32 $0x80, s1;
	s5 =	smov.u32 s4;
	s4 =	sadd.s32 $0x40, s4  }
0x1bc: {  	v11 =	vand.u32 $0x7F, v11;
	v13 =	vand.u32 $0xFFF00, v15;
	[tilespmem:s2+$0xFFFFFC70] =	vst v12;
	v12 =	vor.u32 $0x80, v12  }
0x1bd: {  	v10 =	vxor.u32 v4, v10;
	v11 =	vor.u32 v11, v13;
	v13 =	vshll.u32 v8, $0x1;
	[tilespmem:s2+$0x70] =	vst v12  }
0x1be: {  	v9 =	vand.u32 $0x7F, v9;
	v12 =	vand.u32 $0xFFF00, v14;
	[tilespmem:s2+$0xFFFFFC50] =	vst v11;
	v11 =	vor.u32 $0x80, v11  }
0x1bf: {  	v8 =	vand.u32 $0x7F, v8;
	v9 =	vor.u32 v9, v12;
	[tilespmem:s2+$0x50] =	vst v11;
	v11 =	vand.u32 $0xFFF00, v13  }
0x1c0: {  	v12 =	vshll.u32 v10, $0x1;
	[tilespmem:s2+$0xFFFFFC30] =	vst v9;
	v9 =	vor.u32 $0x80, v9;
	v8 =	vor.u32 v8, v11  }
0x1c1: {  	v10 =	vand.u32 $0x7F, v10;
	v11 =	vand.u32 $0xFFF00, v12;
	[tilespmem:s2+$0x30] =	vst v9;
	v9 =	vor.u32 $0x80, v8  }
0x1c2: {  	v5 =	vxor.u32 v5, v7;
	v7 =	vor.u32 v10, v11;
	[tilespmem:s2+$0x60] =	vst v9  }
0x1c3: {  	v4 =	vxor.u32 v4, v5;
	v5 =	vxor.u32 v6, v5;
	v6 =	vor.u32 $0x80, v7;
	[tilespmem:s2+$0xFFFFFC60] =	vst v8  }
0x1c4: {  	v8 =	vshll.u32 v4, $0x1;
	[tilespmem:s2+$0x20] =	vst v6;
	v6 =	vshll.u32 v5, $0x1;
	v5 =	vand.u32 $0x7F, v5  }
0x1c5: {  	v4 =	vand.u32 $0x7F, v4;
	v8 =	vand.u32 $0xFFF00, v8;
	[tilespmem:s2+$0xFFFFFC20] =	vst v7;
	v6 =	vand.u32 $0xFFF00, v6  }
0x1c6: {  	v4 =	vor.u32 v4, v8;
	v5 =	vor.u32 v5, v6  }
0x1c7: {  	[tilespmem:s2+$0xFFFFFC00] =	vst v4;
	v4 =	vor.u32 $0x80, v4;
	v6 =	vor.u32 $0x80, v5  }
0x1c8: {  	[tilespmem:s2+$0x0] =	vst v4  }
0x1c9: {  	v3 =	vand.u32 $0xFFF00, v3;
	v2 =	vand.u32 $0x7F, v2;
	[tilespmem:s2+$0x40] =	vst v6  }
0x1ca: {  	v2 =	vor.u32 v2, v3;
	[tilespmem:s2+$0xFFFFFC40] =	vst v5  }
0x1cb: {  	s5 =	sshra.s32 s5, $0x2;
	[tilespmem:s2+$0xFFFFFC10] =	vst v2;
	v2 =	vor.u32 $0x80, v2  }
0x1cc: {  	[tilespmem:s2+$0x10] =	vst v2;
	s2 =	smov.u32 s1  }
0x1cd: {  	v2 =	vld [tilespmem:s5+$0x7E80]  }
0x1ce: {  	v3 =	vld [tilespmem:s5+$0x7F00];
	_ =	sdelay $0x1  }
0x1cf: {  	v4 =	vld [tilespmem:s5+$0x7E00];
	_ =	sdelay $0x1  }
0x1d0: {  	v2 =	vmul.f32 v2, v1  }
0x1d1: {  	v3 =	vmul.f32 v3, v1  }
0x1d2: {  	v2 =	vtrunc.f32 v2  }
0x1d3: {  	v4 =	vmul.f32 v4, v1;
	v3 =	vtrunc.f32 v3  }
0x1d4: {  	v2 =	vcvt.f32.s32 v2;
	v3 =	vcvt.f32.s32 v3  }
0x1d5: {  	v4 =	vtrunc.f32 v4  }
0x1d6: {  	v5 =	vmul.u32 $0x9E3779B1, v2;
	v4 =	vcvt.f32.s32 v4;
	v7 =	vmul.u32 $0x30025795, v3;
	_ =	sdelay $0x1  }
.Ltmp6:
0x1d7: {  	v2 =	vadd.s32 $0x9E3779B1, v5;
	v3 =	vadd.s32 $0x30025795, v7;
	v6 =	vadd.s32 $0x1, v4;
	(pc) =	sbr.rel @p0 .LBB2_15-.Ltmp6, $4  }
0x1d8: {  	v10 =	vxor.u32 v7, v2;
	v8 =	vxor.u32 v5, v3;
	v3 =	vxor.u32 v2, v3  }
0x1d9: {  	v2 =	vxor.u32 v4, v8;
	v9 =	vxor.u32 v4, v3;
	v13 =	vxor.u32 v6, v3  }
0x1da: {  	v11 =	vxor.u32 v6, v8;
	v8 =	vxor.u32 v6, v10;
	v12 =	vshll.u32 v13, $0x1  }
0x1db: {  	v3 =	vshll.u32 v2, $0x1;
	v13 =	vand.u32 $0x7F, v13;
	v12 =	vand.u32 $0xFFF00, v12  }
0x1dc: {  	v14 =	vshll.u32 v11, $0x1;
	v12 =	vor.u32 v13, v12  }
0x1dd: {  	v3 =	vand.u32 $0xFFF00, v3;
	v2 =	vand.u32 $0x7F, v2;
	[tilespmem:s2+$0xFFFFFC70] =	vst v12;
	v12 =	vor.u32 $0x80, v12  }
0x1de: {  	v11 =	vand.u32 $0x7F, v11;
	v13 =	vand.u32 $0xFFF00, v14;
	v2 =	vor.u32 v2, v3;
	[tilespmem:s2+$0x70] =	vst v12  }
0x1df: {  	v11 =	vor.u32 v11, v13;
	[tilespmem:s2+$0xFFFFFC10] =	vst v2  }
0x1e0: {  	v15 =	vshll.u32 v9, $0x1;
	v10 =	vxor.u32 v4, v10;
	v2 =	vor.u32 $0x80, v2;
	[tilespmem:s2+$0xFFFFFC50] =	vst v11  }
0x1e1: {  	v9 =	vand.u32 $0x7F, v9;
	v12 =	vand.u32 $0xFFF00, v15;
	v11 =	vor.u32 $0x80, v11;
	[tilespmem:s2+$0x10] =	vst v2  }
0x1e2: {  	v5 =	vxor.u32 v5, v7;
	v13 =	vshll.u32 v8, $0x1;
	v9 =	vor.u32 v9, v12;
	[tilespmem:s2+$0x50] =	vst v11  }
0x1e3: {  	v8 =	vand.u32 $0x7F, v8;
	v11 =	vand.u32 $0xFFF00, v13;
	[tilespmem:s2+$0xFFFFFC30] =	vst v9;
	v9 =	vor.u32 $0x80, v9  }
0x1e4: {  	v4 =	vxor.u32 v4, v5;
	v12 =	vshll.u32 v10, $0x1;
	v8 =	vor.u32 v8, v11;
	[tilespmem:s2+$0x30] =	vst v9  }
0x1e5: {  	v10 =	vand.u32 $0x7F, v10;
	v11 =	vand.u32 $0xFFF00, v12;
	v9 =	vor.u32 $0x80, v8;
	[tilespmem:s2+$0xFFFFFC60] =	vst v8  }
0x1e6: {  	v5 =	vxor.u32 v6, v5;
	v7 =	vor.u32 v10, v11;
	v8 =	vshll.u32 v4, $0x1;
	[tilespmem:s2+$0x60] =	vst v9  }
0x1e7: {  	v4 =	vand.u32 $0x7F, v4;
	v6 =	vor.u32 $0x80, v7;
	v8 =	vand.u32 $0xFFF00, v8;
	[tilespmem:s2+$0xFFFFFC20] =	vst v7  }
0x1e8: {  	[tilespmem:s2+$0x20] =	vst v6;
	v6 =	vshll.u32 v5, $0x1;
	v4 =	vor.u32 v4, v8  }
0x1e9: {  	v5 =	vand.u32 $0x7F, v5;
	v6 =	vand.u32 $0xFFF00, v6;
	[tilespmem:s2+$0xFFFFFC00] =	vst v4;
	v4 =	vor.u32 $0x80, v4  }
0x1ea: {  	v5 =	vor.u32 v5, v6;
	[tilespmem:s2+$0x0] =	vst v4  }
0x1eb: {  	v6 =	vor.u32 $0x80, v5;
	[tilespmem:s2+$0xFFFFFC40] =	vst v5  }
0x1ec: {  	[tilespmem:s2+$0x40] =	vst v6  }
0x1ed: {  	[tilespmem:s23], [sflag:$0x2] =	stream.indirect.gather [spmem:s3], $0x1, s22, s21, $0xb8;
	[tilespmem:$0x1E000] =	vst v63  }
0x1ee: {  	_ = 	snop  }
0x1ef: {  	[tilespmem:s25], [sflag:$0x2] =	stream.indirect.gather [spmem:s3], $0x1, s24, s21, $0xb8;
	[tilespmem:$0x1E000] =	vst v63  }
0x1f0: {  	_ = 	snop  }
0x1f1: {  	[tilespmem:s28], [sflag:$0x2] =	stream.indirect.gather [spmem:s3], $0x1, s26, s21, $0xb8;
	[tilespmem:$0x1E000] =	vst v63  }
0x1f2: {  	_ = 	snop  }
0x1f3: {  	[tilespmem:s30], [sflag:$0x2] =	stream.indirect.gather [spmem:s3], $0x1, s29, s21, $0xb8;
	[tilespmem:$0x1E000] =	vst v63  }
0x1f4: {  	_ =	swait.ge [sflag:s31], $0x800  }
0x1f5: {  	[sflag:s31] =	ssyncset.done $0x0  }
0x1f6: {  	s5 =	simm.s32 $0x0;
	[sflag:s31] =	ssyncadd.s32 $0xFFFFF800  }
0x1f7: {  	v2 =	vld [tilespmem:s5+$0x7C80]  }
0x1f8: {  	v3 =	vld [tilespmem:s5+$0x7D00]  }
0x1f9: {  	s4 =	simm.s32 $0x10;
	v4 =	vld [tilespmem:s5+$0x7C00]  }
0x1fa: {  	v6 =	vld [tilespmem:s4+$0x7C80]  }
0x1fb: {  	v7 =	vld [tilespmem:s4+$0x7C00];
	_ =	sdelay $0x2  }
0x1fc: {  	v10 =	vld [tilespmem:s4+$0x7D00];
	v2 =	vmul.f32 v2, v1;
	v3 =	vmul.f32 v3, v1  }
0x1fd: {  	v9 =	vmul.f32 v4, v1;
	v6 =	vmul.f32 v6, v1  }
0x1fe: {  	v11 =	vmul.f32 v7, v1;
	v5 =	vtrunc.f32 v2  }
0x1ff: {  	v8 =	vtrunc.f32 v3;
	v5 =	vcvt.f32.s32 v5  }
0x200: {  	v4 =	vcvt.f32.s32 v8;
	v8 =	vtrunc.f32 v9  }
0x201: {  	v10 =	vmul.f32 v10, v1;
	v8 =	vcvt.f32.s32 v8  }
0x202: {  	v5 =	vcvt.s32.f32 v5;
	v4 =	vcvt.s32.f32 v4  }
0x203: {  	v7 =	vcvt.s32.f32 v8;
	v8 =	vtrunc.f32 v6  }
0x204: {  	v12 =	vtrunc.f32 v11;
	v8 =	vcvt.f32.s32 v8;
	v2 =	vsub.f32 v2, v5  }
0x205: {  	v4 =	vsub.f32 v3, v4;
	v3 =	vcvt.f32.s32 v12;
	v5 =	vsub.f32 v9, v7  }
0x206: {  	s2 =	simm.s32 $0x20;
	v7 =	vcvt.s32.f32 v8;
	v9 =	vsub.f32 $1.000000000e+00, v2  }
0x207: {  	v19 =	vld [tilespmem:s2+$0x7D00];
	v13 =	vtrunc.f32 v10;
	v3 =	vcvt.s32.f32 v3;
	v12 =	vsub.f32 $1.000000000e+00, v5  }
0x208: {  	v13 =	vcvt.f32.s32 v13;
	v18 =	vsub.f32 v6, v7;
	v6 =	vld [tilespmem:s2+$0x7C80];
	v7 =	vmul.f32 v9, v5  }
0x209: {  	v3 =	vsub.f32 v11, v3;
	v15 =	vmul.f32 v9, v12;
	v11 =	vmul.f32 v2, v12  }
0x20a: {  	v8 =	vsub.f32 $1.000000000e+00, v4;
	v9 =	vmul.f32 v2, v5;
	v2 =	vcvt.s32.f32 v13  }
0x20b: {  	v12 =	vsub.f32 $1.000000000e+00, v18;
	v5 =	vsub.f32 $1.000000000e+00, v3  }
0x20c: {  	v17 =	vmul.f32 v8, v15;
	v2 =	vsub.f32 v10, v2;
	v10 =	vmul.f32 v19, v1  }
0x20d: {  	s8 =	simm.s32 $0x9400;
	v14 =	vmul.f32 v12, v3;
	v6 =	vmul.f32 v6, v1  }
0x20e: {  	v22 =	vld [tilespmem:s8+$0x10];
	v20 =	vmul.f32 v12, v5;
	v16 =	vmul.f32 v18, v5  }
0x20f: {  	v25 =	vld [tilespmem:s8+$0x0];
	v3 =	vmul.f32 v18, v3;
	v12 =	vtrunc.f32 v6  }
0x210: {  	v24 =	vld [tilespmem:s8+$0xFFFFFC00];
	v5 =	vsub.f32 $1.000000000e+00, v2;
	v18 =	vtrunc.f32 v10;
	v12 =	vcvt.f32.s32 v12  }
0x211: {  	v23 =	vld [tilespmem:s8+$0xFFFFFC10];
	v19 =	vcvt.f32.s32 v18;
	v18 =	vmul.f32 v8, v9  }
0x212: {  	s1 =	simm.s32 $0xC0;
	s6 =	simm.s32 $0x9480;
	s7 =	simm.s32 $0x9480;
	v13 =	vld [tilespmem:s2+$0x7C00];
	v21 =	vmul.f32 v5, v20;
	v12 =	vcvt.s32.f32 v12  }
.LBB2_17:
0x213: {  	p0 =	sne.s32 s1, $0x1C0  }
0x214: {  	v19 =	vcvt.s32.f32 v19;
	s6 =	sadd.s32 $0x80, s6;
	v26 =	vld [tilespmem:s8+$0x20];
	v27 =	vmul.f32 v7, v4;
	s9 =	smov.u32 s1;
	s1 =	sadd.s32 $0x40, s1  }
0x215: {  	v28 =	vmul.f32 v15, v4;
	v30 =	vmul.f32 v8, v7;
	v7 =	vmovc v14;
	v15 =	vmov v20;
	v29 =	vld [tilespmem:s8+$0xFFFFFC20]  }
0x216: {  	v20 =	vmul.f32 v8, v11;
	v8 =	vmov v5;
	v14 =	vmul.f32 v17, v25;
	v25 =	vld [tilespmem:s8+$0x30]  }
0x217: {  	v22 =	vmul.f32 v28, v22;
	v5 =	vmul.f32 v17, v24;
	v24 =	vld [tilespmem:s8+$0xFFFFFC30];
	v17 =	vmov v21  }
0x218: {  	v10 =	vsub.f32 v10, v19;
	v14 =	vadd.f32 $0.0e+00, v14;
	v19 =	vmul.f32 v28, v23;
	v21 =	vld [tilespmem:s8+$0x40]  }
0x219: {  	v28 =	vmul.f32 v4, v11;
	v11 =	vmovc v16;
	v23 =	vadd.f32 $0.0e+00, v5;
	v26 =	vmul.f32 v26, v20;
	v31 =	vld [tilespmem:s8+$0xFFFFFC40]  }
0x21a: {  	v13 =	vmul.f32 v13, v1;
	v14 =	vadd.f32 v14, v22;
	v16 =	vmul.f32 v20, v29;
	v20 =	vld [tilespmem:s8+$0x50]  }
0x21b: {  	v5 =	vsub.f32 $1.000000000e+00, v10;
	v19 =	vadd.f32 v23, v19;
	v22 =	vmul.f32 v25, v28;
	v23 =	vld [tilespmem:s8+$0xFFFFFC50]  }
0x21c: {  	v25 =	vtrunc.f32 v13;
	v14 =	vadd.f32 v14, v26;
	v24 =	vmul.f32 v24, v28;
	v26 =	vld [tilespmem:s8+$0x60]  }
0x21d: {  	v6 =	vsub.f32 v6, v12;
	v25 =	vcvt.f32.s32 v25;
	v12 =	vadd.f32 v19, v16;
	v16 =	vld [tilespmem:s8+$0xFFFFFC60]  }
0x21e: {  	v21 =	vmul.f32 v21, v30;
	v14 =	vadd.f32 v14, v22;
	v19 =	vmul.f32 v31, v30;
	v22 =	vld [tilespmem:s8+$0x70]  }
0x21f: {  	v28 =	vsub.f32 $1.000000000e+00, v6;
	v25 =	vcvt.s32.f32 v25;
	v12 =	vadd.f32 v12, v24;
	v24 =	vld [tilespmem:s8+$0xFFFFFC70];
	s8 =	smov.u32 s7;
	s7 =	smov.u32 s6  }
0x220: {  	v20 =	vmul.f32 v20, v27;
	v14 =	vadd.f32 v21, v14;
	v21 =	vmul.f32 v23, v27  }
0x221: {  	s9 =	sshra.s32 s9, $0x2;
	v13 =	vsub.f32 v13, v25;
	v12 =	vadd.f32 v12, v19;
	v19 =	vmul.f32 v4, v9;
	v4 =	vmovc v2  }
0x222: {  	v2 =	vmovc v10;
	v23 =	vld [tilespmem:s9+$0x7D00];
	v20 =	vadd.f32 v20, v14;
	v25 =	vmul.f32 v16, v18;
	v16 =	vmul.f32 v26, v18  }
0x223: {  	v9 =	vmovc v3;
	v18 =	vsub.f32 $1.000000000e+00, v13;
	v14 =	vmul.f32 v28, v13;
	v10 =	vld [tilespmem:s9+$0x7C80];
	v12 =	vadd.f32 v21, v12  }
0x224: {  	v21 =	vadd.f32 v16, v20;
	v24 =	vmul.f32 v24, v19;
	v19 =	vmul.f32 v22, v19  }
0x225: {  	v20 =	vmul.f32 v28, v18;
	v16 =	vmul.f32 v6, v18;
	v12 =	vadd.f32 v25, v12  }
0x226: {  	v3 =	vmul.f32 v6, v13;
	v13 =	vadd.f32 v19, v21  }
0x227: {  	v21 =	vmul.f32 v5, v20;
	v12 =	vadd.f32 v24, v12  }
0x228: {  	v6 =	vmul.f32 v10, v1;
	[tilespmem:s5+$0xDE80] =	vst v13  }
.Ltmp7:
0x229: {  	v10 =	vmul.f32 v23, v1;
	v13 =	vld [tilespmem:s9+$0x7C00];
	[tilespmem:s5+$0xDE00] =	vst v12;
	s5 =	smov.u32 s4;
	s4 =	smov.u32 s2;
	(pc) =	sbr.rel @p0 .LBB2_17-.Ltmp7, $4  }
0x22a: {  	s2 =	smov.u32 s9;
	v12 =	vtrunc.f32 v6;
	v22 =	vld [tilespmem:s8+$0x10]  }
0x22b: {  	v18 =	vtrunc.f32 v10;
	v12 =	vcvt.f32.s32 v12;
	v25 =	vld [tilespmem:s8+$0x0]  }
0x22c: {  	v19 =	vcvt.f32.s32 v18;
	v24 =	vld [tilespmem:s8+$0xFFFFFC00]  }
0x22d: {  	v18 =	vmul.f32 v8, v9;
	v12 =	vcvt.s32.f32 v12;
	v23 =	vld [tilespmem:s8+$0xFFFFFC10]  }
0x22e: {  	_ = 	snop  }
0x22f: {  	v26 =	vld [tilespmem:s8+$0x20]  }
0x230: {  	v15 =	vmul.f32 v15, v4;
	v27 =	vld [tilespmem:s8+$0xFFFFFC20];
	v25 =	vmul.f32 v17, v25  }
0x231: {  	v28 =	vld [tilespmem:s8+$0x30];
	v17 =	vmul.f32 v17, v24  }
0x232: {  	v29 =	vld [tilespmem:s8+$0xFFFFFC30];
	v22 =	vmul.f32 v15, v22;
	v24 =	vmul.f32 v8, v11;
	v25 =	vadd.f32 $0.0e+00, v25  }
0x233: {  	v15 =	vmul.f32 v15, v23;
	v23 =	vld [tilespmem:s8+$0x40];
	v17 =	vadd.f32 $0.0e+00, v17  }
0x234: {  	v30 =	vld [tilespmem:s8+$0xFFFFFC40];
	v11 =	vmul.f32 v4, v11;
	v26 =	vmul.f32 v26, v24;
	v22 =	vadd.f32 v25, v22  }
0x235: {  	v24 =	vmul.f32 v24, v27;
	v25 =	vld [tilespmem:s8+$0x50];
	v15 =	vadd.f32 v17, v15  }
0x236: {  	v8 =	vmul.f32 v8, v7;
	v27 =	vld [tilespmem:s8+$0xFFFFFC50];
	v17 =	vmul.f32 v28, v11;
	v22 =	vadd.f32 v22, v26  }
0x237: {  	v11 =	vmul.f32 v29, v11;
	v26 =	vld [tilespmem:s8+$0x60];
	v15 =	vadd.f32 v15, v24  }
0x238: {  	v7 =	vmul.f32 v7, v4;
	v24 =	vld [tilespmem:s8+$0xFFFFFC60];
	v17 =	vadd.f32 v22, v17;
	v22 =	vmul.f32 v23, v8  }
0x239: {  	v8 =	vmul.f32 v30, v8;
	v23 =	vld [tilespmem:s8+$0x70];
	v11 =	vadd.f32 v15, v11  }
0x23a: {  	v15 =	vld [tilespmem:s8+$0xFFFFFC70];
	v17 =	vadd.f32 v22, v17;
	v22 =	vmul.f32 v25, v7  }
0x23b: {  	v7 =	vmul.f32 v27, v7;
	v8 =	vadd.f32 v11, v8  }
0x23c: {  	v4 =	vmul.f32 v4, v9;
	v11 =	vmul.f32 v26, v18;
	v9 =	vadd.f32 v22, v17  }
0x23d: {  	v17 =	vmul.f32 v24, v18;
	v7 =	vadd.f32 v7, v8  }
0x23e: {  	v8 =	vadd.f32 v11, v9;
	v9 =	vmul.f32 v23, v4  }
0x23f: {  	v4 =	vmul.f32 v15, v4;
	v7 =	vadd.f32 v17, v7  }
0x240: {  	v8 =	vadd.f32 v9, v8  }
0x241: {  	v4 =	vadd.f32 v4, v7  }
0x242: {  	[tilespmem:s5+$0xDE80] =	vst v8  }
0x243: {  	[tilespmem:s5+$0xDE00] =	vst v4  }
0x244: {  	v4 =	vld [tilespmem:s7+$0x0]  }
0x245: {  	v7 =	vld [tilespmem:s7+$0xFFFFFC00]  }
0x246: {  	v8 =	vld [tilespmem:s7+$0x10]  }
0x247: {  	v9 =	vld [tilespmem:s7+$0xFFFFFC10]  }
0x248: {  	v11 =	vld [tilespmem:s7+$0x20]  }
0x249: {  	v15 =	vmul.f32 v20, v2;
	v17 =	vld [tilespmem:s7+$0xFFFFFC20];
	v4 =	vmul.f32 v21, v4  }
0x24a: {  	v18 =	vld [tilespmem:s7+$0x30];
	v7 =	vmul.f32 v21, v7  }
0x24b: {  	v20 =	vmul.f32 v5, v16;
	v8 =	vmul.f32 v15, v8;
	v21 =	vld [tilespmem:s7+$0xFFFFFC30];
	v4 =	vadd.f32 $0.0e+00, v4  }
0x24c: {  	v9 =	vmul.f32 v15, v9;
	v15 =	vld [tilespmem:s7+$0x40];
	v7 =	vadd.f32 $0.0e+00, v7  }
0x24d: {  	v16 =	vmul.f32 v2, v16;
	v22 =	vld [tilespmem:s7+$0xFFFFFC40];
	v11 =	vmul.f32 v11, v20;
	v4 =	vadd.f32 v4, v8  }
0x24e: {  	v8 =	vmul.f32 v20, v17;
	v17 =	vld [tilespmem:s7+$0x50];
	v7 =	vadd.f32 v7, v9  }
0x24f: {  	v18 =	vmul.f32 v18, v16;
	v9 =	vmul.f32 v5, v14;
	v20 =	vld [tilespmem:s7+$0xFFFFFC50];
	v4 =	vadd.f32 v4, v11  }
0x250: {  	v11 =	vmul.f32 v21, v16;
	v16 =	vld [tilespmem:s7+$0x60];
	v7 =	vadd.f32 v7, v8  }
0x251: {  	v8 =	vmul.f32 v14, v2;
	v14 =	vld [tilespmem:s7+$0xFFFFFC60];
	v15 =	vmul.f32 v15, v9;
	v4 =	vadd.f32 v4, v18  }
0x252: {  	v13 =	vmul.f32 v13, v1;
	v9 =	vmul.f32 v22, v9;
	v18 =	vld [tilespmem:s7+$0x70];
	v7 =	vadd.f32 v7, v11  }
0x253: {  	v5 =	vmul.f32 v5, v3;
	v11 =	vld [tilespmem:s7+$0xFFFFFC70];
	v4 =	vadd.f32 v15, v4;
	v15 =	vmul.f32 v17, v8  }
0x254: {  	v2 =	vmul.f32 v2, v3;
	v8 =	vmul.f32 v20, v8;
	v7 =	vadd.f32 v7, v9  }
0x255: {  	v17 =	vtrunc.f32 v13;
	v3 =	vadd.f32 v15, v4;
	v4 =	vmul.f32 v16, v5  }
0x256: {  	v9 =	vcvt.f32.s32 v17;
	v5 =	vmul.f32 v14, v5;
	v7 =	vadd.f32 v8, v7  }
0x257: {  	v3 =	vadd.f32 v4, v3;
	v4 =	vmul.f32 v18, v2  }
0x258: {  	v8 =	vcvt.s32.f32 v9;
	v2 =	vmul.f32 v11, v2;
	v5 =	vadd.f32 v5, v7  }
0x259: {  	v6 =	vsub.f32 v6, v12;
	v7 =	vcvt.s32.f32 v19;
	v3 =	vadd.f32 v4, v3  }
0x25a: {  	v4 =	vsub.f32 v13, v8;
	v2 =	vadd.f32 v2, v5  }
0x25b: {  	v5 =	vsub.f32 v10, v7;
	[tilespmem:s4+$0xDE80] =	vst v3  }
0x25c: {  	s1 =	sadd.s32 $0x80, s6;
	v3 =	vsub.f32 $1.000000000e+00, v6;
	v7 =	vsub.f32 $1.000000000e+00, v4;
	[tilespmem:s4+$0xDE00] =	vst v2  }
0x25d: {  	v2 =	vld [tilespmem:s1+$0x0]  }
0x25e: {  	v8 =	vsub.f32 $1.000000000e+00, v5;
	v10 =	vld [tilespmem:s1+$0xFFFFFC00];
	v9 =	vmul.f32 v3, v7  }
0x25f: {  	v11 =	vld [tilespmem:s1+$0x10]  }
0x260: {  	v13 =	vld [tilespmem:s1+$0xFFFFFC10];
	v12 =	vmul.f32 v8, v9  }
0x261: {  	v14 =	vld [tilespmem:s1+$0x20];
	v7 =	vmul.f32 v6, v7  }
0x262: {  	v15 =	vld [tilespmem:s1+$0xFFFFFC20];
	v9 =	vmul.f32 v9, v5;
	v2 =	vmul.f32 v12, v2  }
0x263: {  	v16 =	vld [tilespmem:s1+$0x30];
	v10 =	vmul.f32 v12, v10  }
0x264: {  	v17 =	vld [tilespmem:s1+$0xFFFFFC30];
	v12 =	vmul.f32 v8, v7;
	v11 =	vmul.f32 v9, v11;
	v2 =	vadd.f32 $0.0e+00, v2  }
0x265: {  	v3 =	vmul.f32 v3, v4;
	v9 =	vmul.f32 v9, v13;
	v13 =	vld [tilespmem:s1+$0x40];
	v10 =	vadd.f32 $0.0e+00, v10  }
0x266: {  	v18 =	vld [tilespmem:s1+$0xFFFFFC40];
	v7 =	vmul.f32 v5, v7;
	v14 =	vmul.f32 v14, v12;
	v2 =	vadd.f32 v2, v11  }
0x267: {  	v11 =	vmul.f32 v12, v15;
	v12 =	vld [tilespmem:s1+$0x50];
	v9 =	vadd.f32 v10, v9  }
0x268: {  	v10 =	vmul.f32 v8, v3;
	v15 =	vmul.f32 v16, v7;
	v16 =	vld [tilespmem:s1+$0xFFFFFC50];
	v2 =	vadd.f32 v2, v14  }
0x269: {  	v4 =	vmul.f32 v6, v4;
	v6 =	vmul.f32 v17, v7;
	v7 =	vld [tilespmem:s1+$0x60];
	v9 =	vadd.f32 v9, v11  }
0x26a: {  	v3 =	vmul.f32 v3, v5;
	v11 =	vld [tilespmem:s1+$0xFFFFFC60];
	v13 =	vmul.f32 v13, v10;
	v2 =	vadd.f32 v2, v15  }
0x26b: {  	v10 =	vmul.f32 v18, v10;
	v14 =	vld [tilespmem:s1+$0x70];
	v6 =	vadd.f32 v9, v6  }
0x26c: {  	v8 =	vmul.f32 v8, v4;
	v9 =	vld [tilespmem:s1+$0xFFFFFC70];
	v12 =	vmul.f32 v12, v3;
	v2 =	vadd.f32 v13, v2  }
0x26d: {  	v3 =	vmul.f32 v16, v3;
	v6 =	vadd.f32 v6, v10  }
0x26e: {  	v4 =	vmul.f32 v5, v4;
	v5 =	vmul.f32 v7, v8;
	v2 =	vadd.f32 v12, v2  }
0x26f: {  	v7 =	vmul.f32 v11, v8;
	v3 =	vadd.f32 v3, v6  }
0x270: {  	v2 =	vadd.f32 v5, v2;
	v5 =	vmul.f32 v14, v4  }
0x271: {  	v4 =	vmul.f32 v9, v4;
	v3 =	vadd.f32 v7, v3  }
0x272: {  	v2 =	vadd.f32 v5, v2  }
0x273: {  	v3 =	vadd.f32 v4, v3  }
0x274: {  	[tilespmem:s2+$0xDE80] =	vst v2  }
0x275: {  	[tilespmem:s2+$0xDE00] =	vst v3  }
0x276: {  	_ =	swait.ge [sflag:s0], $0x800  }
0x277: {  	[sflag:s0] =	ssyncset.done $0x0  }
0x278: {  	s5 =	simm.s32 $0x0;
	[sflag:s0] =	ssyncadd.s32 $0xFFFFF800  }
0x279: {  	v2 =	vld [tilespmem:s5+$0x7E80]  }
0x27a: {  	v3 =	vld [tilespmem:s5+$0x7F00]  }
0x27b: {  	s4 =	simm.s32 $0x10;
	v4 =	vld [tilespmem:s5+$0x7E00]  }
0x27c: {  	v6 =	vld [tilespmem:s4+$0x7E80]  }
0x27d: {  	v7 =	vld [tilespmem:s4+$0x7E00];
	_ =	sdelay $0x2  }
0x27e: {  	v10 =	vld [tilespmem:s4+$0x7F00];
	v2 =	vmul.f32 v2, v1;
	v3 =	vmul.f32 v3, v1  }
0x27f: {  	v9 =	vmul.f32 v4, v1;
	v6 =	vmul.f32 v6, v1  }
0x280: {  	v11 =	vmul.f32 v7, v1;
	v5 =	vtrunc.f32 v2  }
0x281: {  	v8 =	vtrunc.f32 v3;
	v5 =	vcvt.f32.s32 v5  }
0x282: {  	v4 =	vcvt.f32.s32 v8;
	v8 =	vtrunc.f32 v9  }
0x283: {  	v10 =	vmul.f32 v10, v1;
	v8 =	vcvt.f32.s32 v8  }
0x284: {  	v5 =	vcvt.s32.f32 v5;
	v4 =	vcvt.s32.f32 v4  }
0x285: {  	v7 =	vcvt.s32.f32 v8;
	v8 =	vtrunc.f32 v6  }
0x286: {  	v12 =	vtrunc.f32 v11;
	v8 =	vcvt.f32.s32 v8;
	v2 =	vsub.f32 v2, v5  }
0x287: {  	v4 =	vsub.f32 v3, v4;
	v3 =	vcvt.f32.s32 v12;
	v5 =	vsub.f32 v9, v7  }
0x288: {  	s2 =	simm.s32 $0x20;
	v7 =	vcvt.s32.f32 v8;
	v9 =	vsub.f32 $1.000000000e+00, v2  }
0x289: {  	v19 =	vld [tilespmem:s2+$0x7F00];
	v13 =	vtrunc.f32 v10;
	v3 =	vcvt.s32.f32 v3;
	v12 =	vsub.f32 $1.000000000e+00, v5  }
0x28a: {  	v13 =	vcvt.f32.s32 v13;
	v18 =	vsub.f32 v6, v7;
	v6 =	vld [tilespmem:s2+$0x7E80];
	v7 =	vmul.f32 v9, v5  }
0x28b: {  	v3 =	vsub.f32 v11, v3;
	v15 =	vmul.f32 v9, v12;
	v11 =	vmul.f32 v2, v12  }
0x28c: {  	v8 =	vsub.f32 $1.000000000e+00, v4;
	v9 =	vmul.f32 v2, v5;
	v2 =	vcvt.s32.f32 v13  }
0x28d: {  	v12 =	vsub.f32 $1.000000000e+00, v18;
	v5 =	vsub.f32 $1.000000000e+00, v3  }
0x28e: {  	v17 =	vmul.f32 v8, v15;
	v2 =	vsub.f32 v10, v2;
	v10 =	vmul.f32 v19, v1  }
0x28f: {  	s8 =	simm.s32 $0x9C00;
	v14 =	vmul.f32 v12, v3;
	v6 =	vmul.f32 v6, v1  }
0x290: {  	v22 =	vld [tilespmem:s8+$0x10];
	v20 =	vmul.f32 v12, v5;
	v16 =	vmul.f32 v18, v5  }
0x291: {  	v25 =	vld [tilespmem:s8+$0x0];
	v3 =	vmul.f32 v18, v3;
	v12 =	vtrunc.f32 v6  }
0x292: {  	v24 =	vld [tilespmem:s8+$0xFFFFFC00];
	v5 =	vsub.f32 $1.000000000e+00, v2;
	v18 =	vtrunc.f32 v10;
	v12 =	vcvt.f32.s32 v12  }
0x293: {  	v23 =	vld [tilespmem:s8+$0xFFFFFC10];
	v19 =	vcvt.f32.s32 v18;
	v18 =	vmul.f32 v8, v9  }
0x294: {  	s6 =	simm.s32 $0x9C80;
	s7 =	simm.s32 $0x9C80;
	s1 =	simm.s32 $0xC0;
	v13 =	vld [tilespmem:s2+$0x7E00];
	v21 =	vmul.f32 v5, v20;
	v12 =	vcvt.s32.f32 v12  }
.LBB2_19:
0x295: {  	p0 =	sne.s32 s1, $0x1C0  }
0x296: {  	v19 =	vcvt.s32.f32 v19;
	s6 =	sadd.s32 $0x80, s6;
	v26 =	vld [tilespmem:s8+$0x20];
	v27 =	vmul.f32 v7, v4;
	s9 =	smov.u32 s1;
	s1 =	sadd.s32 $0x40, s1  }
0x297: {  	v28 =	vmul.f32 v15, v4;
	v30 =	vmul.f32 v8, v7;
	v7 =	vmovc v14;
	v15 =	vmov v20;
	v29 =	vld [tilespmem:s8+$0xFFFFFC20]  }
0x298: {  	v20 =	vmul.f32 v8, v11;
	v8 =	vmov v5;
	v14 =	vmul.f32 v17, v25;
	v25 =	vld [tilespmem:s8+$0x30]  }
0x299: {  	v22 =	vmul.f32 v28, v22;
	v5 =	vmul.f32 v17, v24;
	v24 =	vld [tilespmem:s8+$0xFFFFFC30];
	v17 =	vmov v21  }
0x29a: {  	v10 =	vsub.f32 v10, v19;
	v14 =	vadd.f32 $0.0e+00, v14;
	v19 =	vmul.f32 v28, v23;
	v21 =	vld [tilespmem:s8+$0x40]  }
0x29b: {  	v28 =	vmul.f32 v4, v11;
	v11 =	vmovc v16;
	v23 =	vadd.f32 $0.0e+00, v5;
	v26 =	vmul.f32 v26, v20;
	v31 =	vld [tilespmem:s8+$0xFFFFFC40]  }
0x29c: {  	v13 =	vmul.f32 v13, v1;
	v14 =	vadd.f32 v14, v22;
	v16 =	vmul.f32 v20, v29;
	v20 =	vld [tilespmem:s8+$0x50]  }
0x29d: {  	v5 =	vsub.f32 $1.000000000e+00, v10;
	v19 =	vadd.f32 v23, v19;
	v22 =	vmul.f32 v25, v28;
	v23 =	vld [tilespmem:s8+$0xFFFFFC50]  }
0x29e: {  	v25 =	vtrunc.f32 v13;
	v14 =	vadd.f32 v14, v26;
	v24 =	vmul.f32 v24, v28;
	v26 =	vld [tilespmem:s8+$0x60]  }
0x29f: {  	v6 =	vsub.f32 v6, v12;
	v25 =	vcvt.f32.s32 v25;
	v12 =	vadd.f32 v19, v16;
	v16 =	vld [tilespmem:s8+$0xFFFFFC60]  }
0x2a0: {  	v21 =	vmul.f32 v21, v30;
	v14 =	vadd.f32 v14, v22;
	v19 =	vmul.f32 v31, v30;
	v22 =	vld [tilespmem:s8+$0x70]  }
0x2a1: {  	v28 =	vsub.f32 $1.000000000e+00, v6;
	v25 =	vcvt.s32.f32 v25;
	v12 =	vadd.f32 v12, v24;
	v24 =	vld [tilespmem:s8+$0xFFFFFC70];
	s8 =	smov.u32 s7;
	s7 =	smov.u32 s6  }
0x2a2: {  	v20 =	vmul.f32 v20, v27;
	v14 =	vadd.f32 v21, v14;
	v21 =	vmul.f32 v23, v27  }
0x2a3: {  	s9 =	sshra.s32 s9, $0x2;
	v13 =	vsub.f32 v13, v25;
	v12 =	vadd.f32 v12, v19;
	v19 =	vmul.f32 v4, v9;
	v4 =	vmovc v2  }
0x2a4: {  	v2 =	vmovc v10;
	v23 =	vld [tilespmem:s9+$0x7F00];
	v20 =	vadd.f32 v20, v14;
	v25 =	vmul.f32 v16, v18;
	v16 =	vmul.f32 v26, v18  }
0x2a5: {  	v9 =	vmovc v3;
	v18 =	vsub.f32 $1.000000000e+00, v13;
	v14 =	vmul.f32 v28, v13;
	v10 =	vld [tilespmem:s9+$0x7E80];
	v12 =	vadd.f32 v21, v12  }
0x2a6: {  	v21 =	vadd.f32 v16, v20;
	v24 =	vmul.f32 v24, v19;
	v19 =	vmul.f32 v22, v19  }
0x2a7: {  	v20 =	vmul.f32 v28, v18;
	v16 =	vmul.f32 v6, v18;
	v12 =	vadd.f32 v25, v12  }
0x2a8: {  	v3 =	vmul.f32 v6, v13;
	v13 =	vadd.f32 v19, v21  }
0x2a9: {  	v21 =	vmul.f32 v5, v20;
	v12 =	vadd.f32 v24, v12  }
0x2aa: {  	v6 =	vmul.f32 v10, v1;
	[tilespmem:s5+$0xDF80] =	vst v13  }
.Ltmp8:
0x2ab: {  	v10 =	vmul.f32 v23, v1;
	v13 =	vld [tilespmem:s9+$0x7E00];
	[tilespmem:s5+$0xDF00] =	vst v12;
	s5 =	smov.u32 s4;
	s4 =	smov.u32 s2;
	(pc) =	sbr.rel @p0 .LBB2_19-.Ltmp8, $4  }
0x2ac: {  	s2 =	smov.u32 s9;
	v12 =	vtrunc.f32 v6;
	v22 =	vld [tilespmem:s8+$0x10]  }
0x2ad: {  	v18 =	vtrunc.f32 v10;
	v12 =	vcvt.f32.s32 v12;
	v25 =	vld [tilespmem:s8+$0x0]  }
0x2ae: {  	v19 =	vcvt.f32.s32 v18;
	v24 =	vld [tilespmem:s8+$0xFFFFFC00]  }
0x2af: {  	v18 =	vmul.f32 v8, v9;
	v12 =	vcvt.s32.f32 v12;
	v23 =	vld [tilespmem:s8+$0xFFFFFC10]  }
0x2b0: {  	_ = 	snop  }
0x2b1: {  	v26 =	vld [tilespmem:s8+$0x20]  }
0x2b2: {  	v15 =	vmul.f32 v15, v4;
	v27 =	vld [tilespmem:s8+$0xFFFFFC20];
	v25 =	vmul.f32 v17, v25  }
0x2b3: {  	v28 =	vld [tilespmem:s8+$0x30];
	v59 =	vmul.f32 v17, v24  }
0x2b4: {  	v60 =	vmul.f32 v8, v11;
	v29 =	vld [tilespmem:s8+$0xFFFFFC30];
	v22 =	vmul.f32 v15, v22;
	v25 =	vadd.f32 $0.0e+00, v25  }
0x2b5: {  	v61 =	vld [tilespmem:s8+$0x40];
	v15 =	vmul.f32 v15, v23;
	v17 =	vadd.f32 $0.0e+00, v59  }
0x2b6: {  	v62 =	vmul.f32 v4, v11;
	v63 =	vld [tilespmem:s8+$0xFFFFFC40];
	v26 =	vmul.f32 v26, v60;
	v22 =	vadd.f32 v25, v22  }
0x2b7: {  	v32 =	vld [tilespmem:s8+$0x50];
	v24 =	vmul.f32 v60, v27;
	v15 =	vadd.f32 v17, v15  }
0x2b8: {  	v33 =	vmul.f32 v8, v7;
	v35 =	vld [tilespmem:s8+$0xFFFFFC50];
	v34 =	vmul.f32 v28, v62;
	v22 =	vadd.f32 v22, v26  }
0x2b9: {  	v36 =	vld [tilespmem:s8+$0x60];
	v11 =	vmul.f32 v29, v62;
	v15 =	vadd.f32 v15, v24  }
0x2ba: {  	v37 =	vmul.f32 v7, v4;
	v38 =	vld [tilespmem:s8+$0xFFFFFC60];
	v39 =	vmul.f32 v61, v33;
	v17 =	vadd.f32 v22, v34  }
0x2bb: {  	v40 =	vld [tilespmem:s8+$0x70];
	v8 =	vmul.f32 v63, v33;
	v11 =	vadd.f32 v15, v11  }
0x2bc: {  	v41 =	vld [tilespmem:s8+$0xFFFFFC70];
	v42 =	vmul.f32 v32, v37;
	v17 =	vadd.f32 v39, v17  }
0x2bd: {  	v7 =	vmul.f32 v35, v37;
	v8 =	vadd.f32 v11, v8  }
0x2be: {  	v43 =	vmul.f32 v4, v9;
	v45 =	vmul.f32 v36, v18;
	v44 =	vadd.f32 v42, v17  }
0x2bf: {  	v46 =	vmul.f32 v38, v18;
	v7 =	vadd.f32 v7, v8  }
0x2c0: {  	v48 =	vmul.f32 v40, v43;
	v47 =	vadd.f32 v45, v44  }
0x2c1: {  	v4 =	vmul.f32 v41, v43;
	v7 =	vadd.f32 v46, v7  }
0x2c2: {  	v8 =	vadd.f32 v48, v47  }
0x2c3: {  	v4 =	vadd.f32 v4, v7  }
0x2c4: {  	[tilespmem:s5+$0xDF80] =	vst v8  }
0x2c5: {  	[tilespmem:s5+$0xDF00] =	vst v4  }
0x2c6: {  	v4 =	vld [tilespmem:s7+$0x0]  }
0x2c7: {  	v49 =	vld [tilespmem:s7+$0xFFFFFC00]  }
0x2c8: {  	v8 =	vld [tilespmem:s7+$0x10]  }
0x2c9: {  	v50 =	vld [tilespmem:s7+$0xFFFFFC10]  }
0x2ca: {  	v51 =	vld [tilespmem:s7+$0x20]  }
0x2cb: {  	v52 =	vmul.f32 v20, v2;
	v53 =	vld [tilespmem:s7+$0xFFFFFC20];
	v4 =	vmul.f32 v21, v4  }
0x2cc: {  	v54 =	vld [tilespmem:s7+$0x30];
	v7 =	vmul.f32 v21, v49  }
0x2cd: {  	v55 =	vmul.f32 v5, v16;
	v56 =	vld [tilespmem:s7+$0xFFFFFC30];
	v8 =	vmul.f32 v52, v8;
	v4 =	vadd.f32 $0.0e+00, v4  }
0x2ce: {  	v57 =	vld [tilespmem:s7+$0x40];
	v9 =	vmul.f32 v52, v50;
	v7 =	vadd.f32 $0.0e+00, v7  }
0x2cf: {  	v58 =	vmul.f32 v2, v16;
	v59 =	vld [tilespmem:s7+$0xFFFFFC40];
	v11 =	vmul.f32 v51, v55;
	v4 =	vadd.f32 v4, v8  }
0x2d0: {  	v61 =	vld [tilespmem:s7+$0x50];
	v60 =	vmul.f32 v55, v53;
	v7 =	vadd.f32 v7, v9  }
0x2d1: {  	v62 =	vmul.f32 v5, v14;
	v63 =	vld [tilespmem:s7+$0xFFFFFC50];
	v18 =	vmul.f32 v54, v58;
	v4 =	vadd.f32 v4, v11  }
0x2d2: {  	v25 =	vld [tilespmem:s7+$0x60];
	v24 =	vmul.f32 v56, v58;
	v7 =	vadd.f32 v7, v60  }
0x2d3: {  	v26 =	vmul.f32 v14, v2;
	v27 =	vld [tilespmem:s7+$0xFFFFFC60];
	v15 =	vmul.f32 v57, v62;
	v4 =	vadd.f32 v4, v18  }
0x2d4: {  	v1 =	vmul.f32 v13, v1;
	v28 =	vld [tilespmem:s7+$0x70];
	v9 =	vmul.f32 v59, v62;
	v7 =	vadd.f32 v7, v24  }
0x2d5: {  	v29 =	vmul.f32 v5, v3;
	v30 =	vld [tilespmem:s7+$0xFFFFFC70];
	v31 =	vmul.f32 v61, v26;
	v4 =	vadd.f32 v15, v4  }
0x2d6: {  	v32 =	vtrunc.f32 v1;
	v8 =	vmul.f32 v63, v26;
	v7 =	vadd.f32 v7, v9  }
0x2d7: {  	v2 =	vmul.f32 v2, v3;
	v33 =	vmul.f32 v25, v29;
	v3 =	vadd.f32 v31, v4  }
0x2d8: {  	v34 =	vcvt.f32.s32 v32;
	v5 =	vmul.f32 v27, v29;
	v7 =	vadd.f32 v8, v7  }
0x2d9: {  	v35 =	vmul.f32 v28, v2;
	v3 =	vadd.f32 v33, v3  }
0x2da: {  	v36 =	vcvt.s32.f32 v34;
	v2 =	vmul.f32 v30, v2;
	v5 =	vadd.f32 v5, v7  }
0x2db: {  	v6 =	vsub.f32 v6, v12;
	v37 =	vcvt.s32.f32 v19;
	v3 =	vadd.f32 v35, v3  }
0x2dc: {  	v1 =	vsub.f32 v1, v36;
	v2 =	vadd.f32 v2, v5  }
0x2dd: {  	v38 =	vsub.f32 v10, v37;
	[tilespmem:s4+$0xDF80] =	vst v3  }
0x2de: {  	s1 =	sadd.s32 $0x80, s6;
	v39 =	vsub.f32 $1.000000000e+00, v1;
	v3 =	vsub.f32 $1.000000000e+00, v6;
	[tilespmem:s4+$0xDF00] =	vst v2  }
0x2df: {  	v2 =	vld [tilespmem:s1+$0x0]  }
0x2e0: {  	v7 =	vsub.f32 $1.000000000e+00, v38;
	v41 =	vld [tilespmem:s1+$0xFFFFFC00];
	v40 =	vmul.f32 v3, v39  }
0x2e1: {  	v42 =	vld [tilespmem:s1+$0x10]  }
0x2e2: {  	v44 =	vld [tilespmem:s1+$0xFFFFFC10];
	v43 =	vmul.f32 v7, v40  }
0x2e3: {  	v5 =	vmul.f32 v6, v39;
	v45 =	vld [tilespmem:s1+$0x20]  }
0x2e4: {  	v46 =	vld [tilespmem:s1+$0xFFFFFC20];
	v8 =	vmul.f32 v40, v38;
	v2 =	vmul.f32 v43, v2  }
0x2e5: {  	v47 =	vld [tilespmem:s1+$0x30];
	v9 =	vmul.f32 v43, v41  }
0x2e6: {  	v48 =	vmul.f32 v7, v5;
	v49 =	vld [tilespmem:s1+$0xFFFFFC30];
	v10 =	vmul.f32 v8, v42;
	v2 =	vadd.f32 $0.0e+00, v2  }
0x2e7: {  	v5 =	vmul.f32 v38, v5;
	v50 =	vld [tilespmem:s1+$0x40];
	v8 =	vmul.f32 v8, v44;
	v9 =	vadd.f32 $0.0e+00, v9  }
0x2e8: {  	v51 =	vld [tilespmem:s1+$0xFFFFFC40];
	v3 =	vmul.f32 v3, v1;
	v13 =	vmul.f32 v45, v48;
	v2 =	vadd.f32 v2, v10  }
0x2e9: {  	v53 =	vld [tilespmem:s1+$0x50];
	v52 =	vmul.f32 v48, v46;
	v8 =	vadd.f32 v9, v8  }
0x2ea: {  	v56 =	vld [tilespmem:s1+$0xFFFFFC50];
	v54 =	vmul.f32 v7, v3;
	v55 =	vmul.f32 v47, v5;
	v2 =	vadd.f32 v2, v13  }
0x2eb: {  	v57 =	vld [tilespmem:s1+$0x60];
	v1 =	vmul.f32 v6, v1;
	v5 =	vmul.f32 v49, v5;
	v8 =	vadd.f32 v8, v52  }
0x2ec: {  	v58 =	vld [tilespmem:s1+$0xFFFFFC60];
	v3 =	vmul.f32 v3, v38;
	v12 =	vmul.f32 v50, v54;
	v2 =	vadd.f32 v2, v55  }
0x2ed: {  	v59 =	vld [tilespmem:s1+$0x70];
	v9 =	vmul.f32 v51, v54;
	v5 =	vadd.f32 v8, v5  }
0x2ee: {  	v60 =	vld [tilespmem:s1+$0xFFFFFC70];
	v7 =	vmul.f32 v7, v1;
	v11 =	vmul.f32 v53, v3;
	v2 =	vadd.f32 v12, v2  }
0x2ef: {  	v3 =	vmul.f32 v56, v3;
	v5 =	vadd.f32 v5, v9  }
0x2f0: {  	v1 =	vmul.f32 v38, v1;
	v61 =	vmul.f32 v57, v7;
	v2 =	vadd.f32 v11, v2  }
0x2f1: {  	s6 =	rddreg [dreg:$0xd];
	v62 =	vmul.f32 v58, v7;
	v3 =	vadd.f32 v3, v5  }
0x2f2: {  	s7 =	sshll.u32 s6, $0x5;
	s6 =	sadd.s32 $0x1, s6;
	v63 =	vmul.f32 v59, v1;
	v2 =	vadd.f32 v61, v2  }
0x2f3: {  	p0 =	sne.s32 s6, $0x8;
	v1 =	vmul.f32 v60, v1;
	v3 =	vadd.f32 v62, v3  }
.Ltmp9:
0x2f4: {  	s8 =	rddreg [dreg:$0xe];
	v2 =	vadd.f32 v63, v2;
	(pc) =	sbr.rel @p0 .LBB2_2-.Ltmp9, $4  }
0x2f5: {  	s9 =	rddreg [dreg:$0x8];
	s4 =	sshll.u32 s8, $0xF;
	s1 =	sand.u32 $0x60, s7;
	v1 =	vadd.f32 v1, v3  }
0x2f6: {  	s10 =	simm.s32 $0x100;
	s4 =	sand.u32 $0x60000, s4;
	s1 =	sadd.s32 s1, s9;
	[tilespmem:s2+$0xDF80] =	vst v2  }
0x2f7: {  	s11 =	simm.s32 $0x400;
	s12 =	simm.s32 $0xA000;
	s1 =	sadd.s32 s4, s1;
	[tilespmem:s2+$0xDF00] =	vst v1  }
0x2f8: {  	[hbm4b:s1+s10] =	stream.strided.scatter [tilespmem:s12], [sflag:$0x3], $0x4000, s11, s10, $0x38;
	[tilespmem:$0x1E000] =	vst v63  }
0x2f9: {  	s2 =	simm.s32 $0x3  }
0x2fa: {  	_ =	swait.ge [sflag:s2], $0x4000  }
0x2fb: {  	s4 =	rddreg [dreg:$0xc]  }
0x2fc: {  	s1 =	rddreg [dreg:$0x9];
	s4 =	sadd.s32 $0x1, s4  }
0x2fd: {  	p0 =	sne.s32 s4, s1  }
.Ltmp10:
0x2fe: {  	_ = 	snop;
	(pc) =	sbr.rel @p0 .LBB2_1-.Ltmp10, $3  }
0x2ff: {  	_ =	sdelay $0x1  }
0x300: {  	[sflag:s2] =	ssyncset.done $0x0  }
0x301: {  	[sflag:s2] =	ssyncadd.s32 $0xFFFFC000  }
0x302: {  	_ =	sfence.sel $0x180000  }
0x303: {  	[bflag:$0x0] =	sbarrier.arrive $0xFFFF  }
0x304: {  	_ =	strace $0x90000047  }
0x305: {  	s0 =	stileid.u32;
	[bflag:$0x2] =	sbarrier.arrive $0xFFFF  }
0x306: {  	p0 =	sne.s32 s0, $0x0;
	s0 =	rddreg [dreg:$0x4]  }
0x307: {  	s0 =	sadd.s32 @!p0 $0x100000, s0  }
0x308: {  	[sflag:s0] =	ssyncadd.tile.s32 @!p0 $0x1;
	_ =	shalt  }
.Lfunc_end2:
_tile_overlayer_lowered:
.L_overlay_start_2:
0x309: {  	(tag) =	ssettag $0x2  }
0x30a: {  	s0 =	rddreg [dreg:$0x0];
	s2 =	stileid.u32  }
0x30b: {  	s1 =	rddreg [dreg:$0x1];
	p0 =	sne.s32 s2, $0x0  }
0x30c: {  	s3 =	rddreg [dreg:$0x2];
	[bflag:$0x3] =	sbarrier.arrive $0xFFFF;
	s2 =	simm.s32 @!p0 $0x1C04  }
0x30d: {  	[timem:s3], [sflag:s2] =	dma.local @!p0 [hbm:s0], s1  }
0x30e: {  	s0 =	simm.s32 @!p0 $0x4  }
0x30f: {  	_ =	swait.ge @!p0 [sflag:s0], s1  }
0x310: {  	s1 =	ssub.s32 @!p0 $0x0, s1;
	[sflag:s0] =	ssyncset.done @!p0 $0x0  }
0x311: {  	[sflag:s0] =	ssyncadd.s32 @!p0 s1  }
0x312: {  	[bflag:$0x3] =	sbarrier.arrive $0xFFFF  }
0x313: {  	_ =	shalt  }

</sc_bundles>
